<compile_context>
chip_gen: v7x
topology: tpu7x:2x2x1
jax: 0.10.2.dev20260603
libtpu: 0.0.44.dev20260713+nightly
codegen_flags: <defaults>
</compile_context>

<pallas_src>
import jax
import jax.numpy as jnp
from jax import lax
from jax.experimental import pallas as pl
from jax.experimental.pallas import tpu as pltpu
from jax.experimental.pallas import tpu_sc as plsc

N = 10000
E = 320000
D = 128
H = 64
CP = 16
DR = 640

NC = 2
NS = 16
NW = NC * NS
CH = 80
CPW = E // (CH * NW)
NA = N
RPT = 640
RPT_LAST = N - (NS - 1) * RPT
BLK = 2000
GRID = N // BLK



def _make_sc_aggregate(width, with_deg, out_width=None):
  out_width = out_width or width
  mesh = plsc.VectorSubcoreMesh(
      core_axis_name="c", subcore_axis_name="s", num_cores=NC, num_subcores=NS)
  out_type = [jax.ShapeDtypeStruct((NC, N, out_width), jnp.float32)]
  scratch = [
      pltpu.VMEM((CPW, CH), jnp.int32),
      pltpu.VMEM((CPW, CH), jnp.int32),
      pltpu.VMEM((CH, width), jnp.float32),
      pltpu.VMEM((CH, width), jnp.float32),
      pltpu.VMEM((CH, width), jnp.float32),
      pltpu.VMEM((CH, width), jnp.float32),
      pltpu.VMEM_SHARED((NA, width), jnp.float32),
      pltpu.SemaphoreType.DMA,
      pltpu.SemaphoreType.DMA,
      pltpu.SemaphoreType.DMA,
      pltpu.SemaphoreType.DMA,
      pltpu.SemaphoreType.DMA,
      pltpu.SemaphoreType.DMA,
      pltpu.SemaphoreType.DMA,
      pltpu.SemaphoreType.DMA,
      pltpu.SemaphoreType.DMA,
  ]
  if with_deg:
    out_type.append(jax.ShapeDtypeStruct((NC, DR, CP), jnp.float32))
    scratch += [
        pltpu.VMEM((DR, CP), jnp.float32),
        pltpu.VMEM_SHARED((DR, CP), jnp.float32),
        pltpu.VMEM((DR // 128, 128), jnp.int32),
    ]

  def _deg_accum(deg2d, didx, j):
    one = jnp.ones((16,), jnp.float32)
    for k in range(CH // 16):
      dstv = didx[j, pl.ds(k * 16, 16)]
      plsc.addupdate_scatter(
          deg2d, [lax.shift_right_logical(dstv, 4),
                  jnp.bitwise_and(dstv, 15)], one)

  def _body(y_hbm, src_hbm, dst_hbm, zacc_hbm, zdeg_hbm, iota_hbm,
            acc_out, deg_out, sidx, didx, bufs, acc,
            gsems, ssems, zsem, deg2d, dega, iota_v):
    c = lax.axis_index("c")
    s = lax.axis_index("s")
    wid = c * NS + s
    row0 = s * RPT

    def _gather(chunk, b):
      pltpu.async_copy(y_hbm.at[sidx.at[chunk]], bufs[b], gsems[b])

    def _wait_gather(chunk, b):
      pltpu.make_async_copy(y_hbm.at[sidx.at[chunk]], bufs[b], gsems[b]).wait()

    def _scatter(chunk, b):
      pltpu.async_copy(bufs[b], acc.at[didx.at[chunk]], sem=ssems[b], add=True)

    def _wait_scatter(chunk, b):
      pltpu.make_async_copy(
          bufs[b], acc.at[didx.at[chunk]], ssems[b]).wait()

    pltpu.sync_copy(src_hbm.at[wid], sidx)
    pltpu.sync_copy(dst_hbm.at[wid], didx)
    _gather(0, 0)
    _gather(1, 1)
    inits = []

    def _init(nrows):
      pltpu.async_copy(zacc_hbm.at[pl.ds(row0, nrows)],
                       acc.at[pl.ds(row0, nrows)], zsem)

    pl.when(s < NS - 1)(lambda: _init(RPT))
    pl.when(s == NS - 1)(lambda: _init(RPT_LAST))
    if with_deg:
      drow = s * (DR // NS)
      inits.append(pltpu.async_copy(zdeg_hbm.at[pl.ds(0, DR)], deg2d, zsem))
      inits.append(pltpu.async_copy(zdeg_hbm.at[pl.ds(drow, DR // NS)],
                                    dega.at[pl.ds(drow, DR // NS)], zsem))
      inits.append(pltpu.async_copy(iota_hbm, iota_v, zsem))
    for d in inits:
      d.wait()
    pl.when(s < NS - 1)(
        lambda: pltpu.make_async_copy(zacc_hbm.at[pl.ds(row0, RPT)],
                                      acc.at[pl.ds(row0, RPT)], zsem).wait())
    pl.when(s == NS - 1)(
        lambda: pltpu.make_async_copy(zacc_hbm.at[pl.ds(row0, RPT_LAST)],
                                      acc.at[pl.ds(row0, RPT_LAST)],
                                      zsem).wait())
    plsc.subcore_barrier()

    @pl.loop(0, CPW - 1, step=4)
    def _loop(j):
      pl.when(j > 0)(lambda: _wait_scatter(j - 2, 2))
      _gather(j + 2, 2)
      pl.when(j > 0)(lambda: _wait_scatter(j - 1, 3))
      _gather(j + 3, 3)
      _wait_gather(j, 0)
      _scatter(j, 0)
      if with_deg:
        _deg_accum(deg2d, didx, j)
      _wait_gather(j + 1, 1)
      _scatter(j + 1, 1)
      if with_deg:
        _deg_accum(deg2d, didx, j + 1)
      _wait_scatter(j, 0)
      _gather(j + 4, 0)
      pl.when(j < CPW - 5)(lambda: (_wait_scatter(j + 1, 1),
                                    _gather(j + 5, 1), None)[-1])
      _wait_gather(j + 2, 2)
      _scatter(j + 2, 2)
      if with_deg:
        _deg_accum(deg2d, didx, j + 2)
      _wait_gather(j + 3, 3)
      _scatter(j + 3, 3)
      if with_deg:
        _deg_accum(deg2d, didx, j + 3)

    _wait_gather(CPW - 1, 0)
    _scatter(CPW - 1, 0)
    if with_deg:
      _deg_accum(deg2d, didx, CPW - 1)
    _wait_scatter(CPW - 4, 1)
    _wait_scatter(CPW - 3, 2)
    _wait_scatter(CPW - 2, 3)
    _wait_scatter(CPW - 1, 0)
    if with_deg:
      for b in range(DR // 128):
        pltpu.sync_copy(deg2d.at[pl.ds(b * 128, 128)],
                        dega.at[iota_v.at[b]], add=True)

    plsc.subcore_barrier()

    def _copy_out(nrows):
      if out_width == width:
        pltpu.sync_copy(acc.at[pl.ds(row0, nrows)],
                        acc_out.at[c, pl.ds(row0, nrows)])
      else:
        pltpu.sync_copy(acc.at[pl.ds(row0, nrows)],
                        acc_out.at[c, pl.ds(row0, nrows), pl.ds(0, width)])

    pl.when(s < NS - 1)(lambda: _copy_out(RPT))
    pl.when(s == NS - 1)(lambda: _copy_out(RPT_LAST))
    if with_deg:
      drow = s * (DR // NS)
      pltpu.sync_copy(dega.at[pl.ds(drow, DR // NS)],
                      deg_out.at[c, pl.ds(drow, DR // NS)])

  if with_deg:
    def fn(y_hbm, src_hbm, dst_hbm, zacc_hbm, zdeg_hbm, iota_hbm,
           acc_out, deg_out, sidx, didx, b0, b1, b2, b3, acc,
           g0, g1, g2, g3, s0, s1, s2, s3, zsem, deg2d, dega, iota_v):
      _body(y_hbm, src_hbm, dst_hbm, zacc_hbm, zdeg_hbm, iota_hbm,
            acc_out, deg_out, sidx, didx, (b0, b1, b2, b3), acc,
            (g0, g1, g2, g3), (s0, s1, s2, s3), zsem, deg2d, dega, iota_v)
    out = tuple(out_type)
  else:
    def fn(y_hbm, src_hbm, dst_hbm, zacc_hbm,
           acc_out, sidx, didx, b0, b1, b2, b3, acc,
           g0, g1, g2, g3, s0, s1, s2, s3, zsem):
      _body(y_hbm, src_hbm, dst_hbm, zacc_hbm, None, None,
            acc_out, None, sidx, didx, (b0, b1, b2, b3), acc,
            (g0, g1, g2, g3), (s0, s1, s2, s3), zsem, None, None, None)
    out = out_type[0]

  return pl.kernel(
      fn,
      out_type=out,
      mesh=mesh,
      scratch_types=scratch,
      compiler_params=pltpu.CompilerParams(
          use_tc_tiling_on_sc=False, needs_layout_passes=False),
  )


_SC_CACHE = {}


def _sc_aggregate(width, with_deg, out_width=None):
  key = (width, with_deg, out_width)
  if key not in _SC_CACHE:
    _SC_CACHE[key] = _make_sc_aggregate(width, with_deg, out_width)
  return _SC_CACHE[key]



def _tc1_body(x_ref, w_ref, b_ref, y_ref, r_ref):
  yr = jnp.dot(x_ref[...], w_ref[...], preferred_element_type=jnp.float32)
  y_ref[...] = yr[:, :H]
  r_ref[...] = yr[:, H:] + b_ref[...]


_tc1 = pl.pallas_call(
    _tc1_body,
    grid=(GRID,),
    in_specs=[
        pl.BlockSpec((BLK, D), lambda i: (i, 0)),
        pl.BlockSpec((D, 2 * H), lambda i: (0, 0)),
        pl.BlockSpec((1, H), lambda i: (0, 0)),
    ],
    out_specs=[
        pl.BlockSpec((BLK, H), lambda i: (i, 0)),
        pl.BlockSpec((BLK, H), lambda i: (i, 0)),
    ],
    out_shape=[
        jax.ShapeDtypeStruct((N, H), jnp.float32),
        jax.ShapeDtypeStruct((N, H), jnp.float32),
    ],
)


def _tc2_body(accp_ref, degp_ref, r1_ref, w_ref, b_ref, y2_ref, r2_ref):
  acc = accp_ref[0, :, :H] + accp_ref[1, :, :H]
  deg = degp_ref[0] + degp_ref[1]
  h = jnp.maximum(acc / jnp.maximum(deg, 1.0) + r1_ref[...], 0.0)
  yr = jnp.dot(h, w_ref[...], preferred_element_type=jnp.float32)
  y2_ref[...] = yr[:, :CP]
  r2_ref[...] = yr[:, CP:] + b_ref[...]


_tc2 = pl.pallas_call(
    _tc2_body,
    grid=(GRID,),
    in_specs=[
        pl.BlockSpec((NC, BLK, 2 * H), lambda i: (0, i, 0)),
        pl.BlockSpec((NC, BLK, 1), lambda i: (0, i, 0)),
        pl.BlockSpec((BLK, H), lambda i: (i, 0)),
        pl.BlockSpec((H, 2 * CP), lambda i: (0, 0)),
        pl.BlockSpec((1, CP), lambda i: (0, 0)),
    ],
    out_specs=[
        pl.BlockSpec((BLK, CP), lambda i: (i, 0)),
        pl.BlockSpec((BLK, CP), lambda i: (i, 0)),
    ],
    out_shape=[
        jax.ShapeDtypeStruct((N, CP), jnp.float32),
        jax.ShapeDtypeStruct((N, CP), jnp.float32),
    ],
)


def _tc3_body(accp_ref, degp_ref, r2_ref, out_ref):
  acc = accp_ref[0, :, :CP] + accp_ref[1, :, :CP]
  deg = degp_ref[0] + degp_ref[1]
  o = acc / jnp.maximum(deg, 1.0) + r2_ref[...]
  valid = lax.broadcasted_iota(jnp.int32, o.shape, 1) < 8
  om = jnp.where(valid, o, -jnp.inf)
  m = jnp.max(om, axis=1, keepdims=True)
  e = jnp.where(valid, jnp.exp(o - m), 0.0)
  lse = jnp.log(jnp.sum(e, axis=1, keepdims=True)) + m
  out_ref[...] = (o - lse)[:, :8]


_tc3 = pl.pallas_call(
    _tc3_body,
    grid=(GRID,),
    in_specs=[
        pl.BlockSpec((NC, BLK, 2 * H), lambda i: (0, i, 0)),
        pl.BlockSpec((NC, BLK, 1), lambda i: (0, i, 0)),
        pl.BlockSpec((BLK, CP), lambda i: (i, 0)),
    ],
    out_specs=pl.BlockSpec((BLK, 8), lambda i: (i, 0)),
    out_shape=jax.ShapeDtypeStruct((N, 8), jnp.float32),
)


def kernel(x, edge_index, Wl1, Wr1, b1, Wl2, Wr2, b2):
  src2d = edge_index[0].reshape(NW, CPW, CH)
  dst2d = edge_index[1].reshape(NW, CPW, CH)
  zH = jnp.zeros((N, H), jnp.float32)
  zC = jnp.zeros((N, CP), jnp.float32)
  iota = jnp.arange(DR, dtype=jnp.int32).reshape(DR // 128, 128)

  y1, r1 = _tc1(x, jnp.concatenate([Wl1, Wr1], axis=1), b1.reshape(1, H))
  accp, degg = _sc_aggregate(H, True, 2 * H)(y1, src2d, dst2d, zH, zC, iota)
  degp = degg.reshape(NC, DR * CP)[:, :N].reshape(NC, N, 1)

  W2 = jnp.concatenate(
      [jnp.pad(Wl2, ((0, 0), (0, CP - 8))),
       jnp.pad(Wr2, ((0, 0), (0, CP - 8)))], axis=1)
  b2p = jnp.pad(b2, (0, CP - 8)).reshape(1, CP)
  y2, r2 = _tc2(accp, degp, r1, W2, b2p)

  acc2p = _sc_aggregate(CP, False, 2 * H)(y2, src2d, dst2d, zC)
  return _tc3(acc2p, degp, r2)

# --- scband reference (transcript-rebuilt; emitter-appended) ---
"""Pipeline reference for scband-graph-sage-84945863180938 (READ-ONLY COPY).

The authoritative reference and input builder live on the scoring server;
editing this copy changes nothing except your own understanding.
"""

import jax, jax.numpy as jnp
import numpy as np

N = 10000
E = 320000
D = 128
H = 64
C = 8


def setup_inputs(seed: int = 0) -> dict:
    key = jax.random.key(seed)
    ks = jax.random.split(key, 9)
    x = jax.random.normal(ks[0], (N, D), dtype=jnp.float32)
    edge_index = jax.random.randint(ks[1], (2, E), 0, N, dtype=jnp.int32)
    # SAGEConv params: lin_l applied to aggregated neighbors (has bias), lin_r to root (no bias)
    s1 = 1.0 / np.sqrt(D)
    s2 = 1.0 / np.sqrt(H)
    Wl1 = jax.random.uniform(ks[2], (D, H), jnp.float32, -s1, s1)
    Wr1 = jax.random.uniform(ks[3], (D, H), jnp.float32, -s1, s1)
    b1 = jax.random.uniform(ks[4], (H,), jnp.float32, -s1, s1)
    Wl2 = jax.random.uniform(ks[5], (H, C), jnp.float32, -s2, s2)
    Wr2 = jax.random.uniform(ks[6], (H, C), jnp.float32, -s2, s2)
    b2 = jax.random.uniform(ks[7], (C,), jnp.float32, -s2, s2)
    return {"x": x, "edge_index": edge_index, "Wl1": Wl1, "Wr1": Wr1, "b1": b1, "Wl2": Wl2, "Wr2": Wr2, "b2": b2}


def _sage_conv(x, edge_index, Wl, Wr, b):
    src = edge_index[0]
    dst = edge_index[1]
    msg = jnp.take(x, src, axis=0)                       # gather from source nodes
    agg = jax.ops.segment_sum(msg, dst, num_segments=N)  # scatter-add by dst
    deg = jax.ops.segment_sum(jnp.ones((E,), x.dtype), dst, num_segments=N)
    mean = agg / jnp.clip(deg, 1.0)[:, None]             # mean aggregation
    return mean @ Wl + x @ Wr + b


def reference(x, edge_index, Wl1, Wr1, b1, Wl2, Wr2, b2):
    h = _sage_conv(x, edge_index, Wl1, Wr1, b1)
    h = jax.nn.relu(h)
    # dropout(p=0.6) is identity in eval mode
    out = _sage_conv(h, edge_index, Wl2, Wr2, b2)
    return jax.nn.log_softmax(out, axis=1)

if __name__ == "__main__":
    import jax
    _d = setup_inputs()
    print(jax.jit(kernel)(*tuple(_d.values())))

</pallas_src>

<mosaic_0001>
#map = affine_map<(d0, d1) -> (0, 0)>
#map1 = affine_map<(d0, d1) -> (0, 0, 0)>
module attributes {stable_mosaic.version = 14 : i64} {
  func.func @fn(%arg0: i32, %arg1: i32, %arg2: memref<10000x64xf32, #tpu.memory_space<hbm>>, %arg3: memref<32x125x80xi32, #tpu.memory_space<hbm>>, %arg4: memref<32x125x80xi32, #tpu.memory_space<hbm>>, %arg5: memref<10000x64xf32, #tpu.memory_space<hbm>>, %arg6: memref<10000x16xf32, #tpu.memory_space<hbm>>, %arg7: memref<5x128xi32, #tpu.memory_space<hbm>>, %arg8: memref<2x10000x128xf32, #tpu.memory_space<hbm>>, %arg9: memref<2x640x16xf32, #tpu.memory_space<hbm>>, %arg10: memref<125x80xi32, #tpu.memory_space<vmem>>, %arg11: memref<125x80xi32, #tpu.memory_space<vmem>>, %arg12: memref<80x64xf32, #tpu.memory_space<vmem>>, %arg13: memref<80x64xf32, #tpu.memory_space<vmem>>, %arg14: memref<80x64xf32, #tpu.memory_space<vmem>>, %arg15: memref<80x64xf32, #tpu.memory_space<vmem>>, %arg16: memref<10000x64xf32, #tpu.memory_space<vmem_shared>>, %arg17: memref<!tpu.dma_semaphore, #tpu.memory_space<semaphore_mem>>, %arg18: memref<!tpu.dma_semaphore, #tpu.memory_space<semaphore_mem>>, %arg19: memref<!tpu.dma_semaphore, #tpu.memory_space<semaphore_mem>>, %arg20: memref<!tpu.dma_semaphore, #tpu.memory_space<semaphore_mem>>, %arg21: memref<!tpu.dma_semaphore, #tpu.memory_space<semaphore_mem>>, %arg22: memref<!tpu.dma_semaphore, #tpu.memory_space<semaphore_mem>>, %arg23: memref<!tpu.dma_semaphore, #tpu.memory_space<semaphore_mem>>, %arg24: memref<!tpu.dma_semaphore, #tpu.memory_space<semaphore_mem>>, %arg25: memref<!tpu.dma_semaphore, #tpu.memory_space<semaphore_mem>>, %arg26: memref<640x16xf32, #tpu.memory_space<vmem>>, %arg27: memref<640x16xf32, #tpu.memory_space<vmem_shared>>, %arg28: memref<5x128xi32, #tpu.memory_space<vmem>>) attributes {dimension_semantics = [#tpu.dimension_semantics<core_parallel>, #tpu.dimension_semantics<subcore_parallel>], iteration_bounds = array<i64: 2, 16>, scalar_prefetch = 0 : i64, scratch_operands = 19 : i64, tpu.core_type = #tpu.core_type<sc_vector_subcore>, window_params = [{transform_indices = #map}, {transform_indices = #map1}, {transform_indices = #map1}, {transform_indices = #map}, {transform_indices = #map}, {transform_indices = #map}, {transform_indices = #map1}, {transform_indices = #map1}]} {
    %mul3A = arith.constant 16 : i32
    %mul3A_0 = arith.muli %arg0, %mul3A : i32
    %add3A = arith.addi %mul3A_0, %arg1 : i32
    %mul3A_1 = arith.constant 640 : i32
    %mul3A_2 = arith.muli %arg1, %mul3A_1 : i32
    "tpu.region"() ({
      %run_scoped3A_164 = tpu.sem_alloc : memref<!tpu.dma_semaphore, #tpu.memory_space<semaphore_mem>>
      %dma_start3A_165 = arith.constant 0 : i32
      %dma_start3A_166 = arith.constant 0 : i32
      %dma_start3A_167 = tpu.memref_slice %arg3[%add3A, %dma_start3A_165, %dma_start3A_166] : memref<32x125x80xi32, #tpu.memory_space<hbm>> -> memref<1x125x80xi32, #tpu.memory_space<hbm>>
      %dma_start3A_168 = tpu.memref_squeeze %dma_start3A_167 : memref<1x125x80xi32, #tpu.memory_space<hbm>> -> memref<125x80xi32, #tpu.memory_space<hbm>>
      %dma_start3A_169 = arith.constant 0 : i32
      %dma_start3A_170 = arith.constant 0 : i32
      %dma_start3A_171 = tpu.memref_slice %arg3[%add3A, %dma_start3A_169, %dma_start3A_170] : memref<32x125x80xi32, #tpu.memory_space<hbm>> -> memref<1x125x80xi32, #tpu.memory_space<hbm>>
      %dma_start3A_172 = tpu.memref_squeeze %dma_start3A_171 : memref<1x125x80xi32, #tpu.memory_space<hbm>> -> memref<125x80xi32, #tpu.memory_space<hbm>>
      tpu.enqueue_dma source(%dma_start3A_172 : memref<125x80xi32, #tpu.memory_space<hbm>>) target(%arg10 : memref<125x80xi32, #tpu.memory_space<vmem>>) target_semaphore(%run_scoped3A_164 : memref<!tpu.dma_semaphore, #tpu.memory_space<semaphore_mem>>)
      %dma_wait3A_173 = arith.constant 0 : i32
      %dma_wait3A_174 = arith.constant 0 : i32
      %dma_wait3A_175 = tpu.memref_slice %arg3[%add3A, %dma_wait3A_173, %dma_wait3A_174] : memref<32x125x80xi32, #tpu.memory_space<hbm>> -> memref<1x125x80xi32, #tpu.memory_space<hbm>>
      %dma_wait3A_176 = tpu.memref_squeeze %dma_wait3A_175 : memref<1x125x80xi32, #tpu.memory_space<hbm>> -> memref<125x80xi32, #tpu.memory_space<hbm>>
      %dma_wait3A_177 = arith.constant 0 : i32
      %dma_wait3A_178 = arith.constant 0 : i32
      %dma_wait3A_179 = tpu.memref_slice %arg3[%add3A, %dma_wait3A_177, %dma_wait3A_178] : memref<32x125x80xi32, #tpu.memory_space<hbm>> -> memref<1x125x80xi32, #tpu.memory_space<hbm>>
      %dma_wait3A_180 = tpu.memref_squeeze %dma_wait3A_179 : memref<1x125x80xi32, #tpu.memory_space<hbm>> -> memref<125x80xi32, #tpu.memory_space<hbm>>
      tpu.wait_dma2 semaphore(%run_scoped3A_164 : memref<!tpu.dma_semaphore, #tpu.memory_space<semaphore_mem>>) src(%dma_wait3A_180 : memref<125x80xi32, #tpu.memory_space<hbm>>) dst(%arg10 : memref<125x80xi32, #tpu.memory_space<vmem>>)
      tpu.yield
    }) : () -> ()
    "tpu.region"() ({
      %run_scoped3A_164 = tpu.sem_alloc : memref<!tpu.dma_semaphore, #tpu.memory_space<semaphore_mem>>
      %dma_start3A_165 = arith.constant 0 : i32
      %dma_start3A_166 = arith.constant 0 : i32
      %dma_start3A_167 = tpu.memref_slice %arg4[%add3A, %dma_start3A_165, %dma_start3A_166] : memref<32x125x80xi32, #tpu.memory_space<hbm>> -> memref<1x125x80xi32, #tpu.memory_space<hbm>>
      %dma_start3A_168 = tpu.memref_squeeze %dma_start3A_167 : memref<1x125x80xi32, #tpu.memory_space<hbm>> -> memref<125x80xi32, #tpu.memory_space<hbm>>
      %dma_start3A_169 = arith.constant 0 : i32
      %dma_start3A_170 = arith.constant 0 : i32
      %dma_start3A_171 = tpu.memref_slice %arg4[%add3A, %dma_start3A_169, %dma_start3A_170] : memref<32x125x80xi32, #tpu.memory_space<hbm>> -> memref<1x125x80xi32, #tpu.memory_space<hbm>>
      %dma_start3A_172 = tpu.memref_squeeze %dma_start3A_171 : memref<1x125x80xi32, #tpu.memory_space<hbm>> -> memref<125x80xi32, #tpu.memory_space<hbm>>
      tpu.enqueue_dma source(%dma_start3A_172 : memref<125x80xi32, #tpu.memory_space<hbm>>) target(%arg11 : memref<125x80xi32, #tpu.memory_space<vmem>>) target_semaphore(%run_scoped3A_164 : memref<!tpu.dma_semaphore, #tpu.memory_space<semaphore_mem>>)
      %dma_wait3A_173 = arith.constant 0 : i32
      %dma_wait3A_174 = arith.constant 0 : i32
      %dma_wait3A_175 = tpu.memref_slice %arg4[%add3A, %dma_wait3A_173, %dma_wait3A_174] : memref<32x125x80xi32, #tpu.memory_space<hbm>> -> memref<1x125x80xi32, #tpu.memory_space<hbm>>
      %dma_wait3A_176 = tpu.memref_squeeze %dma_wait3A_175 : memref<1x125x80xi32, #tpu.memory_space<hbm>> -> memref<125x80xi32, #tpu.memory_space<hbm>>
      %dma_wait3A_177 = arith.constant 0 : i32
      %dma_wait3A_178 = arith.constant 0 : i32
      %dma_wait3A_179 = tpu.memref_slice %arg4[%add3A, %dma_wait3A_177, %dma_wait3A_178] : memref<32x125x80xi32, #tpu.memory_space<hbm>> -> memref<1x125x80xi32, #tpu.memory_space<hbm>>
      %dma_wait3A_180 = tpu.memref_squeeze %dma_wait3A_179 : memref<1x125x80xi32, #tpu.memory_space<hbm>> -> memref<125x80xi32, #tpu.memory_space<hbm>>
      tpu.wait_dma2 semaphore(%run_scoped3A_164 : memref<!tpu.dma_semaphore, #tpu.memory_space<semaphore_mem>>) src(%dma_wait3A_180 : memref<125x80xi32, #tpu.memory_space<hbm>>) dst(%arg11 : memref<125x80xi32, #tpu.memory_space<vmem>>)
      tpu.yield
    }) : () -> ()
    %dma_start3A = arith.constant 0 : i32
    %dma_start3A_3 = arith.constant 0 : i32
    %dma_start3A_4 = tpu.memref_slice %arg10[%dma_start3A, %dma_start3A_3] : memref<125x80xi32, #tpu.memory_space<vmem>> -> memref<1x80xi32, #tpu.memory_space<vmem>>
    %dma_start3A_5 = tpu.memref_squeeze %dma_start3A_4 : memref<1x80xi32, #tpu.memory_space<vmem>> -> memref<80xi32, #tpu.memory_space<vmem>>
    %dma_start3A_6 = arith.constant 0 : i32
    %dma_start3A_7 = arith.constant 0 : i32
    %dma_start3A_8 = tpu.memref_slice %arg2[%dma_start3A_6, %dma_start3A_7] : memref<10000x64xf32, #tpu.memory_space<hbm>> -> memref<10000x64xf32, #tpu.memory_space<hbm>>
    tpu.enqueue_indirect_dma source(%dma_start3A_8 : memref<10000x64xf32, #tpu.memory_space<hbm>>) target(%arg12 : memref<80x64xf32, #tpu.memory_space<vmem>>) offsets(%dma_start3A_5 : memref<80xi32, #tpu.memory_space<vmem>>) semaphore(%arg17 : memref<!tpu.dma_semaphore, #tpu.memory_space<semaphore_mem>>)
    %dma_start3A_9 = arith.constant 1 : i32
    %dma_start3A_10 = arith.constant 0 : i32
    %dma_start3A_11 = tpu.memref_slice %arg10[%dma_start3A_9, %dma_start3A_10] : memref<125x80xi32, #tpu.memory_space<vmem>> -> memref<1x80xi32, #tpu.memory_space<vmem>>
    %dma_start3A_12 = tpu.memref_squeeze %dma_start3A_11 : memref<1x80xi32, #tpu.memory_space<vmem>> -> memref<80xi32, #tpu.memory_space<vmem>>
    %dma_start3A_13 = arith.constant 0 : i32
    %dma_start3A_14 = arith.constant 0 : i32
    %dma_start3A_15 = tpu.memref_slice %arg2[%dma_start3A_13, %dma_start3A_14] : memref<10000x64xf32, #tpu.memory_space<hbm>> -> memref<10000x64xf32, #tpu.memory_space<hbm>>
    tpu.enqueue_indirect_dma source(%dma_start3A_15 : memref<10000x64xf32, #tpu.memory_space<hbm>>) target(%arg13 : memref<80x64xf32, #tpu.memory_space<vmem>>) offsets(%dma_start3A_12 : memref<80xi32, #tpu.memory_space<vmem>>) semaphore(%arg18 : memref<!tpu.dma_semaphore, #tpu.memory_space<semaphore_mem>>)
    %lt3A = arith.constant 15 : i32
    %lt3A_16 = arith.cmpi slt, %arg1, %lt3A : i32
    %convert_element_type3A = arith.extui %lt3A_16 : i1 to i32
    %cond3A = arith.constant 0 : i32
    %cond3A_17 = arith.cmpi ne, %convert_element_type3A, %cond3A : i32
    scf.if %cond3A_17 {
      %dma_start3A_164 = arith.constant 0 : i32
      %dma_start3A_165 = tpu.memref_slice %arg16[%mul3A_2, %dma_start3A_164] : memref<10000x64xf32, #tpu.memory_space<vmem_shared>> -> memref<640x64xf32, #tpu.memory_space<vmem_shared>>
      %dma_start3A_166 = arith.constant 0 : i32
      %dma_start3A_167 = tpu.memref_slice %arg5[%mul3A_2, %dma_start3A_166] : memref<10000x64xf32, #tpu.memory_space<hbm>> -> memref<640x64xf32, #tpu.memory_space<hbm>>
      tpu.enqueue_dma source(%dma_start3A_167 : memref<640x64xf32, #tpu.memory_space<hbm>>) target(%dma_start3A_165 : memref<640x64xf32, #tpu.memory_space<vmem_shared>>) target_semaphore(%arg25 : memref<!tpu.dma_semaphore, #tpu.memory_space<semaphore_mem>>)
    } else {
    }
    %eq3A = arith.constant 15 : i32
    %eq3A_18 = arith.cmpi eq, %arg1, %eq3A : i32
    %convert_element_type3A_19 = arith.extui %eq3A_18 : i1 to i32
    %cond3A_20 = arith.constant 0 : i32
    %cond3A_21 = arith.cmpi ne, %convert_element_type3A_19, %cond3A_20 : i32
    scf.if %cond3A_21 {
      %dma_start3A_164 = arith.constant 0 : i32
      %dma_start3A_165 = tpu.memref_slice %arg16[%mul3A_2, %dma_start3A_164] : memref<10000x64xf32, #tpu.memory_space<vmem_shared>> -> memref<400x64xf32, #tpu.memory_space<vmem_shared>>
      %dma_start3A_166 = arith.constant 0 : i32
      %dma_start3A_167 = tpu.memref_slice %arg5[%mul3A_2, %dma_start3A_166] : memref<10000x64xf32, #tpu.memory_space<hbm>> -> memref<400x64xf32, #tpu.memory_space<hbm>>
      tpu.enqueue_dma source(%dma_start3A_167 : memref<400x64xf32, #tpu.memory_space<hbm>>) target(%dma_start3A_165 : memref<400x64xf32, #tpu.memory_space<vmem_shared>>) target_semaphore(%arg25 : memref<!tpu.dma_semaphore, #tpu.memory_space<semaphore_mem>>)
    } else {
    }
    %mul3A_22 = arith.constant 40 : i32
    %mul3A_23 = arith.muli %arg1, %mul3A_22 : i32
    %dma_start3A_24 = arith.constant 0 : i32
    %dma_start3A_25 = arith.constant 0 : i32
    %dma_start3A_26 = tpu.memref_slice %arg6[%dma_start3A_24, %dma_start3A_25] : memref<10000x16xf32, #tpu.memory_space<hbm>> -> memref<640x16xf32, #tpu.memory_space<hbm>>
    %dma_start3A_27 = arith.constant 0 : i32
    %dma_start3A_28 = arith.constant 0 : i32
    %dma_start3A_29 = tpu.memref_slice %arg6[%dma_start3A_27, %dma_start3A_28] : memref<10000x16xf32, #tpu.memory_space<hbm>> -> memref<640x16xf32, #tpu.memory_space<hbm>>
    tpu.enqueue_dma source(%dma_start3A_29 : memref<640x16xf32, #tpu.memory_space<hbm>>) target(%arg26 : memref<640x16xf32, #tpu.memory_space<vmem>>) target_semaphore(%arg25 : memref<!tpu.dma_semaphore, #tpu.memory_space<semaphore_mem>>)
    %dma_start3A_30 = arith.constant 0 : i32
    %dma_start3A_31 = tpu.memref_slice %arg27[%mul3A_23, %dma_start3A_30] : memref<640x16xf32, #tpu.memory_space<vmem_shared>> -> memref<40x16xf32, #tpu.memory_space<vmem_shared>>
    %dma_start3A_32 = arith.constant 0 : i32
    %dma_start3A_33 = tpu.memref_slice %arg6[%mul3A_23, %dma_start3A_32] : memref<10000x16xf32, #tpu.memory_space<hbm>> -> memref<40x16xf32, #tpu.memory_space<hbm>>
    tpu.enqueue_dma source(%dma_start3A_33 : memref<40x16xf32, #tpu.memory_space<hbm>>) target(%dma_start3A_31 : memref<40x16xf32, #tpu.memory_space<vmem_shared>>) target_semaphore(%arg25 : memref<!tpu.dma_semaphore, #tpu.memory_space<semaphore_mem>>)
    tpu.enqueue_dma source(%arg7 : memref<5x128xi32, #tpu.memory_space<hbm>>) target(%arg28 : memref<5x128xi32, #tpu.memory_space<vmem>>) target_semaphore(%arg25 : memref<!tpu.dma_semaphore, #tpu.memory_space<semaphore_mem>>)
    %dma_wait3A = arith.constant 0 : i32
    %dma_wait3A_34 = arith.constant 0 : i32
    %dma_wait3A_35 = tpu.memref_slice %arg6[%dma_wait3A, %dma_wait3A_34] : memref<10000x16xf32, #tpu.memory_space<hbm>> -> memref<640x16xf32, #tpu.memory_space<hbm>>
    %dma_wait3A_36 = arith.constant 0 : i32
    %dma_wait3A_37 = arith.constant 0 : i32
    %dma_wait3A_38 = tpu.memref_slice %arg6[%dma_wait3A_36, %dma_wait3A_37] : memref<10000x16xf32, #tpu.memory_space<hbm>> -> memref<640x16xf32, #tpu.memory_space<hbm>>
    tpu.wait_dma2 semaphore(%arg25 : memref<!tpu.dma_semaphore, #tpu.memory_space<semaphore_mem>>) src(%dma_wait3A_38 : memref<640x16xf32, #tpu.memory_space<hbm>>) dst(%arg26 : memref<640x16xf32, #tpu.memory_space<vmem>>)
    %dma_wait3A_39 = arith.constant 0 : i32
    %dma_wait3A_40 = tpu.memref_slice %arg27[%mul3A_23, %dma_wait3A_39] : memref<640x16xf32, #tpu.memory_space<vmem_shared>> -> memref<40x16xf32, #tpu.memory_space<vmem_shared>>
    %dma_wait3A_41 = arith.constant 0 : i32
    %dma_wait3A_42 = tpu.memref_slice %arg6[%mul3A_23, %dma_wait3A_41] : memref<10000x16xf32, #tpu.memory_space<hbm>> -> memref<40x16xf32, #tpu.memory_space<hbm>>
    tpu.wait_dma2 semaphore(%arg25 : memref<!tpu.dma_semaphore, #tpu.memory_space<semaphore_mem>>) src(%dma_wait3A_42 : memref<40x16xf32, #tpu.memory_space<hbm>>) dst(%dma_wait3A_40 : memref<40x16xf32, #tpu.memory_space<vmem_shared>>)
    tpu.wait_dma2 semaphore(%arg25 : memref<!tpu.dma_semaphore, #tpu.memory_space<semaphore_mem>>) src(%arg7 : memref<5x128xi32, #tpu.memory_space<hbm>>) dst(%arg28 : memref<5x128xi32, #tpu.memory_space<vmem>>)
    %lt3A_43 = arith.constant 15 : i32
    %lt3A_44 = arith.cmpi slt, %arg1, %lt3A_43 : i32
    %convert_element_type3A_45 = arith.extui %lt3A_44 : i1 to i32
    %cond3A_46 = arith.constant 0 : i32
    %cond3A_47 = arith.cmpi ne, %convert_element_type3A_45, %cond3A_46 : i32
    scf.if %cond3A_47 {
      %dma_wait3A_164 = arith.constant 0 : i32
      %dma_wait3A_165 = tpu.memref_slice %arg16[%mul3A_2, %dma_wait3A_164] : memref<10000x64xf32, #tpu.memory_space<vmem_shared>> -> memref<640x64xf32, #tpu.memory_space<vmem_shared>>
      %dma_wait3A_166 = arith.constant 0 : i32
      %dma_wait3A_167 = tpu.memref_slice %arg5[%mul3A_2, %dma_wait3A_166] : memref<10000x64xf32, #tpu.memory_space<hbm>> -> memref<640x64xf32, #tpu.memory_space<hbm>>
      tpu.wait_dma2 semaphore(%arg25 : memref<!tpu.dma_semaphore, #tpu.memory_space<semaphore_mem>>) src(%dma_wait3A_167 : memref<640x64xf32, #tpu.memory_space<hbm>>) dst(%dma_wait3A_165 : memref<640x64xf32, #tpu.memory_space<vmem_shared>>)
    } else {
    }
    %eq3A_48 = arith.constant 15 : i32
    %eq3A_49 = arith.cmpi eq, %arg1, %eq3A_48 : i32
    %convert_element_type3A_50 = arith.extui %eq3A_49 : i1 to i32
    %cond3A_51 = arith.constant 0 : i32
    %cond3A_52 = arith.cmpi ne, %convert_element_type3A_50, %cond3A_51 : i32
    scf.if %cond3A_52 {
      %dma_wait3A_164 = arith.constant 0 : i32
      %dma_wait3A_165 = tpu.memref_slice %arg16[%mul3A_2, %dma_wait3A_164] : memref<10000x64xf32, #tpu.memory_space<vmem_shared>> -> memref<400x64xf32, #tpu.memory_space<vmem_shared>>
      %dma_wait3A_166 = arith.constant 0 : i32
      %dma_wait3A_167 = tpu.memref_slice %arg5[%mul3A_2, %dma_wait3A_166] : memref<10000x64xf32, #tpu.memory_space<hbm>> -> memref<400x64xf32, #tpu.memory_space<hbm>>
      tpu.wait_dma2 semaphore(%arg25 : memref<!tpu.dma_semaphore, #tpu.memory_space<semaphore_mem>>) src(%dma_wait3A_167 : memref<400x64xf32, #tpu.memory_space<hbm>>) dst(%dma_wait3A_165 : memref<400x64xf32, #tpu.memory_space<vmem_shared>>)
    } else {
    }
    %barrier3A = arith.constant 0 : index
    tpu.barrier barrier_id(%barrier3A)
    %scan3A = arith.constant 0 : i32
    %scan3A_53 = arith.constant 31 : i32
    %scan3A_54 = arith.addi %scan3A, %scan3A_53 : i32
    %scan3A_55 = arith.constant 1 : i32
    scf.for %scan3A_164 = %scan3A to %scan3A_54 step %scan3A_55  : i32 {
      %mul3A_165 = arith.constant 4 : i32
      %mul3A_166 = arith.muli %scan3A_164, %mul3A_165 : i32
      %add3A_167 = arith.constant 0 : i32
      %add3A_168 = arith.addi %add3A_167, %mul3A_166 : i32
      %gt3A = arith.constant 0 : i32
      %gt3A_169 = arith.cmpi sgt, %add3A_168, %gt3A : i32
      %convert_element_type3A_170 = arith.extui %gt3A_169 : i1 to i32
      %cond3A_171 = arith.constant 0 : i32
      %cond3A_172 = arith.cmpi ne, %convert_element_type3A_170, %cond3A_171 : i32
      scf.if %cond3A_172 {
        %sub3A = arith.constant 2 : i32
        %sub3A_467 = arith.subi %add3A_168, %sub3A : i32
        %dma_wait3A_468 = arith.constant 0 : i32
        %dma_wait3A_469 = tpu.memref_slice %arg11[%sub3A_467, %dma_wait3A_468] : memref<125x80xi32, #tpu.memory_space<vmem>> -> memref<1x80xi32, #tpu.memory_space<vmem>>
        %dma_wait3A_470 = tpu.memref_squeeze %dma_wait3A_469 : memref<1x80xi32, #tpu.memory_space<vmem>> -> memref<80xi32, #tpu.memory_space<vmem>>
        %dma_wait3A_471 = arith.constant 0 : i32
        %dma_wait3A_472 = arith.constant 0 : i32
        %dma_wait3A_473 = tpu.memref_slice %arg16[%dma_wait3A_471, %dma_wait3A_472] : memref<10000x64xf32, #tpu.memory_space<vmem_shared>> -> memref<10000x64xf32, #tpu.memory_space<vmem_shared>>
        tpu.wait_indirect_dma semaphore(%arg23 : memref<!tpu.dma_semaphore, #tpu.memory_space<semaphore_mem>>) src(%arg14 : memref<80x64xf32, #tpu.memory_space<vmem>>) dst(%dma_wait3A_473 : memref<10000x64xf32, #tpu.memory_space<vmem_shared>>)
      } else {
      }
      %add3A_173 = arith.constant 2 : i32
      %add3A_174 = arith.addi %add3A_168, %add3A_173 : i32
      %dma_start3A_175 = arith.constant 0 : i32
      %dma_start3A_176 = tpu.memref_slice %arg10[%add3A_174, %dma_start3A_175] : memref<125x80xi32, #tpu.memory_space<vmem>> -> memref<1x80xi32, #tpu.memory_space<vmem>>
      %dma_start3A_177 = tpu.memref_squeeze %dma_start3A_176 : memref<1x80xi32, #tpu.memory_space<vmem>> -> memref<80xi32, #tpu.memory_space<vmem>>
      %dma_start3A_178 = arith.constant 0 : i32
      %dma_start3A_179 = arith.constant 0 : i32
      %dma_start3A_180 = tpu.memref_slice %arg2[%dma_start3A_178, %dma_start3A_179] : memref<10000x64xf32, #tpu.memory_space<hbm>> -> memref<10000x64xf32, #tpu.memory_space<hbm>>
      tpu.enqueue_indirect_dma source(%dma_start3A_180 : memref<10000x64xf32, #tpu.memory_space<hbm>>) target(%arg14 : memref<80x64xf32, #tpu.memory_space<vmem>>) offsets(%dma_start3A_177 : memref<80xi32, #tpu.memory_space<vmem>>) semaphore(%arg19 : memref<!tpu.dma_semaphore, #tpu.memory_space<semaphore_mem>>)
      %gt3A_181 = arith.constant 0 : i32
      %gt3A_182 = arith.cmpi sgt, %add3A_168, %gt3A_181 : i32
      %convert_element_type3A_183 = arith.extui %gt3A_182 : i1 to i32
      %cond3A_184 = arith.constant 0 : i32
      %cond3A_185 = arith.cmpi ne, %convert_element_type3A_183, %cond3A_184 : i32
      scf.if %cond3A_185 {
        %sub3A = arith.constant 1 : i32
        %sub3A_467 = arith.subi %add3A_168, %sub3A : i32
        %dma_wait3A_468 = arith.constant 0 : i32
        %dma_wait3A_469 = tpu.memref_slice %arg11[%sub3A_467, %dma_wait3A_468] : memref<125x80xi32, #tpu.memory_space<vmem>> -> memref<1x80xi32, #tpu.memory_space<vmem>>
        %dma_wait3A_470 = tpu.memref_squeeze %dma_wait3A_469 : memref<1x80xi32, #tpu.memory_space<vmem>> -> memref<80xi32, #tpu.memory_space<vmem>>
        %dma_wait3A_471 = arith.constant 0 : i32
        %dma_wait3A_472 = arith.constant 0 : i32
        %dma_wait3A_473 = tpu.memref_slice %arg16[%dma_wait3A_471, %dma_wait3A_472] : memref<10000x64xf32, #tpu.memory_space<vmem_shared>> -> memref<10000x64xf32, #tpu.memory_space<vmem_shared>>
        tpu.wait_indirect_dma semaphore(%arg24 : memref<!tpu.dma_semaphore, #tpu.memory_space<semaphore_mem>>) src(%arg15 : memref<80x64xf32, #tpu.memory_space<vmem>>) dst(%dma_wait3A_473 : memref<10000x64xf32, #tpu.memory_space<vmem_shared>>)
      } else {
      }
      %add3A_186 = arith.constant 3 : i32
      %add3A_187 = arith.addi %add3A_168, %add3A_186 : i32
      %dma_start3A_188 = arith.constant 0 : i32
      %dma_start3A_189 = tpu.memref_slice %arg10[%add3A_187, %dma_start3A_188] : memref<125x80xi32, #tpu.memory_space<vmem>> -> memref<1x80xi32, #tpu.memory_space<vmem>>
      %dma_start3A_190 = tpu.memref_squeeze %dma_start3A_189 : memref<1x80xi32, #tpu.memory_space<vmem>> -> memref<80xi32, #tpu.memory_space<vmem>>
      %dma_start3A_191 = arith.constant 0 : i32
      %dma_start3A_192 = arith.constant 0 : i32
      %dma_start3A_193 = tpu.memref_slice %arg2[%dma_start3A_191, %dma_start3A_192] : memref<10000x64xf32, #tpu.memory_space<hbm>> -> memref<10000x64xf32, #tpu.memory_space<hbm>>
      tpu.enqueue_indirect_dma source(%dma_start3A_193 : memref<10000x64xf32, #tpu.memory_space<hbm>>) target(%arg15 : memref<80x64xf32, #tpu.memory_space<vmem>>) offsets(%dma_start3A_190 : memref<80xi32, #tpu.memory_space<vmem>>) semaphore(%arg20 : memref<!tpu.dma_semaphore, #tpu.memory_space<semaphore_mem>>)
      %dma_wait3A_194 = arith.constant 0 : i32
      %dma_wait3A_195 = tpu.memref_slice %arg10[%add3A_168, %dma_wait3A_194] : memref<125x80xi32, #tpu.memory_space<vmem>> -> memref<1x80xi32, #tpu.memory_space<vmem>>
      %dma_wait3A_196 = tpu.memref_squeeze %dma_wait3A_195 : memref<1x80xi32, #tpu.memory_space<vmem>> -> memref<80xi32, #tpu.memory_space<vmem>>
      %dma_wait3A_197 = arith.constant 0 : i32
      %dma_wait3A_198 = arith.constant 0 : i32
      %dma_wait3A_199 = tpu.memref_slice %arg2[%dma_wait3A_197, %dma_wait3A_198] : memref<10000x64xf32, #tpu.memory_space<hbm>> -> memref<10000x64xf32, #tpu.memory_space<hbm>>
      tpu.wait_indirect_dma semaphore(%arg17 : memref<!tpu.dma_semaphore, #tpu.memory_space<semaphore_mem>>) src(%dma_wait3A_199 : memref<10000x64xf32, #tpu.memory_space<hbm>>) dst(%arg12 : memref<80x64xf32, #tpu.memory_space<vmem>>)
      %dma_start3A_200 = arith.constant 0 : i32
      %dma_start3A_201 = tpu.memref_slice %arg11[%add3A_168, %dma_start3A_200] : memref<125x80xi32, #tpu.memory_space<vmem>> -> memref<1x80xi32, #tpu.memory_space<vmem>>
      %dma_start3A_202 = tpu.memref_squeeze %dma_start3A_201 : memref<1x80xi32, #tpu.memory_space<vmem>> -> memref<80xi32, #tpu.memory_space<vmem>>
      %dma_start3A_203 = arith.constant 0 : i32
      %dma_start3A_204 = arith.constant 0 : i32
      %dma_start3A_205 = tpu.memref_slice %arg16[%dma_start3A_203, %dma_start3A_204] : memref<10000x64xf32, #tpu.memory_space<vmem_shared>> -> memref<10000x64xf32, #tpu.memory_space<vmem_shared>>
      tpu.enqueue_indirect_dma source(%arg12 : memref<80x64xf32, #tpu.memory_space<vmem>>) target(%dma_start3A_205 : memref<10000x64xf32, #tpu.memory_space<vmem_shared>>) offsets(%dma_start3A_202 : memref<80xi32, #tpu.memory_space<vmem>>) semaphore(%arg21 : memref<!tpu.dma_semaphore, #tpu.memory_space<semaphore_mem>>) {add = true}
      %broadcast_in_dim3A_206 = arith.constant 1.000000e+00 : f32
      %broadcast_in_dim3A_207 = vector.broadcast %broadcast_in_dim3A_206 : f32 to vector<16xf32>
      %get3A_208 = arith.index_cast %add3A_168 : i32 to index
      %get3A_209 = arith.constant 0 : index
      %get3A_210 = tpu.vector_load %arg11[%get3A_208, %get3A_209] {strides = array<i32>} : memref<125x80xi32, #tpu.memory_space<vmem>>, vector<16xi32>,
      %shift_right_logical3A_211 = arith.constant 4 : i32
      %shift_right_logical3A_212 = vector.broadcast %shift_right_logical3A_211 : i32 to vector<16xi32>
      %shift_right_logical3A_213 = arith.shrui %get3A_210, %shift_right_logical3A_212 : vector<16xi32>
      %and3A_214 = arith.constant 15 : i32
      %and3A_215 = vector.broadcast %and3A_214 : i32 to vector<16xi32>
      %and3A_216 = arith.andi %get3A_210, %and3A_215 : vector<16xi32>
      tpu.vector_store_idx %arg26[%shift_right_logical3A_213, %and3A_216], %broadcast_in_dim3A_207 {add = true} : memref<640x16xf32, #tpu.memory_space<vmem>>[vector<16xi32>, vector<16xi32>], vector<16xf32>,
      %get3A_217 = arith.index_cast %add3A_168 : i32 to index
      %get3A_218 = arith.constant 16 : index
      %get3A_219 = tpu.vector_load %arg11[%get3A_217, %get3A_218] {strides = array<i32>} : memref<125x80xi32, #tpu.memory_space<vmem>>, vector<16xi32>,
      %shift_right_logical3A_220 = arith.constant 4 : i32
      %shift_right_logical3A_221 = vector.broadcast %shift_right_logical3A_220 : i32 to vector<16xi32>
      %shift_right_logical3A_222 = arith.shrui %get3A_219, %shift_right_logical3A_221 : vector<16xi32>
      %and3A_223 = arith.constant 15 : i32
      %and3A_224 = vector.broadcast %and3A_223 : i32 to vector<16xi32>
      %and3A_225 = arith.andi %get3A_219, %and3A_224 : vector<16xi32>
      tpu.vector_store_idx %arg26[%shift_right_logical3A_222, %and3A_225], %broadcast_in_dim3A_207 {add = true} : memref<640x16xf32, #tpu.memory_space<vmem>>[vector<16xi32>, vector<16xi32>], vector<16xf32>,
      %get3A_226 = arith.index_cast %add3A_168 : i32 to index
      %get3A_227 = arith.constant 32 : index
      %get3A_228 = tpu.vector_load %arg11[%get3A_226, %get3A_227] {strides = array<i32>} : memref<125x80xi32, #tpu.memory_space<vmem>>, vector<16xi32>,
      %shift_right_logical3A_229 = arith.constant 4 : i32
      %shift_right_logical3A_230 = vector.broadcast %shift_right_logical3A_229 : i32 to vector<16xi32>
      %shift_right_logical3A_231 = arith.shrui %get3A_228, %shift_right_logical3A_230 : vector<16xi32>
      %and3A_232 = arith.constant 15 : i32
      %and3A_233 = vector.broadcast %and3A_232 : i32 to vector<16xi32>
      %and3A_234 = arith.andi %get3A_228, %and3A_233 : vector<16xi32>
      tpu.vector_store_idx %arg26[%shift_right_logical3A_231, %and3A_234], %broadcast_in_dim3A_207 {add = true} : memref<640x16xf32, #tpu.memory_space<vmem>>[vector<16xi32>, vector<16xi32>], vector<16xf32>,
      %get3A_235 = arith.index_cast %add3A_168 : i32 to index
      %get3A_236 = arith.constant 48 : index
      %get3A_237 = tpu.vector_load %arg11[%get3A_235, %get3A_236] {strides = array<i32>} : memref<125x80xi32, #tpu.memory_space<vmem>>, vector<16xi32>,
      %shift_right_logical3A_238 = arith.constant 4 : i32
      %shift_right_logical3A_239 = vector.broadcast %shift_right_logical3A_238 : i32 to vector<16xi32>
      %shift_right_logical3A_240 = arith.shrui %get3A_237, %shift_right_logical3A_239 : vector<16xi32>
      %and3A_241 = arith.constant 15 : i32
      %and3A_242 = vector.broadcast %and3A_241 : i32 to vector<16xi32>
      %and3A_243 = arith.andi %get3A_237, %and3A_242 : vector<16xi32>
      tpu.vector_store_idx %arg26[%shift_right_logical3A_240, %and3A_243], %broadcast_in_dim3A_207 {add = true} : memref<640x16xf32, #tpu.memory_space<vmem>>[vector<16xi32>, vector<16xi32>], vector<16xf32>,
      %get3A_244 = arith.index_cast %add3A_168 : i32 to index
      %get3A_245 = arith.constant 64 : index
      %get3A_246 = tpu.vector_load %arg11[%get3A_244, %get3A_245] {strides = array<i32>} : memref<125x80xi32, #tpu.memory_space<vmem>>, vector<16xi32>,
      %shift_right_logical3A_247 = arith.constant 4 : i32
      %shift_right_logical3A_248 = vector.broadcast %shift_right_logical3A_247 : i32 to vector<16xi32>
      %shift_right_logical3A_249 = arith.shrui %get3A_246, %shift_right_logical3A_248 : vector<16xi32>
      %and3A_250 = arith.constant 15 : i32
      %and3A_251 = vector.broadcast %and3A_250 : i32 to vector<16xi32>
      %and3A_252 = arith.andi %get3A_246, %and3A_251 : vector<16xi32>
      tpu.vector_store_idx %arg26[%shift_right_logical3A_249, %and3A_252], %broadcast_in_dim3A_207 {add = true} : memref<640x16xf32, #tpu.memory_space<vmem>>[vector<16xi32>, vector<16xi32>], vector<16xf32>,
      %add3A_253 = arith.constant 1 : i32
      %add3A_254 = arith.addi %add3A_168, %add3A_253 : i32
      %dma_wait3A_255 = arith.constant 0 : i32
      %dma_wait3A_256 = tpu.memref_slice %arg10[%add3A_254, %dma_wait3A_255] : memref<125x80xi32, #tpu.memory_space<vmem>> -> memref<1x80xi32, #tpu.memory_space<vmem>>
      %dma_wait3A_257 = tpu.memref_squeeze %dma_wait3A_256 : memref<1x80xi32, #tpu.memory_space<vmem>> -> memref<80xi32, #tpu.memory_space<vmem>>
      %dma_wait3A_258 = arith.constant 0 : i32
      %dma_wait3A_259 = arith.constant 0 : i32
      %dma_wait3A_260 = tpu.memref_slice %arg2[%dma_wait3A_258, %dma_wait3A_259] : memref<10000x64xf32, #tpu.memory_space<hbm>> -> memref<10000x64xf32, #tpu.memory_space<hbm>>
      tpu.wait_indirect_dma semaphore(%arg18 : memref<!tpu.dma_semaphore, #tpu.memory_space<semaphore_mem>>) src(%dma_wait3A_260 : memref<10000x64xf32, #tpu.memory_space<hbm>>) dst(%arg13 : memref<80x64xf32, #tpu.memory_space<vmem>>)
      %add3A_261 = arith.constant 1 : i32
      %add3A_262 = arith.addi %add3A_168, %add3A_261 : i32
      %dma_start3A_263 = arith.constant 0 : i32
      %dma_start3A_264 = tpu.memref_slice %arg11[%add3A_262, %dma_start3A_263] : memref<125x80xi32, #tpu.memory_space<vmem>> -> memref<1x80xi32, #tpu.memory_space<vmem>>
      %dma_start3A_265 = tpu.memref_squeeze %dma_start3A_264 : memref<1x80xi32, #tpu.memory_space<vmem>> -> memref<80xi32, #tpu.memory_space<vmem>>
      %dma_start3A_266 = arith.constant 0 : i32
      %dma_start3A_267 = arith.constant 0 : i32
      %dma_start3A_268 = tpu.memref_slice %arg16[%dma_start3A_266, %dma_start3A_267] : memref<10000x64xf32, #tpu.memory_space<vmem_shared>> -> memref<10000x64xf32, #tpu.memory_space<vmem_shared>>
      tpu.enqueue_indirect_dma source(%arg13 : memref<80x64xf32, #tpu.memory_space<vmem>>) target(%dma_start3A_268 : memref<10000x64xf32, #tpu.memory_space<vmem_shared>>) offsets(%dma_start3A_265 : memref<80xi32, #tpu.memory_space<vmem>>) semaphore(%arg22 : memref<!tpu.dma_semaphore, #tpu.memory_space<semaphore_mem>>) {add = true}
      %add3A_269 = arith.constant 1 : i32
      %add3A_270 = arith.addi %add3A_168, %add3A_269 : i32
      %broadcast_in_dim3A_271 = arith.constant 1.000000e+00 : f32
      %broadcast_in_dim3A_272 = vector.broadcast %broadcast_in_dim3A_271 : f32 to vector<16xf32>
      %get3A_273 = arith.index_cast %add3A_270 : i32 to index
      %get3A_274 = arith.constant 0 : index
      %get3A_275 = tpu.vector_load %arg11[%get3A_273, %get3A_274] {strides = array<i32>} : memref<125x80xi32, #tpu.memory_space<vmem>>, vector<16xi32>,
      %shift_right_logical3A_276 = arith.constant 4 : i32
      %shift_right_logical3A_277 = vector.broadcast %shift_right_logical3A_276 : i32 to vector<16xi32>
      %shift_right_logical3A_278 = arith.shrui %get3A_275, %shift_right_logical3A_277 : vector<16xi32>
      %and3A_279 = arith.constant 15 : i32
      %and3A_280 = vector.broadcast %and3A_279 : i32 to vector<16xi32>
      %and3A_281 = arith.andi %get3A_275, %and3A_280 : vector<16xi32>
      tpu.vector_store_idx %arg26[%shift_right_logical3A_278, %and3A_281], %broadcast_in_dim3A_272 {add = true} : memref<640x16xf32, #tpu.memory_space<vmem>>[vector<16xi32>, vector<16xi32>], vector<16xf32>,
      %get3A_282 = arith.index_cast %add3A_270 : i32 to index
      %get3A_283 = arith.constant 16 : index
      %get3A_284 = tpu.vector_load %arg11[%get3A_282, %get3A_283] {strides = array<i32>} : memref<125x80xi32, #tpu.memory_space<vmem>>, vector<16xi32>,
      %shift_right_logical3A_285 = arith.constant 4 : i32
      %shift_right_logical3A_286 = vector.broadcast %shift_right_logical3A_285 : i32 to vector<16xi32>
      %shift_right_logical3A_287 = arith.shrui %get3A_284, %shift_right_logical3A_286 : vector<16xi32>
      %and3A_288 = arith.constant 15 : i32
      %and3A_289 = vector.broadcast %and3A_288 : i32 to vector<16xi32>
      %and3A_290 = arith.andi %get3A_284, %and3A_289 : vector<16xi32>
      tpu.vector_store_idx %arg26[%shift_right_logical3A_287, %and3A_290], %broadcast_in_dim3A_272 {add = true} : memref<640x16xf32, #tpu.memory_space<vmem>>[vector<16xi32>, vector<16xi32>], vector<16xf32>,
      %get3A_291 = arith.index_cast %add3A_270 : i32 to index
      %get3A_292 = arith.constant 32 : index
      %get3A_293 = tpu.vector_load %arg11[%get3A_291, %get3A_292] {strides = array<i32>} : memref<125x80xi32, #tpu.memory_space<vmem>>, vector<16xi32>,
      %shift_right_logical3A_294 = arith.constant 4 : i32
      %shift_right_logical3A_295 = vector.broadcast %shift_right_logical3A_294 : i32 to vector<16xi32>
      %shift_right_logical3A_296 = arith.shrui %get3A_293, %shift_right_logical3A_295 : vector<16xi32>
      %and3A_297 = arith.constant 15 : i32
      %and3A_298 = vector.broadcast %and3A_297 : i32 to vector<16xi32>
      %and3A_299 = arith.andi %get3A_293, %and3A_298 : vector<16xi32>
      tpu.vector_store_idx %arg26[%shift_right_logical3A_296, %and3A_299], %broadcast_in_dim3A_272 {add = true} : memref<640x16xf32, #tpu.memory_space<vmem>>[vector<16xi32>, vector<16xi32>], vector<16xf32>,
      %get3A_300 = arith.index_cast %add3A_270 : i32 to index
      %get3A_301 = arith.constant 48 : index
      %get3A_302 = tpu.vector_load %arg11[%get3A_300, %get3A_301] {strides = array<i32>} : memref<125x80xi32, #tpu.memory_space<vmem>>, vector<16xi32>,
      %shift_right_logical3A_303 = arith.constant 4 : i32
      %shift_right_logical3A_304 = vector.broadcast %shift_right_logical3A_303 : i32 to vector<16xi32>
      %shift_right_logical3A_305 = arith.shrui %get3A_302, %shift_right_logical3A_304 : vector<16xi32>
      %and3A_306 = arith.constant 15 : i32
      %and3A_307 = vector.broadcast %and3A_306 : i32 to vector<16xi32>
      %and3A_308 = arith.andi %get3A_302, %and3A_307 : vector<16xi32>
      tpu.vector_store_idx %arg26[%shift_right_logical3A_305, %and3A_308], %broadcast_in_dim3A_272 {add = true} : memref<640x16xf32, #tpu.memory_space<vmem>>[vector<16xi32>, vector<16xi32>], vector<16xf32>,
      %get3A_309 = arith.index_cast %add3A_270 : i32 to index
      %get3A_310 = arith.constant 64 : index
      %get3A_311 = tpu.vector_load %arg11[%get3A_309, %get3A_310] {strides = array<i32>} : memref<125x80xi32, #tpu.memory_space<vmem>>, vector<16xi32>,
      %shift_right_logical3A_312 = arith.constant 4 : i32
      %shift_right_logical3A_313 = vector.broadcast %shift_right_logical3A_312 : i32 to vector<16xi32>
      %shift_right_logical3A_314 = arith.shrui %get3A_311, %shift_right_logical3A_313 : vector<16xi32>
      %and3A_315 = arith.constant 15 : i32
      %and3A_316 = vector.broadcast %and3A_315 : i32 to vector<16xi32>
      %and3A_317 = arith.andi %get3A_311, %and3A_316 : vector<16xi32>
      tpu.vector_store_idx %arg26[%shift_right_logical3A_314, %and3A_317], %broadcast_in_dim3A_272 {add = true} : memref<640x16xf32, #tpu.memory_space<vmem>>[vector<16xi32>, vector<16xi32>], vector<16xf32>,
      %dma_wait3A_318 = arith.constant 0 : i32
      %dma_wait3A_319 = tpu.memref_slice %arg11[%add3A_168, %dma_wait3A_318] : memref<125x80xi32, #tpu.memory_space<vmem>> -> memref<1x80xi32, #tpu.memory_space<vmem>>
      %dma_wait3A_320 = tpu.memref_squeeze %dma_wait3A_319 : memref<1x80xi32, #tpu.memory_space<vmem>> -> memref<80xi32, #tpu.memory_space<vmem>>
      %dma_wait3A_321 = arith.constant 0 : i32
      %dma_wait3A_322 = arith.constant 0 : i32
      %dma_wait3A_323 = tpu.memref_slice %arg16[%dma_wait3A_321, %dma_wait3A_322] : memref<10000x64xf32, #tpu.memory_space<vmem_shared>> -> memref<10000x64xf32, #tpu.memory_space<vmem_shared>>
      tpu.wait_indirect_dma semaphore(%arg21 : memref<!tpu.dma_semaphore, #tpu.memory_space<semaphore_mem>>) src(%arg12 : memref<80x64xf32, #tpu.memory_space<vmem>>) dst(%dma_wait3A_323 : memref<10000x64xf32, #tpu.memory_space<vmem_shared>>)
      %add3A_324 = arith.constant 4 : i32
      %add3A_325 = arith.addi %add3A_168, %add3A_324 : i32
      %dma_start3A_326 = arith.constant 0 : i32
      %dma_start3A_327 = tpu.memref_slice %arg10[%add3A_325, %dma_start3A_326] : memref<125x80xi32, #tpu.memory_space<vmem>> -> memref<1x80xi32, #tpu.memory_space<vmem>>
      %dma_start3A_328 = tpu.memref_squeeze %dma_start3A_327 : memref<1x80xi32, #tpu.memory_space<vmem>> -> memref<80xi32, #tpu.memory_space<vmem>>
      %dma_start3A_329 = arith.constant 0 : i32
      %dma_start3A_330 = arith.constant 0 : i32
      %dma_start3A_331 = tpu.memref_slice %arg2[%dma_start3A_329, %dma_start3A_330] : memref<10000x64xf32, #tpu.memory_space<hbm>> -> memref<10000x64xf32, #tpu.memory_space<hbm>>
      tpu.enqueue_indirect_dma source(%dma_start3A_331 : memref<10000x64xf32, #tpu.memory_space<hbm>>) target(%arg12 : memref<80x64xf32, #tpu.memory_space<vmem>>) offsets(%dma_start3A_328 : memref<80xi32, #tpu.memory_space<vmem>>) semaphore(%arg17 : memref<!tpu.dma_semaphore, #tpu.memory_space<semaphore_mem>>)
      %lt3A_332 = arith.constant 120 : i32
      %lt3A_333 = arith.cmpi slt, %add3A_168, %lt3A_332 : i32
      %convert_element_type3A_334 = arith.extui %lt3A_333 : i1 to i32
      %cond3A_335 = arith.constant 0 : i32
      %cond3A_336 = arith.cmpi ne, %convert_element_type3A_334, %cond3A_335 : i32
      scf.if %cond3A_336 {
        %add3A_467 = arith.constant 1 : i32
        %add3A_468 = arith.addi %add3A_168, %add3A_467 : i32
        %dma_wait3A_469 = arith.constant 0 : i32
        %dma_wait3A_470 = tpu.memref_slice %arg11[%add3A_468, %dma_wait3A_469] : memref<125x80xi32, #tpu.memory_space<vmem>> -> memref<1x80xi32, #tpu.memory_space<vmem>>
        %dma_wait3A_471 = tpu.memref_squeeze %dma_wait3A_470 : memref<1x80xi32, #tpu.memory_space<vmem>> -> memref<80xi32, #tpu.memory_space<vmem>>
        %dma_wait3A_472 = arith.constant 0 : i32
        %dma_wait3A_473 = arith.constant 0 : i32
        %dma_wait3A_474 = tpu.memref_slice %arg16[%dma_wait3A_472, %dma_wait3A_473] : memref<10000x64xf32, #tpu.memory_space<vmem_shared>> -> memref<10000x64xf32, #tpu.memory_space<vmem_shared>>
        tpu.wait_indirect_dma semaphore(%arg22 : memref<!tpu.dma_semaphore, #tpu.memory_space<semaphore_mem>>) src(%arg13 : memref<80x64xf32, #tpu.memory_space<vmem>>) dst(%dma_wait3A_474 : memref<10000x64xf32, #tpu.memory_space<vmem_shared>>)
        %add3A_475 = arith.constant 5 : i32
        %add3A_476 = arith.addi %add3A_168, %add3A_475 : i32
        %dma_start3A_477 = arith.constant 0 : i32
        %dma_start3A_478 = tpu.memref_slice %arg10[%add3A_476, %dma_start3A_477] : memref<125x80xi32, #tpu.memory_space<vmem>> -> memref<1x80xi32, #tpu.memory_space<vmem>>
        %dma_start3A_479 = tpu.memref_squeeze %dma_start3A_478 : memref<1x80xi32, #tpu.memory_space<vmem>> -> memref<80xi32, #tpu.memory_space<vmem>>
        %dma_start3A_480 = arith.constant 0 : i32
        %dma_start3A_481 = arith.constant 0 : i32
        %dma_start3A_482 = tpu.memref_slice %arg2[%dma_start3A_480, %dma_start3A_481] : memref<10000x64xf32, #tpu.memory_space<hbm>> -> memref<10000x64xf32, #tpu.memory_space<hbm>>
        tpu.enqueue_indirect_dma source(%dma_start3A_482 : memref<10000x64xf32, #tpu.memory_space<hbm>>) target(%arg13 : memref<80x64xf32, #tpu.memory_space<vmem>>) offsets(%dma_start3A_479 : memref<80xi32, #tpu.memory_space<vmem>>) semaphore(%arg18 : memref<!tpu.dma_semaphore, #tpu.memory_space<semaphore_mem>>)
      } else {
      }
      %add3A_337 = arith.constant 2 : i32
      %add3A_338 = arith.addi %add3A_168, %add3A_337 : i32
      %dma_wait3A_339 = arith.constant 0 : i32
      %dma_wait3A_340 = tpu.memref_slice %arg10[%add3A_338, %dma_wait3A_339] : memref<125x80xi32, #tpu.memory_space<vmem>> -> memref<1x80xi32, #tpu.memory_space<vmem>>
      %dma_wait3A_341 = tpu.memref_squeeze %dma_wait3A_340 : memref<1x80xi32, #tpu.memory_space<vmem>> -> memref<80xi32, #tpu.memory_space<vmem>>
      %dma_wait3A_342 = arith.constant 0 : i32
      %dma_wait3A_343 = arith.constant 0 : i32
      %dma_wait3A_344 = tpu.memref_slice %arg2[%dma_wait3A_342, %dma_wait3A_343] : memref<10000x64xf32, #tpu.memory_space<hbm>> -> memref<10000x64xf32, #tpu.memory_space<hbm>>
      tpu.wait_indirect_dma semaphore(%arg19 : memref<!tpu.dma_semaphore, #tpu.memory_space<semaphore_mem>>) src(%dma_wait3A_344 : memref<10000x64xf32, #tpu.memory_space<hbm>>) dst(%arg14 : memref<80x64xf32, #tpu.memory_space<vmem>>)
      %add3A_345 = arith.constant 2 : i32
      %add3A_346 = arith.addi %add3A_168, %add3A_345 : i32
      %dma_start3A_347 = arith.constant 0 : i32
      %dma_start3A_348 = tpu.memref_slice %arg11[%add3A_346, %dma_start3A_347] : memref<125x80xi32, #tpu.memory_space<vmem>> -> memref<1x80xi32, #tpu.memory_space<vmem>>
      %dma_start3A_349 = tpu.memref_squeeze %dma_start3A_348 : memref<1x80xi32, #tpu.memory_space<vmem>> -> memref<80xi32, #tpu.memory_space<vmem>>
      %dma_start3A_350 = arith.constant 0 : i32
      %dma_start3A_351 = arith.constant 0 : i32
      %dma_start3A_352 = tpu.memref_slice %arg16[%dma_start3A_350, %dma_start3A_351] : memref<10000x64xf32, #tpu.memory_space<vmem_shared>> -> memref<10000x64xf32, #tpu.memory_space<vmem_shared>>
      tpu.enqueue_indirect_dma source(%arg14 : memref<80x64xf32, #tpu.memory_space<vmem>>) target(%dma_start3A_352 : memref<10000x64xf32, #tpu.memory_space<vmem_shared>>) offsets(%dma_start3A_349 : memref<80xi32, #tpu.memory_space<vmem>>) semaphore(%arg23 : memref<!tpu.dma_semaphore, #tpu.memory_space<semaphore_mem>>) {add = true}
      %add3A_353 = arith.constant 2 : i32
      %add3A_354 = arith.addi %add3A_168, %add3A_353 : i32
      %broadcast_in_dim3A_355 = arith.constant 1.000000e+00 : f32
      %broadcast_in_dim3A_356 = vector.broadcast %broadcast_in_dim3A_355 : f32 to vector<16xf32>
      %get3A_357 = arith.index_cast %add3A_354 : i32 to index
      %get3A_358 = arith.constant 0 : index
      %get3A_359 = tpu.vector_load %arg11[%get3A_357, %get3A_358] {strides = array<i32>} : memref<125x80xi32, #tpu.memory_space<vmem>>, vector<16xi32>,
      %shift_right_logical3A_360 = arith.constant 4 : i32
      %shift_right_logical3A_361 = vector.broadcast %shift_right_logical3A_360 : i32 to vector<16xi32>
      %shift_right_logical3A_362 = arith.shrui %get3A_359, %shift_right_logical3A_361 : vector<16xi32>
      %and3A_363 = arith.constant 15 : i32
      %and3A_364 = vector.broadcast %and3A_363 : i32 to vector<16xi32>
      %and3A_365 = arith.andi %get3A_359, %and3A_364 : vector<16xi32>
      tpu.vector_store_idx %arg26[%shift_right_logical3A_362, %and3A_365], %broadcast_in_dim3A_356 {add = true} : memref<640x16xf32, #tpu.memory_space<vmem>>[vector<16xi32>, vector<16xi32>], vector<16xf32>,
      %get3A_366 = arith.index_cast %add3A_354 : i32 to index
      %get3A_367 = arith.constant 16 : index
      %get3A_368 = tpu.vector_load %arg11[%get3A_366, %get3A_367] {strides = array<i32>} : memref<125x80xi32, #tpu.memory_space<vmem>>, vector<16xi32>,
      %shift_right_logical3A_369 = arith.constant 4 : i32
      %shift_right_logical3A_370 = vector.broadcast %shift_right_logical3A_369 : i32 to vector<16xi32>
      %shift_right_logical3A_371 = arith.shrui %get3A_368, %shift_right_logical3A_370 : vector<16xi32>
      %and3A_372 = arith.constant 15 : i32
      %and3A_373 = vector.broadcast %and3A_372 : i32 to vector<16xi32>
      %and3A_374 = arith.andi %get3A_368, %and3A_373 : vector<16xi32>
      tpu.vector_store_idx %arg26[%shift_right_logical3A_371, %and3A_374], %broadcast_in_dim3A_356 {add = true} : memref<640x16xf32, #tpu.memory_space<vmem>>[vector<16xi32>, vector<16xi32>], vector<16xf32>,
      %get3A_375 = arith.index_cast %add3A_354 : i32 to index
      %get3A_376 = arith.constant 32 : index
      %get3A_377 = tpu.vector_load %arg11[%get3A_375, %get3A_376] {strides = array<i32>} : memref<125x80xi32, #tpu.memory_space<vmem>>, vector<16xi32>,
      %shift_right_logical3A_378 = arith.constant 4 : i32
      %shift_right_logical3A_379 = vector.broadcast %shift_right_logical3A_378 : i32 to vector<16xi32>
      %shift_right_logical3A_380 = arith.shrui %get3A_377, %shift_right_logical3A_379 : vector<16xi32>
      %and3A_381 = arith.constant 15 : i32
      %and3A_382 = vector.broadcast %and3A_381 : i32 to vector<16xi32>
      %and3A_383 = arith.andi %get3A_377, %and3A_382 : vector<16xi32>
      tpu.vector_store_idx %arg26[%shift_right_logical3A_380, %and3A_383], %broadcast_in_dim3A_356 {add = true} : memref<640x16xf32, #tpu.memory_space<vmem>>[vector<16xi32>, vector<16xi32>], vector<16xf32>,
      %get3A_384 = arith.index_cast %add3A_354 : i32 to index
      %get3A_385 = arith.constant 48 : index
      %get3A_386 = tpu.vector_load %arg11[%get3A_384, %get3A_385] {strides = array<i32>} : memref<125x80xi32, #tpu.memory_space<vmem>>, vector<16xi32>,
      %shift_right_logical3A_387 = arith.constant 4 : i32
      %shift_right_logical3A_388 = vector.broadcast %shift_right_logical3A_387 : i32 to vector<16xi32>
      %shift_right_logical3A_389 = arith.shrui %get3A_386, %shift_right_logical3A_388 : vector<16xi32>
      %and3A_390 = arith.constant 15 : i32
      %and3A_391 = vector.broadcast %and3A_390 : i32 to vector<16xi32>
      %and3A_392 = arith.andi %get3A_386, %and3A_391 : vector<16xi32>
      tpu.vector_store_idx %arg26[%shift_right_logical3A_389, %and3A_392], %broadcast_in_dim3A_356 {add = true} : memref<640x16xf32, #tpu.memory_space<vmem>>[vector<16xi32>, vector<16xi32>], vector<16xf32>,
      %get3A_393 = arith.index_cast %add3A_354 : i32 to index
      %get3A_394 = arith.constant 64 : index
      %get3A_395 = tpu.vector_load %arg11[%get3A_393, %get3A_394] {strides = array<i32>} : memref<125x80xi32, #tpu.memory_space<vmem>>, vector<16xi32>,
      %shift_right_logical3A_396 = arith.constant 4 : i32
      %shift_right_logical3A_397 = vector.broadcast %shift_right_logical3A_396 : i32 to vector<16xi32>
      %shift_right_logical3A_398 = arith.shrui %get3A_395, %shift_right_logical3A_397 : vector<16xi32>
      %and3A_399 = arith.constant 15 : i32
      %and3A_400 = vector.broadcast %and3A_399 : i32 to vector<16xi32>
      %and3A_401 = arith.andi %get3A_395, %and3A_400 : vector<16xi32>
      tpu.vector_store_idx %arg26[%shift_right_logical3A_398, %and3A_401], %broadcast_in_dim3A_356 {add = true} : memref<640x16xf32, #tpu.memory_space<vmem>>[vector<16xi32>, vector<16xi32>], vector<16xf32>,
      %add3A_402 = arith.constant 3 : i32
      %add3A_403 = arith.addi %add3A_168, %add3A_402 : i32
      %dma_wait3A_404 = arith.constant 0 : i32
      %dma_wait3A_405 = tpu.memref_slice %arg10[%add3A_403, %dma_wait3A_404] : memref<125x80xi32, #tpu.memory_space<vmem>> -> memref<1x80xi32, #tpu.memory_space<vmem>>
      %dma_wait3A_406 = tpu.memref_squeeze %dma_wait3A_405 : memref<1x80xi32, #tpu.memory_space<vmem>> -> memref<80xi32, #tpu.memory_space<vmem>>
      %dma_wait3A_407 = arith.constant 0 : i32
      %dma_wait3A_408 = arith.constant 0 : i32
      %dma_wait3A_409 = tpu.memref_slice %arg2[%dma_wait3A_407, %dma_wait3A_408] : memref<10000x64xf32, #tpu.memory_space<hbm>> -> memref<10000x64xf32, #tpu.memory_space<hbm>>
      tpu.wait_indirect_dma semaphore(%arg20 : memref<!tpu.dma_semaphore, #tpu.memory_space<semaphore_mem>>) src(%dma_wait3A_409 : memref<10000x64xf32, #tpu.memory_space<hbm>>) dst(%arg15 : memref<80x64xf32, #tpu.memory_space<vmem>>)
      %add3A_410 = arith.constant 3 : i32
      %add3A_411 = arith.addi %add3A_168, %add3A_410 : i32
      %dma_start3A_412 = arith.constant 0 : i32
      %dma_start3A_413 = tpu.memref_slice %arg11[%add3A_411, %dma_start3A_412] : memref<125x80xi32, #tpu.memory_space<vmem>> -> memref<1x80xi32, #tpu.memory_space<vmem>>
      %dma_start3A_414 = tpu.memref_squeeze %dma_start3A_413 : memref<1x80xi32, #tpu.memory_space<vmem>> -> memref<80xi32, #tpu.memory_space<vmem>>
      %dma_start3A_415 = arith.constant 0 : i32
      %dma_start3A_416 = arith.constant 0 : i32
      %dma_start3A_417 = tpu.memref_slice %arg16[%dma_start3A_415, %dma_start3A_416] : memref<10000x64xf32, #tpu.memory_space<vmem_shared>> -> memref<10000x64xf32, #tpu.memory_space<vmem_shared>>
      tpu.enqueue_indirect_dma source(%arg15 : memref<80x64xf32, #tpu.memory_space<vmem>>) target(%dma_start3A_417 : memref<10000x64xf32, #tpu.memory_space<vmem_shared>>) offsets(%dma_start3A_414 : memref<80xi32, #tpu.memory_space<vmem>>) semaphore(%arg24 : memref<!tpu.dma_semaphore, #tpu.memory_space<semaphore_mem>>) {add = true}
      %add3A_418 = arith.constant 3 : i32
      %add3A_419 = arith.addi %add3A_168, %add3A_418 : i32
      %broadcast_in_dim3A_420 = arith.constant 1.000000e+00 : f32
      %broadcast_in_dim3A_421 = vector.broadcast %broadcast_in_dim3A_420 : f32 to vector<16xf32>
      %get3A_422 = arith.index_cast %add3A_419 : i32 to index
      %get3A_423 = arith.constant 0 : index
      %get3A_424 = tpu.vector_load %arg11[%get3A_422, %get3A_423] {strides = array<i32>} : memref<125x80xi32, #tpu.memory_space<vmem>>, vector<16xi32>,
      %shift_right_logical3A_425 = arith.constant 4 : i32
      %shift_right_logical3A_426 = vector.broadcast %shift_right_logical3A_425 : i32 to vector<16xi32>
      %shift_right_logical3A_427 = arith.shrui %get3A_424, %shift_right_logical3A_426 : vector<16xi32>
      %and3A_428 = arith.constant 15 : i32
      %and3A_429 = vector.broadcast %and3A_428 : i32 to vector<16xi32>
      %and3A_430 = arith.andi %get3A_424, %and3A_429 : vector<16xi32>
      tpu.vector_store_idx %arg26[%shift_right_logical3A_427, %and3A_430], %broadcast_in_dim3A_421 {add = true} : memref<640x16xf32, #tpu.memory_space<vmem>>[vector<16xi32>, vector<16xi32>], vector<16xf32>,
      %get3A_431 = arith.index_cast %add3A_419 : i32 to index
      %get3A_432 = arith.constant 16 : index
      %get3A_433 = tpu.vector_load %arg11[%get3A_431, %get3A_432] {strides = array<i32>} : memref<125x80xi32, #tpu.memory_space<vmem>>, vector<16xi32>,
      %shift_right_logical3A_434 = arith.constant 4 : i32
      %shift_right_logical3A_435 = vector.broadcast %shift_right_logical3A_434 : i32 to vector<16xi32>
      %shift_right_logical3A_436 = arith.shrui %get3A_433, %shift_right_logical3A_435 : vector<16xi32>
      %and3A_437 = arith.constant 15 : i32
      %and3A_438 = vector.broadcast %and3A_437 : i32 to vector<16xi32>
      %and3A_439 = arith.andi %get3A_433, %and3A_438 : vector<16xi32>
      tpu.vector_store_idx %arg26[%shift_right_logical3A_436, %and3A_439], %broadcast_in_dim3A_421 {add = true} : memref<640x16xf32, #tpu.memory_space<vmem>>[vector<16xi32>, vector<16xi32>], vector<16xf32>,
      %get3A_440 = arith.index_cast %add3A_419 : i32 to index
      %get3A_441 = arith.constant 32 : index
      %get3A_442 = tpu.vector_load %arg11[%get3A_440, %get3A_441] {strides = array<i32>} : memref<125x80xi32, #tpu.memory_space<vmem>>, vector<16xi32>,
      %shift_right_logical3A_443 = arith.constant 4 : i32
      %shift_right_logical3A_444 = vector.broadcast %shift_right_logical3A_443 : i32 to vector<16xi32>
      %shift_right_logical3A_445 = arith.shrui %get3A_442, %shift_right_logical3A_444 : vector<16xi32>
      %and3A_446 = arith.constant 15 : i32
      %and3A_447 = vector.broadcast %and3A_446 : i32 to vector<16xi32>
      %and3A_448 = arith.andi %get3A_442, %and3A_447 : vector<16xi32>
      tpu.vector_store_idx %arg26[%shift_right_logical3A_445, %and3A_448], %broadcast_in_dim3A_421 {add = true} : memref<640x16xf32, #tpu.memory_space<vmem>>[vector<16xi32>, vector<16xi32>], vector<16xf32>,
      %get3A_449 = arith.index_cast %add3A_419 : i32 to index
      %get3A_450 = arith.constant 48 : index
      %get3A_451 = tpu.vector_load %arg11[%get3A_449, %get3A_450] {strides = array<i32>} : memref<125x80xi32, #tpu.memory_space<vmem>>, vector<16xi32>,
      %shift_right_logical3A_452 = arith.constant 4 : i32
      %shift_right_logical3A_453 = vector.broadcast %shift_right_logical3A_452 : i32 to vector<16xi32>
      %shift_right_logical3A_454 = arith.shrui %get3A_451, %shift_right_logical3A_453 : vector<16xi32>
      %and3A_455 = arith.constant 15 : i32
      %and3A_456 = vector.broadcast %and3A_455 : i32 to vector<16xi32>
      %and3A_457 = arith.andi %get3A_451, %and3A_456 : vector<16xi32>
      tpu.vector_store_idx %arg26[%shift_right_logical3A_454, %and3A_457], %broadcast_in_dim3A_421 {add = true} : memref<640x16xf32, #tpu.memory_space<vmem>>[vector<16xi32>, vector<16xi32>], vector<16xf32>,
      %get3A_458 = arith.index_cast %add3A_419 : i32 to index
      %get3A_459 = arith.constant 64 : index
      %get3A_460 = tpu.vector_load %arg11[%get3A_458, %get3A_459] {strides = array<i32>} : memref<125x80xi32, #tpu.memory_space<vmem>>, vector<16xi32>,
      %shift_right_logical3A_461 = arith.constant 4 : i32
      %shift_right_logical3A_462 = vector.broadcast %shift_right_logical3A_461 : i32 to vector<16xi32>
      %shift_right_logical3A_463 = arith.shrui %get3A_460, %shift_right_logical3A_462 : vector<16xi32>
      %and3A_464 = arith.constant 15 : i32
      %and3A_465 = vector.broadcast %and3A_464 : i32 to vector<16xi32>
      %and3A_466 = arith.andi %get3A_460, %and3A_465 : vector<16xi32>
      tpu.vector_store_idx %arg26[%shift_right_logical3A_463, %and3A_466], %broadcast_in_dim3A_421 {add = true} : memref<640x16xf32, #tpu.memory_space<vmem>>[vector<16xi32>, vector<16xi32>], vector<16xf32>,
    }
    %scan3A_56 = arith.constant 31 : i32
    %dma_wait3A_57 = arith.constant 124 : i32
    %dma_wait3A_58 = arith.constant 0 : i32
    %dma_wait3A_59 = tpu.memref_slice %arg10[%dma_wait3A_57, %dma_wait3A_58] : memref<125x80xi32, #tpu.memory_space<vmem>> -> memref<1x80xi32, #tpu.memory_space<vmem>>
    %dma_wait3A_60 = tpu.memref_squeeze %dma_wait3A_59 : memref<1x80xi32, #tpu.memory_space<vmem>> -> memref<80xi32, #tpu.memory_space<vmem>>
    %dma_wait3A_61 = arith.constant 0 : i32
    %dma_wait3A_62 = arith.constant 0 : i32
    %dma_wait3A_63 = tpu.memref_slice %arg2[%dma_wait3A_61, %dma_wait3A_62] : memref<10000x64xf32, #tpu.memory_space<hbm>> -> memref<10000x64xf32, #tpu.memory_space<hbm>>
    tpu.wait_indirect_dma semaphore(%arg17 : memref<!tpu.dma_semaphore, #tpu.memory_space<semaphore_mem>>) src(%dma_wait3A_63 : memref<10000x64xf32, #tpu.memory_space<hbm>>) dst(%arg12 : memref<80x64xf32, #tpu.memory_space<vmem>>)
    %dma_start3A_64 = arith.constant 124 : i32
    %dma_start3A_65 = arith.constant 0 : i32
    %dma_start3A_66 = tpu.memref_slice %arg11[%dma_start3A_64, %dma_start3A_65] : memref<125x80xi32, #tpu.memory_space<vmem>> -> memref<1x80xi32, #tpu.memory_space<vmem>>
    %dma_start3A_67 = tpu.memref_squeeze %dma_start3A_66 : memref<1x80xi32, #tpu.memory_space<vmem>> -> memref<80xi32, #tpu.memory_space<vmem>>
    %dma_start3A_68 = arith.constant 0 : i32
    %dma_start3A_69 = arith.constant 0 : i32
    %dma_start3A_70 = tpu.memref_slice %arg16[%dma_start3A_68, %dma_start3A_69] : memref<10000x64xf32, #tpu.memory_space<vmem_shared>> -> memref<10000x64xf32, #tpu.memory_space<vmem_shared>>
    tpu.enqueue_indirect_dma source(%arg12 : memref<80x64xf32, #tpu.memory_space<vmem>>) target(%dma_start3A_70 : memref<10000x64xf32, #tpu.memory_space<vmem_shared>>) offsets(%dma_start3A_67 : memref<80xi32, #tpu.memory_space<vmem>>) semaphore(%arg21 : memref<!tpu.dma_semaphore, #tpu.memory_space<semaphore_mem>>) {add = true}
    %broadcast_in_dim3A = arith.constant 1.000000e+00 : f32
    %broadcast_in_dim3A_71 = vector.broadcast %broadcast_in_dim3A : f32 to vector<16xf32>
    %get3A = arith.constant 124 : i32
    %get3A_72 = arith.index_cast %get3A : i32 to index
    %get3A_73 = arith.constant 0 : index
    %get3A_74 = tpu.vector_load %arg11[%get3A_72, %get3A_73] {strides = array<i32>} : memref<125x80xi32, #tpu.memory_space<vmem>>, vector<16xi32>,
    %shift_right_logical3A = arith.constant 4 : i32
    %shift_right_logical3A_75 = vector.broadcast %shift_right_logical3A : i32 to vector<16xi32>
    %shift_right_logical3A_76 = arith.shrui %get3A_74, %shift_right_logical3A_75 : vector<16xi32>
    %and3A = arith.constant 15 : i32
    %and3A_77 = vector.broadcast %and3A : i32 to vector<16xi32>
    %and3A_78 = arith.andi %get3A_74, %and3A_77 : vector<16xi32>
    tpu.vector_store_idx %arg26[%shift_right_logical3A_76, %and3A_78], %broadcast_in_dim3A_71 {add = true} : memref<640x16xf32, #tpu.memory_space<vmem>>[vector<16xi32>, vector<16xi32>], vector<16xf32>,
    %get3A_79 = arith.constant 124 : i32
    %get3A_80 = arith.index_cast %get3A_79 : i32 to index
    %get3A_81 = arith.constant 16 : index
    %get3A_82 = tpu.vector_load %arg11[%get3A_80, %get3A_81] {strides = array<i32>} : memref<125x80xi32, #tpu.memory_space<vmem>>, vector<16xi32>,
    %shift_right_logical3A_83 = arith.constant 4 : i32
    %shift_right_logical3A_84 = vector.broadcast %shift_right_logical3A_83 : i32 to vector<16xi32>
    %shift_right_logical3A_85 = arith.shrui %get3A_82, %shift_right_logical3A_84 : vector<16xi32>
    %and3A_86 = arith.constant 15 : i32
    %and3A_87 = vector.broadcast %and3A_86 : i32 to vector<16xi32>
    %and3A_88 = arith.andi %get3A_82, %and3A_87 : vector<16xi32>
    tpu.vector_store_idx %arg26[%shift_right_logical3A_85, %and3A_88], %broadcast_in_dim3A_71 {add = true} : memref<640x16xf32, #tpu.memory_space<vmem>>[vector<16xi32>, vector<16xi32>], vector<16xf32>,
    %get3A_89 = arith.constant 124 : i32
    %get3A_90 = arith.index_cast %get3A_89 : i32 to index
    %get3A_91 = arith.constant 32 : index
    %get3A_92 = tpu.vector_load %arg11[%get3A_90, %get3A_91] {strides = array<i32>} : memref<125x80xi32, #tpu.memory_space<vmem>>, vector<16xi32>,
    %shift_right_logical3A_93 = arith.constant 4 : i32
    %shift_right_logical3A_94 = vector.broadcast %shift_right_logical3A_93 : i32 to vector<16xi32>
    %shift_right_logical3A_95 = arith.shrui %get3A_92, %shift_right_logical3A_94 : vector<16xi32>
    %and3A_96 = arith.constant 15 : i32
    %and3A_97 = vector.broadcast %and3A_96 : i32 to vector<16xi32>
    %and3A_98 = arith.andi %get3A_92, %and3A_97 : vector<16xi32>
    tpu.vector_store_idx %arg26[%shift_right_logical3A_95, %and3A_98], %broadcast_in_dim3A_71 {add = true} : memref<640x16xf32, #tpu.memory_space<vmem>>[vector<16xi32>, vector<16xi32>], vector<16xf32>,
    %get3A_99 = arith.constant 124 : i32
    %get3A_100 = arith.index_cast %get3A_99 : i32 to index
    %get3A_101 = arith.constant 48 : index
    %get3A_102 = tpu.vector_load %arg11[%get3A_100, %get3A_101] {strides = array<i32>} : memref<125x80xi32, #tpu.memory_space<vmem>>, vector<16xi32>,
    %shift_right_logical3A_103 = arith.constant 4 : i32
    %shift_right_logical3A_104 = vector.broadcast %shift_right_logical3A_103 : i32 to vector<16xi32>
    %shift_right_logical3A_105 = arith.shrui %get3A_102, %shift_right_logical3A_104 : vector<16xi32>
    %and3A_106 = arith.constant 15 : i32
    %and3A_107 = vector.broadcast %and3A_106 : i32 to vector<16xi32>
    %and3A_108 = arith.andi %get3A_102, %and3A_107 : vector<16xi32>
    tpu.vector_store_idx %arg26[%shift_right_logical3A_105, %and3A_108], %broadcast_in_dim3A_71 {add = true} : memref<640x16xf32, #tpu.memory_space<vmem>>[vector<16xi32>, vector<16xi32>], vector<16xf32>,
    %get3A_109 = arith.constant 124 : i32
    %get3A_110 = arith.index_cast %get3A_109 : i32 to index
    %get3A_111 = arith.constant 64 : index
    %get3A_112 = tpu.vector_load %arg11[%get3A_110, %get3A_111] {strides = array<i32>} : memref<125x80xi32, #tpu.memory_space<vmem>>, vector<16xi32>,
    %shift_right_logical3A_113 = arith.constant 4 : i32
    %shift_right_logical3A_114 = vector.broadcast %shift_right_logical3A_113 : i32 to vector<16xi32>
    %shift_right_logical3A_115 = arith.shrui %get3A_112, %shift_right_logical3A_114 : vector<16xi32>
    %and3A_116 = arith.constant 15 : i32
    %and3A_117 = vector.broadcast %and3A_116 : i32 to vector<16xi32>
    %and3A_118 = arith.andi %get3A_112, %and3A_117 : vector<16xi32>
    tpu.vector_store_idx %arg26[%shift_right_logical3A_115, %and3A_118], %broadcast_in_dim3A_71 {add = true} : memref<640x16xf32, #tpu.memory_space<vmem>>[vector<16xi32>, vector<16xi32>], vector<16xf32>,
    %dma_wait3A_119 = arith.constant 121 : i32
    %dma_wait3A_120 = arith.constant 0 : i32
    %dma_wait3A_121 = tpu.memref_slice %arg11[%dma_wait3A_119, %dma_wait3A_120] : memref<125x80xi32, #tpu.memory_space<vmem>> -> memref<1x80xi32, #tpu.memory_space<vmem>>
    %dma_wait3A_122 = tpu.memref_squeeze %dma_wait3A_121 : memref<1x80xi32, #tpu.memory_space<vmem>> -> memref<80xi32, #tpu.memory_space<vmem>>
    %dma_wait3A_123 = arith.constant 0 : i32
    %dma_wait3A_124 = arith.constant 0 : i32
    %dma_wait3A_125 = tpu.memref_slice %arg16[%dma_wait3A_123, %dma_wait3A_124] : memref<10000x64xf32, #tpu.memory_space<vmem_shared>> -> memref<10000x64xf32, #tpu.memory_space<vmem_shared>>
    tpu.wait_indirect_dma semaphore(%arg22 : memref<!tpu.dma_semaphore, #tpu.memory_space<semaphore_mem>>) src(%arg13 : memref<80x64xf32, #tpu.memory_space<vmem>>) dst(%dma_wait3A_125 : memref<10000x64xf32, #tpu.memory_space<vmem_shared>>)
    %dma_wait3A_126 = arith.constant 122 : i32
    %dma_wait3A_127 = arith.constant 0 : i32
    %dma_wait3A_128 = tpu.memref_slice %arg11[%dma_wait3A_126, %dma_wait3A_127] : memref<125x80xi32, #tpu.memory_space<vmem>> -> memref<1x80xi32, #tpu.memory_space<vmem>>
    %dma_wait3A_129 = tpu.memref_squeeze %dma_wait3A_128 : memref<1x80xi32, #tpu.memory_space<vmem>> -> memref<80xi32, #tpu.memory_space<vmem>>
    %dma_wait3A_130 = arith.constant 0 : i32
    %dma_wait3A_131 = arith.constant 0 : i32
    %dma_wait3A_132 = tpu.memref_slice %arg16[%dma_wait3A_130, %dma_wait3A_131] : memref<10000x64xf32, #tpu.memory_space<vmem_shared>> -> memref<10000x64xf32, #tpu.memory_space<vmem_shared>>
    tpu.wait_indirect_dma semaphore(%arg23 : memref<!tpu.dma_semaphore, #tpu.memory_space<semaphore_mem>>) src(%arg14 : memref<80x64xf32, #tpu.memory_space<vmem>>) dst(%dma_wait3A_132 : memref<10000x64xf32, #tpu.memory_space<vmem_shared>>)
    %dma_wait3A_133 = arith.constant 123 : i32
    %dma_wait3A_134 = arith.constant 0 : i32
    %dma_wait3A_135 = tpu.memref_slice %arg11[%dma_wait3A_133, %dma_wait3A_134] : memref<125x80xi32, #tpu.memory_space<vmem>> -> memref<1x80xi32, #tpu.memory_space<vmem>>
    %dma_wait3A_136 = tpu.memref_squeeze %dma_wait3A_135 : memref<1x80xi32, #tpu.memory_space<vmem>> -> memref<80xi32, #tpu.memory_space<vmem>>
    %dma_wait3A_137 = arith.constant 0 : i32
    %dma_wait3A_138 = arith.constant 0 : i32
    %dma_wait3A_139 = tpu.memref_slice %arg16[%dma_wait3A_137, %dma_wait3A_138] : memref<10000x64xf32, #tpu.memory_space<vmem_shared>> -> memref<10000x64xf32, #tpu.memory_space<vmem_shared>>
    tpu.wait_indirect_dma semaphore(%arg24 : memref<!tpu.dma_semaphore, #tpu.memory_space<semaphore_mem>>) src(%arg15 : memref<80x64xf32, #tpu.memory_space<vmem>>) dst(%dma_wait3A_139 : memref<10000x64xf32, #tpu.memory_space<vmem_shared>>)
    %dma_wait3A_140 = arith.constant 124 : i32
    %dma_wait3A_141 = arith.constant 0 : i32
    %dma_wait3A_142 = tpu.memref_slice %arg11[%dma_wait3A_140, %dma_wait3A_141] : memref<125x80xi32, #tpu.memory_space<vmem>> -> memref<1x80xi32, #tpu.memory_space<vmem>>
    %dma_wait3A_143 = tpu.memref_squeeze %dma_wait3A_142 : memref<1x80xi32, #tpu.memory_space<vmem>> -> memref<80xi32, #tpu.memory_space<vmem>>
    %dma_wait3A_144 = arith.constant 0 : i32
    %dma_wait3A_145 = arith.constant 0 : i32
    %dma_wait3A_146 = tpu.memref_slice %arg16[%dma_wait3A_144, %dma_wait3A_145] : memref<10000x64xf32, #tpu.memory_space<vmem_shared>> -> memref<10000x64xf32, #tpu.memory_space<vmem_shared>>
    tpu.wait_indirect_dma semaphore(%arg21 : memref<!tpu.dma_semaphore, #tpu.memory_space<semaphore_mem>>) src(%arg12 : memref<80x64xf32, #tpu.memory_space<vmem>>) dst(%dma_wait3A_146 : memref<10000x64xf32, #tpu.memory_space<vmem_shared>>)
    %run_scoped3A = arith.constant 0 : i32
    "tpu.region"() ({
      %run_scoped3A_164 = tpu.sem_alloc : memref<!tpu.dma_semaphore, #tpu.memory_space<semaphore_mem>>
      %dma_start3A_165 = arith.constant 0 : i32
      %dma_start3A_166 = arith.constant 0 : i32
      %dma_start3A_167 = tpu.memref_slice %arg26[%dma_start3A_165, %dma_start3A_166] : memref<640x16xf32, #tpu.memory_space<vmem>> -> memref<128x16xf32, #tpu.memory_space<vmem>>
      %dma_start3A_168 = arith.constant 0 : i32
      %dma_start3A_169 = tpu.memref_slice %arg28[%run_scoped3A, %dma_start3A_168] : memref<5x128xi32, #tpu.memory_space<vmem>> -> memref<1x128xi32, #tpu.memory_space<vmem>>
      %dma_start3A_170 = tpu.memref_squeeze %dma_start3A_169 : memref<1x128xi32, #tpu.memory_space<vmem>> -> memref<128xi32, #tpu.memory_space<vmem>>
      %dma_start3A_171 = arith.constant 0 : i32
      %dma_start3A_172 = arith.constant 0 : i32
      %dma_start3A_173 = tpu.memref_slice %arg27[%dma_start3A_171, %dma_start3A_172] : memref<640x16xf32, #tpu.memory_space<vmem_shared>> -> memref<640x16xf32, #tpu.memory_space<vmem_shared>>
      tpu.enqueue_indirect_dma source(%dma_start3A_167 : memref<128x16xf32, #tpu.memory_space<vmem>>) target(%dma_start3A_173 : memref<640x16xf32, #tpu.memory_space<vmem_shared>>) offsets(%dma_start3A_170 : memref<128xi32, #tpu.memory_space<vmem>>) semaphore(%run_scoped3A_164 : memref<!tpu.dma_semaphore, #tpu.memory_space<semaphore_mem>>) {add = true}
      %dma_wait3A_174 = arith.constant 0 : i32
      %dma_wait3A_175 = arith.constant 0 : i32
      %dma_wait3A_176 = tpu.memref_slice %arg26[%dma_wait3A_174, %dma_wait3A_175] : memref<640x16xf32, #tpu.memory_space<vmem>> -> memref<128x16xf32, #tpu.memory_space<vmem>>
      %dma_wait3A_177 = arith.constant 0 : i32
      %dma_wait3A_178 = tpu.memref_slice %arg28[%run_scoped3A, %dma_wait3A_177] : memref<5x128xi32, #tpu.memory_space<vmem>> -> memref<1x128xi32, #tpu.memory_space<vmem>>
      %dma_wait3A_179 = tpu.memref_squeeze %dma_wait3A_178 : memref<1x128xi32, #tpu.memory_space<vmem>> -> memref<128xi32, #tpu.memory_space<vmem>>
      %dma_wait3A_180 = arith.constant 0 : i32
      %dma_wait3A_181 = arith.constant 0 : i32
      %dma_wait3A_182 = tpu.memref_slice %arg27[%dma_wait3A_180, %dma_wait3A_181] : memref<640x16xf32, #tpu.memory_space<vmem_shared>> -> memref<640x16xf32, #tpu.memory_space<vmem_shared>>
      tpu.wait_indirect_dma semaphore(%run_scoped3A_164 : memref<!tpu.dma_semaphore, #tpu.memory_space<semaphore_mem>>) src(%dma_wait3A_176 : memref<128x16xf32, #tpu.memory_space<vmem>>) dst(%dma_wait3A_182 : memref<640x16xf32, #tpu.memory_space<vmem_shared>>)
      tpu.yield
    }) : () -> ()
    %run_scoped3A_147 = arith.constant 1 : i32
    "tpu.region"() ({
      %run_scoped3A_164 = tpu.sem_alloc : memref<!tpu.dma_semaphore, #tpu.memory_space<semaphore_mem>>
      %dma_start3A_165 = arith.constant 128 : i32
      %dma_start3A_166 = arith.constant 0 : i32
      %dma_start3A_167 = tpu.memref_slice %arg26[%dma_start3A_165, %dma_start3A_166] : memref<640x16xf32, #tpu.memory_space<vmem>> -> memref<128x16xf32, #tpu.memory_space<vmem>>
      %dma_start3A_168 = arith.constant 0 : i32
      %dma_start3A_169 = tpu.memref_slice %arg28[%run_scoped3A_147, %dma_start3A_168] : memref<5x128xi32, #tpu.memory_space<vmem>> -> memref<1x128xi32, #tpu.memory_space<vmem>>
      %dma_start3A_170 = tpu.memref_squeeze %dma_start3A_169 : memref<1x128xi32, #tpu.memory_space<vmem>> -> memref<128xi32, #tpu.memory_space<vmem>>
      %dma_start3A_171 = arith.constant 0 : i32
      %dma_start3A_172 = arith.constant 0 : i32
      %dma_start3A_173 = tpu.memref_slice %arg27[%dma_start3A_171, %dma_start3A_172] : memref<640x16xf32, #tpu.memory_space<vmem_shared>> -> memref<640x16xf32, #tpu.memory_space<vmem_shared>>
      tpu.enqueue_indirect_dma source(%dma_start3A_167 : memref<128x16xf32, #tpu.memory_space<vmem>>) target(%dma_start3A_173 : memref<640x16xf32, #tpu.memory_space<vmem_shared>>) offsets(%dma_start3A_170 : memref<128xi32, #tpu.memory_space<vmem>>) semaphore(%run_scoped3A_164 : memref<!tpu.dma_semaphore, #tpu.memory_space<semaphore_mem>>) {add = true}
      %dma_wait3A_174 = arith.constant 128 : i32
      %dma_wait3A_175 = arith.constant 0 : i32
      %dma_wait3A_176 = tpu.memref_slice %arg26[%dma_wait3A_174, %dma_wait3A_175] : memref<640x16xf32, #tpu.memory_space<vmem>> -> memref<128x16xf32, #tpu.memory_space<vmem>>
      %dma_wait3A_177 = arith.constant 0 : i32
      %dma_wait3A_178 = tpu.memref_slice %arg28[%run_scoped3A_147, %dma_wait3A_177] : memref<5x128xi32, #tpu.memory_space<vmem>> -> memref<1x128xi32, #tpu.memory_space<vmem>>
      %dma_wait3A_179 = tpu.memref_squeeze %dma_wait3A_178 : memref<1x128xi32, #tpu.memory_space<vmem>> -> memref<128xi32, #tpu.memory_space<vmem>>
      %dma_wait3A_180 = arith.constant 0 : i32
      %dma_wait3A_181 = arith.constant 0 : i32
      %dma_wait3A_182 = tpu.memref_slice %arg27[%dma_wait3A_180, %dma_wait3A_181] : memref<640x16xf32, #tpu.memory_space<vmem_shared>> -> memref<640x16xf32, #tpu.memory_space<vmem_shared>>
      tpu.wait_indirect_dma semaphore(%run_scoped3A_164 : memref<!tpu.dma_semaphore, #tpu.memory_space<semaphore_mem>>) src(%dma_wait3A_176 : memref<128x16xf32, #tpu.memory_space<vmem>>) dst(%dma_wait3A_182 : memref<640x16xf32, #tpu.memory_space<vmem_shared>>)
      tpu.yield
    }) : () -> ()
    %run_scoped3A_148 = arith.constant 2 : i32
    "tpu.region"() ({
      %run_scoped3A_164 = tpu.sem_alloc : memref<!tpu.dma_semaphore, #tpu.memory_space<semaphore_mem>>
      %dma_start3A_165 = arith.constant 256 : i32
      %dma_start3A_166 = arith.constant 0 : i32
      %dma_start3A_167 = tpu.memref_slice %arg26[%dma_start3A_165, %dma_start3A_166] : memref<640x16xf32, #tpu.memory_space<vmem>> -> memref<128x16xf32, #tpu.memory_space<vmem>>
      %dma_start3A_168 = arith.constant 0 : i32
      %dma_start3A_169 = tpu.memref_slice %arg28[%run_scoped3A_148, %dma_start3A_168] : memref<5x128xi32, #tpu.memory_space<vmem>> -> memref<1x128xi32, #tpu.memory_space<vmem>>
      %dma_start3A_170 = tpu.memref_squeeze %dma_start3A_169 : memref<1x128xi32, #tpu.memory_space<vmem>> -> memref<128xi32, #tpu.memory_space<vmem>>
      %dma_start3A_171 = arith.constant 0 : i32
      %dma_start3A_172 = arith.constant 0 : i32
      %dma_start3A_173 = tpu.memref_slice %arg27[%dma_start3A_171, %dma_start3A_172] : memref<640x16xf32, #tpu.memory_space<vmem_shared>> -> memref<640x16xf32, #tpu.memory_space<vmem_shared>>
      tpu.enqueue_indirect_dma source(%dma_start3A_167 : memref<128x16xf32, #tpu.memory_space<vmem>>) target(%dma_start3A_173 : memref<640x16xf32, #tpu.memory_space<vmem_shared>>) offsets(%dma_start3A_170 : memref<128xi32, #tpu.memory_space<vmem>>) semaphore(%run_scoped3A_164 : memref<!tpu.dma_semaphore, #tpu.memory_space<semaphore_mem>>) {add = true}
      %dma_wait3A_174 = arith.constant 256 : i32
      %dma_wait3A_175 = arith.constant 0 : i32
      %dma_wait3A_176 = tpu.memref_slice %arg26[%dma_wait3A_174, %dma_wait3A_175] : memref<640x16xf32, #tpu.memory_space<vmem>> -> memref<128x16xf32, #tpu.memory_space<vmem>>
      %dma_wait3A_177 = arith.constant 0 : i32
      %dma_wait3A_178 = tpu.memref_slice %arg28[%run_scoped3A_148, %dma_wait3A_177] : memref<5x128xi32, #tpu.memory_space<vmem>> -> memref<1x128xi32, #tpu.memory_space<vmem>>
      %dma_wait3A_179 = tpu.memref_squeeze %dma_wait3A_178 : memref<1x128xi32, #tpu.memory_space<vmem>> -> memref<128xi32, #tpu.memory_space<vmem>>
      %dma_wait3A_180 = arith.constant 0 : i32
      %dma_wait3A_181 = arith.constant 0 : i32
      %dma_wait3A_182 = tpu.memref_slice %arg27[%dma_wait3A_180, %dma_wait3A_181] : memref<640x16xf32, #tpu.memory_space<vmem_shared>> -> memref<640x16xf32, #tpu.memory_space<vmem_shared>>
      tpu.wait_indirect_dma semaphore(%run_scoped3A_164 : memref<!tpu.dma_semaphore, #tpu.memory_space<semaphore_mem>>) src(%dma_wait3A_176 : memref<128x16xf32, #tpu.memory_space<vmem>>) dst(%dma_wait3A_182 : memref<640x16xf32, #tpu.memory_space<vmem_shared>>)
      tpu.yield
    }) : () -> ()
    %run_scoped3A_149 = arith.constant 3 : i32
    "tpu.region"() ({
      %run_scoped3A_164 = tpu.sem_alloc : memref<!tpu.dma_semaphore, #tpu.memory_space<semaphore_mem>>
      %dma_start3A_165 = arith.constant 384 : i32
      %dma_start3A_166 = arith.constant 0 : i32
      %dma_start3A_167 = tpu.memref_slice %arg26[%dma_start3A_165, %dma_start3A_166] : memref<640x16xf32, #tpu.memory_space<vmem>> -> memref<128x16xf32, #tpu.memory_space<vmem>>
      %dma_start3A_168 = arith.constant 0 : i32
      %dma_start3A_169 = tpu.memref_slice %arg28[%run_scoped3A_149, %dma_start3A_168] : memref<5x128xi32, #tpu.memory_space<vmem>> -> memref<1x128xi32, #tpu.memory_space<vmem>>
      %dma_start3A_170 = tpu.memref_squeeze %dma_start3A_169 : memref<1x128xi32, #tpu.memory_space<vmem>> -> memref<128xi32, #tpu.memory_space<vmem>>
      %dma_start3A_171 = arith.constant 0 : i32
      %dma_start3A_172 = arith.constant 0 : i32
      %dma_start3A_173 = tpu.memref_slice %arg27[%dma_start3A_171, %dma_start3A_172] : memref<640x16xf32, #tpu.memory_space<vmem_shared>> -> memref<640x16xf32, #tpu.memory_space<vmem_shared>>
      tpu.enqueue_indirect_dma source(%dma_start3A_167 : memref<128x16xf32, #tpu.memory_space<vmem>>) target(%dma_start3A_173 : memref<640x16xf32, #tpu.memory_space<vmem_shared>>) offsets(%dma_start3A_170 : memref<128xi32, #tpu.memory_space<vmem>>) semaphore(%run_scoped3A_164 : memref<!tpu.dma_semaphore, #tpu.memory_space<semaphore_mem>>) {add = true}
      %dma_wait3A_174 = arith.constant 384 : i32
      %dma_wait3A_175 = arith.constant 0 : i32
      %dma_wait3A_176 = tpu.memref_slice %arg26[%dma_wait3A_174, %dma_wait3A_175] : memref<640x16xf32, #tpu.memory_space<vmem>> -> memref<128x16xf32, #tpu.memory_space<vmem>>
      %dma_wait3A_177 = arith.constant 0 : i32
      %dma_wait3A_178 = tpu.memref_slice %arg28[%run_scoped3A_149, %dma_wait3A_177] : memref<5x128xi32, #tpu.memory_space<vmem>> -> memref<1x128xi32, #tpu.memory_space<vmem>>
      %dma_wait3A_179 = tpu.memref_squeeze %dma_wait3A_178 : memref<1x128xi32, #tpu.memory_space<vmem>> -> memref<128xi32, #tpu.memory_space<vmem>>
      %dma_wait3A_180 = arith.constant 0 : i32
      %dma_wait3A_181 = arith.constant 0 : i32
      %dma_wait3A_182 = tpu.memref_slice %arg27[%dma_wait3A_180, %dma_wait3A_181] : memref<640x16xf32, #tpu.memory_space<vmem_shared>> -> memref<640x16xf32, #tpu.memory_space<vmem_shared>>
      tpu.wait_indirect_dma semaphore(%run_scoped3A_164 : memref<!tpu.dma_semaphore, #tpu.memory_space<semaphore_mem>>) src(%dma_wait3A_176 : memref<128x16xf32, #tpu.memory_space<vmem>>) dst(%dma_wait3A_182 : memref<640x16xf32, #tpu.memory_space<vmem_shared>>)
      tpu.yield
    }) : () -> ()
    %run_scoped3A_150 = arith.constant 4 : i32
    "tpu.region"() ({
      %run_scoped3A_164 = tpu.sem_alloc : memref<!tpu.dma_semaphore, #tpu.memory_space<semaphore_mem>>
      %dma_start3A_165 = arith.constant 512 : i32
      %dma_start3A_166 = arith.constant 0 : i32
      %dma_start3A_167 = tpu.memref_slice %arg26[%dma_start3A_165, %dma_start3A_166] : memref<640x16xf32, #tpu.memory_space<vmem>> -> memref<128x16xf32, #tpu.memory_space<vmem>>
      %dma_start3A_168 = arith.constant 0 : i32
      %dma_start3A_169 = tpu.memref_slice %arg28[%run_scoped3A_150, %dma_start3A_168] : memref<5x128xi32, #tpu.memory_space<vmem>> -> memref<1x128xi32, #tpu.memory_space<vmem>>
      %dma_start3A_170 = tpu.memref_squeeze %dma_start3A_169 : memref<1x128xi32, #tpu.memory_space<vmem>> -> memref<128xi32, #tpu.memory_space<vmem>>
      %dma_start3A_171 = arith.constant 0 : i32
      %dma_start3A_172 = arith.constant 0 : i32
      %dma_start3A_173 = tpu.memref_slice %arg27[%dma_start3A_171, %dma_start3A_172] : memref<640x16xf32, #tpu.memory_space<vmem_shared>> -> memref<640x16xf32, #tpu.memory_space<vmem_shared>>
      tpu.enqueue_indirect_dma source(%dma_start3A_167 : memref<128x16xf32, #tpu.memory_space<vmem>>) target(%dma_start3A_173 : memref<640x16xf32, #tpu.memory_space<vmem_shared>>) offsets(%dma_start3A_170 : memref<128xi32, #tpu.memory_space<vmem>>) semaphore(%run_scoped3A_164 : memref<!tpu.dma_semaphore, #tpu.memory_space<semaphore_mem>>) {add = true}
      %dma_wait3A_174 = arith.constant 512 : i32
      %dma_wait3A_175 = arith.constant 0 : i32
      %dma_wait3A_176 = tpu.memref_slice %arg26[%dma_wait3A_174, %dma_wait3A_175] : memref<640x16xf32, #tpu.memory_space<vmem>> -> memref<128x16xf32, #tpu.memory_space<vmem>>
      %dma_wait3A_177 = arith.constant 0 : i32
      %dma_wait3A_178 = tpu.memref_slice %arg28[%run_scoped3A_150, %dma_wait3A_177] : memref<5x128xi32, #tpu.memory_space<vmem>> -> memref<1x128xi32, #tpu.memory_space<vmem>>
      %dma_wait3A_179 = tpu.memref_squeeze %dma_wait3A_178 : memref<1x128xi32, #tpu.memory_space<vmem>> -> memref<128xi32, #tpu.memory_space<vmem>>
      %dma_wait3A_180 = arith.constant 0 : i32
      %dma_wait3A_181 = arith.constant 0 : i32
      %dma_wait3A_182 = tpu.memref_slice %arg27[%dma_wait3A_180, %dma_wait3A_181] : memref<640x16xf32, #tpu.memory_space<vmem_shared>> -> memref<640x16xf32, #tpu.memory_space<vmem_shared>>
      tpu.wait_indirect_dma semaphore(%run_scoped3A_164 : memref<!tpu.dma_semaphore, #tpu.memory_space<semaphore_mem>>) src(%dma_wait3A_176 : memref<128x16xf32, #tpu.memory_space<vmem>>) dst(%dma_wait3A_182 : memref<640x16xf32, #tpu.memory_space<vmem_shared>>)
      tpu.yield
    }) : () -> ()
    %barrier3A_151 = arith.constant 0 : index
    tpu.barrier barrier_id(%barrier3A_151)
    %lt3A_152 = arith.constant 15 : i32
    %lt3A_153 = arith.cmpi slt, %arg1, %lt3A_152 : i32
    %convert_element_type3A_154 = arith.extui %lt3A_153 : i1 to i32
    %cond3A_155 = arith.constant 0 : i32
    %cond3A_156 = arith.cmpi ne, %convert_element_type3A_154, %cond3A_155 : i32
    scf.if %cond3A_156 {
      "tpu.region"() ({
        %run_scoped3A_164 = tpu.sem_alloc : memref<!tpu.dma_semaphore, #tpu.memory_space<semaphore_mem>>
        %dma_start3A_165 = arith.constant 0 : i32
        %dma_start3A_166 = tpu.memref_slice %arg8[%arg0, %mul3A_2, %dma_start3A_165] : memref<2x10000x128xf32, #tpu.memory_space<hbm>> -> memref<1x640x64xf32, #tpu.memory_space<hbm>>
        %dma_start3A_167 = tpu.memref_squeeze %dma_start3A_166 : memref<1x640x64xf32, #tpu.memory_space<hbm>> -> memref<640x64xf32, #tpu.memory_space<hbm>>
        %dma_start3A_168 = arith.constant 0 : i32
        %dma_start3A_169 = tpu.memref_slice %arg16[%mul3A_2, %dma_start3A_168] : memref<10000x64xf32, #tpu.memory_space<vmem_shared>> -> memref<640x64xf32, #tpu.memory_space<vmem_shared>>
        tpu.enqueue_dma source(%dma_start3A_169 : memref<640x64xf32, #tpu.memory_space<vmem_shared>>) target(%dma_start3A_167 : memref<640x64xf32, #tpu.memory_space<hbm>>) target_semaphore(%run_scoped3A_164 : memref<!tpu.dma_semaphore, #tpu.memory_space<semaphore_mem>>)
        %dma_wait3A_170 = arith.constant 0 : i32
        %dma_wait3A_171 = tpu.memref_slice %arg8[%arg0, %mul3A_2, %dma_wait3A_170] : memref<2x10000x128xf32, #tpu.memory_space<hbm>> -> memref<1x640x64xf32, #tpu.memory_space<hbm>>
        %dma_wait3A_172 = tpu.memref_squeeze %dma_wait3A_171 : memref<1x640x64xf32, #tpu.memory_space<hbm>> -> memref<640x64xf32, #tpu.memory_space<hbm>>
        %dma_wait3A_173 = arith.constant 0 : i32
        %dma_wait3A_174 = tpu.memref_slice %arg16[%mul3A_2, %dma_wait3A_173] : memref<10000x64xf32, #tpu.memory_space<vmem_shared>> -> memref<640x64xf32, #tpu.memory_space<vmem_shared>>
        tpu.wait_dma2 semaphore(%run_scoped3A_164 : memref<!tpu.dma_semaphore, #tpu.memory_space<semaphore_mem>>) src(%dma_wait3A_174 : memref<640x64xf32, #tpu.memory_space<vmem_shared>>) dst(%dma_wait3A_172 : memref<640x64xf32, #tpu.memory_space<hbm>>)
        tpu.yield
      }) : () -> ()
    } else {
    }
    %eq3A_157 = arith.constant 15 : i32
    %eq3A_158 = arith.cmpi eq, %arg1, %eq3A_157 : i32
    %convert_element_type3A_159 = arith.extui %eq3A_158 : i1 to i32
    %cond3A_160 = arith.constant 0 : i32
    %cond3A_161 = arith.cmpi ne, %convert_element_type3A_159, %cond3A_160 : i32
    scf.if %cond3A_161 {
      "tpu.region"() ({
        %run_scoped3A_164 = tpu.sem_alloc : memref<!tpu.dma_semaphore, #tpu.memory_space<semaphore_mem>>
        %dma_start3A_165 = arith.constant 0 : i32
        %dma_start3A_166 = tpu.memref_slice %arg8[%arg0, %mul3A_2, %dma_start3A_165] : memref<2x10000x128xf32, #tpu.memory_space<hbm>> -> memref<1x400x64xf32, #tpu.memory_space<hbm>>
        %dma_start3A_167 = tpu.memref_squeeze %dma_start3A_166 : memref<1x400x64xf32, #tpu.memory_space<hbm>> -> memref<400x64xf32, #tpu.memory_space<hbm>>
        %dma_start3A_168 = arith.constant 0 : i32
        %dma_start3A_169 = tpu.memref_slice %arg16[%mul3A_2, %dma_start3A_168] : memref<10000x64xf32, #tpu.memory_space<vmem_shared>> -> memref<400x64xf32, #tpu.memory_space<vmem_shared>>
        tpu.enqueue_dma source(%dma_start3A_169 : memref<400x64xf32, #tpu.memory_space<vmem_shared>>) target(%dma_start3A_167 : memref<400x64xf32, #tpu.memory_space<hbm>>) target_semaphore(%run_scoped3A_164 : memref<!tpu.dma_semaphore, #tpu.memory_space<semaphore_mem>>)
        %dma_wait3A_170 = arith.constant 0 : i32
        %dma_wait3A_171 = tpu.memref_slice %arg8[%arg0, %mul3A_2, %dma_wait3A_170] : memref<2x10000x128xf32, #tpu.memory_space<hbm>> -> memref<1x400x64xf32, #tpu.memory_space<hbm>>
        %dma_wait3A_172 = tpu.memref_squeeze %dma_wait3A_171 : memref<1x400x64xf32, #tpu.memory_space<hbm>> -> memref<400x64xf32, #tpu.memory_space<hbm>>
        %dma_wait3A_173 = arith.constant 0 : i32
        %dma_wait3A_174 = tpu.memref_slice %arg16[%mul3A_2, %dma_wait3A_173] : memref<10000x64xf32, #tpu.memory_space<vmem_shared>> -> memref<400x64xf32, #tpu.memory_space<vmem_shared>>
        tpu.wait_dma2 semaphore(%run_scoped3A_164 : memref<!tpu.dma_semaphore, #tpu.memory_space<semaphore_mem>>) src(%dma_wait3A_174 : memref<400x64xf32, #tpu.memory_space<vmem_shared>>) dst(%dma_wait3A_172 : memref<400x64xf32, #tpu.memory_space<hbm>>)
        tpu.yield
      }) : () -> ()
    } else {
    }
    %mul3A_162 = arith.constant 40 : i32
    %mul3A_163 = arith.muli %arg1, %mul3A_162 : i32
    "tpu.region"() ({
      %run_scoped3A_164 = tpu.sem_alloc : memref<!tpu.dma_semaphore, #tpu.memory_space<semaphore_mem>>
      %dma_start3A_165 = arith.constant 0 : i32
      %dma_start3A_166 = tpu.memref_slice %arg9[%arg0, %mul3A_163, %dma_start3A_165] : memref<2x640x16xf32, #tpu.memory_space<hbm>> -> memref<1x40x16xf32, #tpu.memory_space<hbm>>
      %dma_start3A_167 = tpu.memref_squeeze %dma_start3A_166 : memref<1x40x16xf32, #tpu.memory_space<hbm>> -> memref<40x16xf32, #tpu.memory_space<hbm>>
      %dma_start3A_168 = arith.constant 0 : i32
      %dma_start3A_169 = tpu.memref_slice %arg27[%mul3A_163, %dma_start3A_168] : memref<640x16xf32, #tpu.memory_space<vmem_shared>> -> memref<40x16xf32, #tpu.memory_space<vmem_shared>>
      tpu.enqueue_dma source(%dma_start3A_169 : memref<40x16xf32, #tpu.memory_space<vmem_shared>>) target(%dma_start3A_167 : memref<40x16xf32, #tpu.memory_space<hbm>>) target_semaphore(%run_scoped3A_164 : memref<!tpu.dma_semaphore, #tpu.memory_space<semaphore_mem>>)
      %dma_wait3A_170 = arith.constant 0 : i32
      %dma_wait3A_171 = tpu.memref_slice %arg9[%arg0, %mul3A_163, %dma_wait3A_170] : memref<2x640x16xf32, #tpu.memory_space<hbm>> -> memref<1x40x16xf32, #tpu.memory_space<hbm>>
      %dma_wait3A_172 = tpu.memref_squeeze %dma_wait3A_171 : memref<1x40x16xf32, #tpu.memory_space<hbm>> -> memref<40x16xf32, #tpu.memory_space<hbm>>
      %dma_wait3A_173 = arith.constant 0 : i32
      %dma_wait3A_174 = tpu.memref_slice %arg27[%mul3A_163, %dma_wait3A_173] : memref<640x16xf32, #tpu.memory_space<vmem_shared>> -> memref<40x16xf32, #tpu.memory_space<vmem_shared>>
      tpu.wait_dma2 semaphore(%run_scoped3A_164 : memref<!tpu.dma_semaphore, #tpu.memory_space<semaphore_mem>>) src(%dma_wait3A_174 : memref<40x16xf32, #tpu.memory_space<vmem_shared>>) dst(%dma_wait3A_172 : memref<40x16xf32, #tpu.memory_space<hbm>>)
      tpu.yield
    }) : () -> ()
    return
  }
}

#map = affine_map<(d0, d1) -> (0, 0)>
#map1 = affine_map<(d0, d1) -> (0, 0, 0)>
module attributes {stable_mosaic.version = 14 : i64} {
  func.func @fn(%arg0: i32, %arg1: i32, %arg2: memref<10000x16xf32, #tpu.memory_space<hbm>>, %arg3: memref<32x125x80xi32, #tpu.memory_space<hbm>>, %arg4: memref<32x125x80xi32, #tpu.memory_space<hbm>>, %arg5: memref<10000x16xf32, #tpu.memory_space<hbm>>, %arg6: memref<2x10000x128xf32, #tpu.memory_space<hbm>>, %arg7: memref<125x80xi32, #tpu.memory_space<vmem>>, %arg8: memref<125x80xi32, #tpu.memory_space<vmem>>, %arg9: memref<80x16xf32, #tpu.memory_space<vmem>>, %arg10: memref<80x16xf32, #tpu.memory_space<vmem>>, %arg11: memref<80x16xf32, #tpu.memory_space<vmem>>, %arg12: memref<80x16xf32, #tpu.memory_space<vmem>>, %arg13: memref<10000x16xf32, #tpu.memory_space<vmem_shared>>, %arg14: memref<!tpu.dma_semaphore, #tpu.memory_space<semaphore_mem>>, %arg15: memref<!tpu.dma_semaphore, #tpu.memory_space<semaphore_mem>>, %arg16: memref<!tpu.dma_semaphore, #tpu.memory_space<semaphore_mem>>, %arg17: memref<!tpu.dma_semaphore, #tpu.memory_space<semaphore_mem>>, %arg18: memref<!tpu.dma_semaphore, #tpu.memory_space<semaphore_mem>>, %arg19: memref<!tpu.dma_semaphore, #tpu.memory_space<semaphore_mem>>, %arg20: memref<!tpu.dma_semaphore, #tpu.memory_space<semaphore_mem>>, %arg21: memref<!tpu.dma_semaphore, #tpu.memory_space<semaphore_mem>>, %arg22: memref<!tpu.dma_semaphore, #tpu.memory_space<semaphore_mem>>) attributes {dimension_semantics = [#tpu.dimension_semantics<core_parallel>, #tpu.dimension_semantics<subcore_parallel>], iteration_bounds = array<i64: 2, 16>, scalar_prefetch = 0 : i64, scratch_operands = 16 : i64, tpu.core_type = #tpu.core_type<sc_vector_subcore>, window_params = [{transform_indices = #map}, {transform_indices = #map1}, {transform_indices = #map1}, {transform_indices = #map}, {transform_indices = #map1}]} {
    %mul3A = arith.constant 16 : i32
    %mul3A_0 = arith.muli %arg0, %mul3A : i32
    %add3A = arith.addi %mul3A_0, %arg1 : i32
    %mul3A_1 = arith.constant 640 : i32
    %mul3A_2 = arith.muli %arg1, %mul3A_1 : i32
    "tpu.region"() ({
      %run_scoped3A = tpu.sem_alloc : memref<!tpu.dma_semaphore, #tpu.memory_space<semaphore_mem>>
      %dma_start3A_88 = arith.constant 0 : i32
      %dma_start3A_89 = arith.constant 0 : i32
      %dma_start3A_90 = tpu.memref_slice %arg3[%add3A, %dma_start3A_88, %dma_start3A_89] : memref<32x125x80xi32, #tpu.memory_space<hbm>> -> memref<1x125x80xi32, #tpu.memory_space<hbm>>
      %dma_start3A_91 = tpu.memref_squeeze %dma_start3A_90 : memref<1x125x80xi32, #tpu.memory_space<hbm>> -> memref<125x80xi32, #tpu.memory_space<hbm>>
      %dma_start3A_92 = arith.constant 0 : i32
      %dma_start3A_93 = arith.constant 0 : i32
      %dma_start3A_94 = tpu.memref_slice %arg3[%add3A, %dma_start3A_92, %dma_start3A_93] : memref<32x125x80xi32, #tpu.memory_space<hbm>> -> memref<1x125x80xi32, #tpu.memory_space<hbm>>
      %dma_start3A_95 = tpu.memref_squeeze %dma_start3A_94 : memref<1x125x80xi32, #tpu.memory_space<hbm>> -> memref<125x80xi32, #tpu.memory_space<hbm>>
      tpu.enqueue_dma source(%dma_start3A_95 : memref<125x80xi32, #tpu.memory_space<hbm>>) target(%arg7 : memref<125x80xi32, #tpu.memory_space<vmem>>) target_semaphore(%run_scoped3A : memref<!tpu.dma_semaphore, #tpu.memory_space<semaphore_mem>>)
      %dma_wait3A_96 = arith.constant 0 : i32
      %dma_wait3A_97 = arith.constant 0 : i32
      %dma_wait3A_98 = tpu.memref_slice %arg3[%add3A, %dma_wait3A_96, %dma_wait3A_97] : memref<32x125x80xi32, #tpu.memory_space<hbm>> -> memref<1x125x80xi32, #tpu.memory_space<hbm>>
      %dma_wait3A_99 = tpu.memref_squeeze %dma_wait3A_98 : memref<1x125x80xi32, #tpu.memory_space<hbm>> -> memref<125x80xi32, #tpu.memory_space<hbm>>
      %dma_wait3A_100 = arith.constant 0 : i32
      %dma_wait3A_101 = arith.constant 0 : i32
      %dma_wait3A_102 = tpu.memref_slice %arg3[%add3A, %dma_wait3A_100, %dma_wait3A_101] : memref<32x125x80xi32, #tpu.memory_space<hbm>> -> memref<1x125x80xi32, #tpu.memory_space<hbm>>
      %dma_wait3A_103 = tpu.memref_squeeze %dma_wait3A_102 : memref<1x125x80xi32, #tpu.memory_space<hbm>> -> memref<125x80xi32, #tpu.memory_space<hbm>>
      tpu.wait_dma2 semaphore(%run_scoped3A : memref<!tpu.dma_semaphore, #tpu.memory_space<semaphore_mem>>) src(%dma_wait3A_103 : memref<125x80xi32, #tpu.memory_space<hbm>>) dst(%arg7 : memref<125x80xi32, #tpu.memory_space<vmem>>)
      tpu.yield
    }) : () -> ()
    "tpu.region"() ({
      %run_scoped3A = tpu.sem_alloc : memref<!tpu.dma_semaphore, #tpu.memory_space<semaphore_mem>>
      %dma_start3A_88 = arith.constant 0 : i32
      %dma_start3A_89 = arith.constant 0 : i32
      %dma_start3A_90 = tpu.memref_slice %arg4[%add3A, %dma_start3A_88, %dma_start3A_89] : memref<32x125x80xi32, #tpu.memory_space<hbm>> -> memref<1x125x80xi32, #tpu.memory_space<hbm>>
      %dma_start3A_91 = tpu.memref_squeeze %dma_start3A_90 : memref<1x125x80xi32, #tpu.memory_space<hbm>> -> memref<125x80xi32, #tpu.memory_space<hbm>>
      %dma_start3A_92 = arith.constant 0 : i32
      %dma_start3A_93 = arith.constant 0 : i32
      %dma_start3A_94 = tpu.memref_slice %arg4[%add3A, %dma_start3A_92, %dma_start3A_93] : memref<32x125x80xi32, #tpu.memory_space<hbm>> -> memref<1x125x80xi32, #tpu.memory_space<hbm>>
      %dma_start3A_95 = tpu.memref_squeeze %dma_start3A_94 : memref<1x125x80xi32, #tpu.memory_space<hbm>> -> memref<125x80xi32, #tpu.memory_space<hbm>>
      tpu.enqueue_dma source(%dma_start3A_95 : memref<125x80xi32, #tpu.memory_space<hbm>>) target(%arg8 : memref<125x80xi32, #tpu.memory_space<vmem>>) target_semaphore(%run_scoped3A : memref<!tpu.dma_semaphore, #tpu.memory_space<semaphore_mem>>)
      %dma_wait3A_96 = arith.constant 0 : i32
      %dma_wait3A_97 = arith.constant 0 : i32
      %dma_wait3A_98 = tpu.memref_slice %arg4[%add3A, %dma_wait3A_96, %dma_wait3A_97] : memref<32x125x80xi32, #tpu.memory_space<hbm>> -> memref<1x125x80xi32, #tpu.memory_space<hbm>>
      %dma_wait3A_99 = tpu.memref_squeeze %dma_wait3A_98 : memref<1x125x80xi32, #tpu.memory_space<hbm>> -> memref<125x80xi32, #tpu.memory_space<hbm>>
      %dma_wait3A_100 = arith.constant 0 : i32
      %dma_wait3A_101 = arith.constant 0 : i32
      %dma_wait3A_102 = tpu.memref_slice %arg4[%add3A, %dma_wait3A_100, %dma_wait3A_101] : memref<32x125x80xi32, #tpu.memory_space<hbm>> -> memref<1x125x80xi32, #tpu.memory_space<hbm>>
      %dma_wait3A_103 = tpu.memref_squeeze %dma_wait3A_102 : memref<1x125x80xi32, #tpu.memory_space<hbm>> -> memref<125x80xi32, #tpu.memory_space<hbm>>
      tpu.wait_dma2 semaphore(%run_scoped3A : memref<!tpu.dma_semaphore, #tpu.memory_space<semaphore_mem>>) src(%dma_wait3A_103 : memref<125x80xi32, #tpu.memory_space<hbm>>) dst(%arg8 : memref<125x80xi32, #tpu.memory_space<vmem>>)
      tpu.yield
    }) : () -> ()
    %dma_start3A = arith.constant 0 : i32
    %dma_start3A_3 = arith.constant 0 : i32
    %dma_start3A_4 = tpu.memref_slice %arg7[%dma_start3A, %dma_start3A_3] : memref<125x80xi32, #tpu.memory_space<vmem>> -> memref<1x80xi32, #tpu.memory_space<vmem>>
    %dma_start3A_5 = tpu.memref_squeeze %dma_start3A_4 : memref<1x80xi32, #tpu.memory_space<vmem>> -> memref<80xi32, #tpu.memory_space<vmem>>
    %dma_start3A_6 = arith.constant 0 : i32
    %dma_start3A_7 = arith.constant 0 : i32
    %dma_start3A_8 = tpu.memref_slice %arg2[%dma_start3A_6, %dma_start3A_7] : memref<10000x16xf32, #tpu.memory_space<hbm>> -> memref<10000x16xf32, #tpu.memory_space<hbm>>
    tpu.enqueue_indirect_dma source(%dma_start3A_8 : memref<10000x16xf32, #tpu.memory_space<hbm>>) target(%arg9 : memref<80x16xf32, #tpu.memory_space<vmem>>) offsets(%dma_start3A_5 : memref<80xi32, #tpu.memory_space<vmem>>) semaphore(%arg14 : memref<!tpu.dma_semaphore, #tpu.memory_space<semaphore_mem>>)
    %dma_start3A_9 = arith.constant 1 : i32
    %dma_start3A_10 = arith.constant 0 : i32
    %dma_start3A_11 = tpu.memref_slice %arg7[%dma_start3A_9, %dma_start3A_10] : memref<125x80xi32, #tpu.memory_space<vmem>> -> memref<1x80xi32, #tpu.memory_space<vmem>>
    %dma_start3A_12 = tpu.memref_squeeze %dma_start3A_11 : memref<1x80xi32, #tpu.memory_space<vmem>> -> memref<80xi32, #tpu.memory_space<vmem>>
    %dma_start3A_13 = arith.constant 0 : i32
    %dma_start3A_14 = arith.constant 0 : i32
    %dma_start3A_15 = tpu.memref_slice %arg2[%dma_start3A_13, %dma_start3A_14] : memref<10000x16xf32, #tpu.memory_space<hbm>> -> memref<10000x16xf32, #tpu.memory_space<hbm>>
    tpu.enqueue_indirect_dma source(%dma_start3A_15 : memref<10000x16xf32, #tpu.memory_space<hbm>>) target(%arg10 : memref<80x16xf32, #tpu.memory_space<vmem>>) offsets(%dma_start3A_12 : memref<80xi32, #tpu.memory_space<vmem>>) semaphore(%arg15 : memref<!tpu.dma_semaphore, #tpu.memory_space<semaphore_mem>>)
    %lt3A = arith.constant 15 : i32
    %lt3A_16 = arith.cmpi slt, %arg1, %lt3A : i32
    %convert_element_type3A = arith.extui %lt3A_16 : i1 to i32
    %cond3A = arith.constant 0 : i32
    %cond3A_17 = arith.cmpi ne, %convert_element_type3A, %cond3A : i32
    scf.if %cond3A_17 {
      %dma_start3A_88 = arith.constant 0 : i32
      %dma_start3A_89 = tpu.memref_slice %arg13[%mul3A_2, %dma_start3A_88] : memref<10000x16xf32, #tpu.memory_space<vmem_shared>> -> memref<640x16xf32, #tpu.memory_space<vmem_shared>>
      %dma_start3A_90 = arith.constant 0 : i32
      %dma_start3A_91 = tpu.memref_slice %arg5[%mul3A_2, %dma_start3A_90] : memref<10000x16xf32, #tpu.memory_space<hbm>> -> memref<640x16xf32, #tpu.memory_space<hbm>>
      tpu.enqueue_dma source(%dma_start3A_91 : memref<640x16xf32, #tpu.memory_space<hbm>>) target(%dma_start3A_89 : memref<640x16xf32, #tpu.memory_space<vmem_shared>>) target_semaphore(%arg22 : memref<!tpu.dma_semaphore, #tpu.memory_space<semaphore_mem>>)
    } else {
    }
    %eq3A = arith.constant 15 : i32
    %eq3A_18 = arith.cmpi eq, %arg1, %eq3A : i32
    %convert_element_type3A_19 = arith.extui %eq3A_18 : i1 to i32
    %cond3A_20 = arith.constant 0 : i32
    %cond3A_21 = arith.cmpi ne, %convert_element_type3A_19, %cond3A_20 : i32
    scf.if %cond3A_21 {
      %dma_start3A_88 = arith.constant 0 : i32
      %dma_start3A_89 = tpu.memref_slice %arg13[%mul3A_2, %dma_start3A_88] : memref<10000x16xf32, #tpu.memory_space<vmem_shared>> -> memref<400x16xf32, #tpu.memory_space<vmem_shared>>
      %dma_start3A_90 = arith.constant 0 : i32
      %dma_start3A_91 = tpu.memref_slice %arg5[%mul3A_2, %dma_start3A_90] : memref<10000x16xf32, #tpu.memory_space<hbm>> -> memref<400x16xf32, #tpu.memory_space<hbm>>
      tpu.enqueue_dma source(%dma_start3A_91 : memref<400x16xf32, #tpu.memory_space<hbm>>) target(%dma_start3A_89 : memref<400x16xf32, #tpu.memory_space<vmem_shared>>) target_semaphore(%arg22 : memref<!tpu.dma_semaphore, #tpu.memory_space<semaphore_mem>>)
    } else {
    }
    %lt3A_22 = arith.constant 15 : i32
    %lt3A_23 = arith.cmpi slt, %arg1, %lt3A_22 : i32
    %convert_element_type3A_24 = arith.extui %lt3A_23 : i1 to i32
    %cond3A_25 = arith.constant 0 : i32
    %cond3A_26 = arith.cmpi ne, %convert_element_type3A_24, %cond3A_25 : i32
    scf.if %cond3A_26 {
      %dma_wait3A_88 = arith.constant 0 : i32
      %dma_wait3A_89 = tpu.memref_slice %arg13[%mul3A_2, %dma_wait3A_88] : memref<10000x16xf32, #tpu.memory_space<vmem_shared>> -> memref<640x16xf32, #tpu.memory_space<vmem_shared>>
      %dma_wait3A_90 = arith.constant 0 : i32
      %dma_wait3A_91 = tpu.memref_slice %arg5[%mul3A_2, %dma_wait3A_90] : memref<10000x16xf32, #tpu.memory_space<hbm>> -> memref<640x16xf32, #tpu.memory_space<hbm>>
      tpu.wait_dma2 semaphore(%arg22 : memref<!tpu.dma_semaphore, #tpu.memory_space<semaphore_mem>>) src(%dma_wait3A_91 : memref<640x16xf32, #tpu.memory_space<hbm>>) dst(%dma_wait3A_89 : memref<640x16xf32, #tpu.memory_space<vmem_shared>>)
    } else {
    }
    %eq3A_27 = arith.constant 15 : i32
    %eq3A_28 = arith.cmpi eq, %arg1, %eq3A_27 : i32
    %convert_element_type3A_29 = arith.extui %eq3A_28 : i1 to i32
    %cond3A_30 = arith.constant 0 : i32
    %cond3A_31 = arith.cmpi ne, %convert_element_type3A_29, %cond3A_30 : i32
    scf.if %cond3A_31 {
      %dma_wait3A_88 = arith.constant 0 : i32
      %dma_wait3A_89 = tpu.memref_slice %arg13[%mul3A_2, %dma_wait3A_88] : memref<10000x16xf32, #tpu.memory_space<vmem_shared>> -> memref<400x16xf32, #tpu.memory_space<vmem_shared>>
      %dma_wait3A_90 = arith.constant 0 : i32
      %dma_wait3A_91 = tpu.memref_slice %arg5[%mul3A_2, %dma_wait3A_90] : memref<10000x16xf32, #tpu.memory_space<hbm>> -> memref<400x16xf32, #tpu.memory_space<hbm>>
      tpu.wait_dma2 semaphore(%arg22 : memref<!tpu.dma_semaphore, #tpu.memory_space<semaphore_mem>>) src(%dma_wait3A_91 : memref<400x16xf32, #tpu.memory_space<hbm>>) dst(%dma_wait3A_89 : memref<400x16xf32, #tpu.memory_space<vmem_shared>>)
    } else {
    }
    %barrier3A = arith.constant 0 : index
    tpu.barrier barrier_id(%barrier3A)
    %scan3A = arith.constant 0 : i32
    %scan3A_32 = arith.constant 31 : i32
    %scan3A_33 = arith.addi %scan3A, %scan3A_32 : i32
    %scan3A_34 = arith.constant 1 : i32
    scf.for %scan3A_88 = %scan3A to %scan3A_33 step %scan3A_34  : i32 {
      %mul3A_89 = arith.constant 4 : i32
      %mul3A_90 = arith.muli %scan3A_88, %mul3A_89 : i32
      %add3A_91 = arith.constant 0 : i32
      %add3A_92 = arith.addi %add3A_91, %mul3A_90 : i32
      %gt3A = arith.constant 0 : i32
      %gt3A_93 = arith.cmpi sgt, %add3A_92, %gt3A : i32
      %convert_element_type3A_94 = arith.extui %gt3A_93 : i1 to i32
      %cond3A_95 = arith.constant 0 : i32
      %cond3A_96 = arith.cmpi ne, %convert_element_type3A_94, %cond3A_95 : i32
      scf.if %cond3A_96 {
        %sub3A = arith.constant 2 : i32
        %sub3A_197 = arith.subi %add3A_92, %sub3A : i32
        %dma_wait3A_198 = arith.constant 0 : i32
        %dma_wait3A_199 = tpu.memref_slice %arg8[%sub3A_197, %dma_wait3A_198] : memref<125x80xi32, #tpu.memory_space<vmem>> -> memref<1x80xi32, #tpu.memory_space<vmem>>
        %dma_wait3A_200 = tpu.memref_squeeze %dma_wait3A_199 : memref<1x80xi32, #tpu.memory_space<vmem>> -> memref<80xi32, #tpu.memory_space<vmem>>
        %dma_wait3A_201 = arith.constant 0 : i32
        %dma_wait3A_202 = arith.constant 0 : i32
        %dma_wait3A_203 = tpu.memref_slice %arg13[%dma_wait3A_201, %dma_wait3A_202] : memref<10000x16xf32, #tpu.memory_space<vmem_shared>> -> memref<10000x16xf32, #tpu.memory_space<vmem_shared>>
        tpu.wait_indirect_dma semaphore(%arg20 : memref<!tpu.dma_semaphore, #tpu.memory_space<semaphore_mem>>) src(%arg11 : memref<80x16xf32, #tpu.memory_space<vmem>>) dst(%dma_wait3A_203 : memref<10000x16xf32, #tpu.memory_space<vmem_shared>>)
      } else {
      }
      %add3A_97 = arith.constant 2 : i32
      %add3A_98 = arith.addi %add3A_92, %add3A_97 : i32
      %dma_start3A_99 = arith.constant 0 : i32
      %dma_start3A_100 = tpu.memref_slice %arg7[%add3A_98, %dma_start3A_99] : memref<125x80xi32, #tpu.memory_space<vmem>> -> memref<1x80xi32, #tpu.memory_space<vmem>>
      %dma_start3A_101 = tpu.memref_squeeze %dma_start3A_100 : memref<1x80xi32, #tpu.memory_space<vmem>> -> memref<80xi32, #tpu.memory_space<vmem>>
      %dma_start3A_102 = arith.constant 0 : i32
      %dma_start3A_103 = arith.constant 0 : i32
      %dma_start3A_104 = tpu.memref_slice %arg2[%dma_start3A_102, %dma_start3A_103] : memref<10000x16xf32, #tpu.memory_space<hbm>> -> memref<10000x16xf32, #tpu.memory_space<hbm>>
      tpu.enqueue_indirect_dma source(%dma_start3A_104 : memref<10000x16xf32, #tpu.memory_space<hbm>>) target(%arg11 : memref<80x16xf32, #tpu.memory_space<vmem>>) offsets(%dma_start3A_101 : memref<80xi32, #tpu.memory_space<vmem>>) semaphore(%arg16 : memref<!tpu.dma_semaphore, #tpu.memory_space<semaphore_mem>>)
      %gt3A_105 = arith.constant 0 : i32
      %gt3A_106 = arith.cmpi sgt, %add3A_92, %gt3A_105 : i32
      %convert_element_type3A_107 = arith.extui %gt3A_106 : i1 to i32
      %cond3A_108 = arith.constant 0 : i32
      %cond3A_109 = arith.cmpi ne, %convert_element_type3A_107, %cond3A_108 : i32
      scf.if %cond3A_109 {
        %sub3A = arith.constant 1 : i32
        %sub3A_197 = arith.subi %add3A_92, %sub3A : i32
        %dma_wait3A_198 = arith.constant 0 : i32
        %dma_wait3A_199 = tpu.memref_slice %arg8[%sub3A_197, %dma_wait3A_198] : memref<125x80xi32, #tpu.memory_space<vmem>> -> memref<1x80xi32, #tpu.memory_space<vmem>>
        %dma_wait3A_200 = tpu.memref_squeeze %dma_wait3A_199 : memref<1x80xi32, #tpu.memory_space<vmem>> -> memref<80xi32, #tpu.memory_space<vmem>>
        %dma_wait3A_201 = arith.constant 0 : i32
        %dma_wait3A_202 = arith.constant 0 : i32
        %dma_wait3A_203 = tpu.memref_slice %arg13[%dma_wait3A_201, %dma_wait3A_202] : memref<10000x16xf32, #tpu.memory_space<vmem_shared>> -> memref<10000x16xf32, #tpu.memory_space<vmem_shared>>
        tpu.wait_indirect_dma semaphore(%arg21 : memref<!tpu.dma_semaphore, #tpu.memory_space<semaphore_mem>>) src(%arg12 : memref<80x16xf32, #tpu.memory_space<vmem>>) dst(%dma_wait3A_203 : memref<10000x16xf32, #tpu.memory_space<vmem_shared>>)
      } else {
      }
      %add3A_110 = arith.constant 3 : i32
      %add3A_111 = arith.addi %add3A_92, %add3A_110 : i32
      %dma_start3A_112 = arith.constant 0 : i32
      %dma_start3A_113 = tpu.memref_slice %arg7[%add3A_111, %dma_start3A_112] : memref<125x80xi32, #tpu.memory_space<vmem>> -> memref<1x80xi32, #tpu.memory_space<vmem>>
      %dma_start3A_114 = tpu.memref_squeeze %dma_start3A_113 : memref<1x80xi32, #tpu.memory_space<vmem>> -> memref<80xi32, #tpu.memory_space<vmem>>
      %dma_start3A_115 = arith.constant 0 : i32
      %dma_start3A_116 = arith.constant 0 : i32
      %dma_start3A_117 = tpu.memref_slice %arg2[%dma_start3A_115, %dma_start3A_116] : memref<10000x16xf32, #tpu.memory_space<hbm>> -> memref<10000x16xf32, #tpu.memory_space<hbm>>
      tpu.enqueue_indirect_dma source(%dma_start3A_117 : memref<10000x16xf32, #tpu.memory_space<hbm>>) target(%arg12 : memref<80x16xf32, #tpu.memory_space<vmem>>) offsets(%dma_start3A_114 : memref<80xi32, #tpu.memory_space<vmem>>) semaphore(%arg17 : memref<!tpu.dma_semaphore, #tpu.memory_space<semaphore_mem>>)
      %dma_wait3A_118 = arith.constant 0 : i32
      %dma_wait3A_119 = tpu.memref_slice %arg7[%add3A_92, %dma_wait3A_118] : memref<125x80xi32, #tpu.memory_space<vmem>> -> memref<1x80xi32, #tpu.memory_space<vmem>>
      %dma_wait3A_120 = tpu.memref_squeeze %dma_wait3A_119 : memref<1x80xi32, #tpu.memory_space<vmem>> -> memref<80xi32, #tpu.memory_space<vmem>>
      %dma_wait3A_121 = arith.constant 0 : i32
      %dma_wait3A_122 = arith.constant 0 : i32
      %dma_wait3A_123 = tpu.memref_slice %arg2[%dma_wait3A_121, %dma_wait3A_122] : memref<10000x16xf32, #tpu.memory_space<hbm>> -> memref<10000x16xf32, #tpu.memory_space<hbm>>
      tpu.wait_indirect_dma semaphore(%arg14 : memref<!tpu.dma_semaphore, #tpu.memory_space<semaphore_mem>>) src(%dma_wait3A_123 : memref<10000x16xf32, #tpu.memory_space<hbm>>) dst(%arg9 : memref<80x16xf32, #tpu.memory_space<vmem>>)
      %dma_start3A_124 = arith.constant 0 : i32
      %dma_start3A_125 = tpu.memref_slice %arg8[%add3A_92, %dma_start3A_124] : memref<125x80xi32, #tpu.memory_space<vmem>> -> memref<1x80xi32, #tpu.memory_space<vmem>>
      %dma_start3A_126 = tpu.memref_squeeze %dma_start3A_125 : memref<1x80xi32, #tpu.memory_space<vmem>> -> memref<80xi32, #tpu.memory_space<vmem>>
      %dma_start3A_127 = arith.constant 0 : i32
      %dma_start3A_128 = arith.constant 0 : i32
      %dma_start3A_129 = tpu.memref_slice %arg13[%dma_start3A_127, %dma_start3A_128] : memref<10000x16xf32, #tpu.memory_space<vmem_shared>> -> memref<10000x16xf32, #tpu.memory_space<vmem_shared>>
      tpu.enqueue_indirect_dma source(%arg9 : memref<80x16xf32, #tpu.memory_space<vmem>>) target(%dma_start3A_129 : memref<10000x16xf32, #tpu.memory_space<vmem_shared>>) offsets(%dma_start3A_126 : memref<80xi32, #tpu.memory_space<vmem>>) semaphore(%arg18 : memref<!tpu.dma_semaphore, #tpu.memory_space<semaphore_mem>>) {add = true}
      %add3A_130 = arith.constant 1 : i32
      %add3A_131 = arith.addi %add3A_92, %add3A_130 : i32
      %dma_wait3A_132 = arith.constant 0 : i32
      %dma_wait3A_133 = tpu.memref_slice %arg7[%add3A_131, %dma_wait3A_132] : memref<125x80xi32, #tpu.memory_space<vmem>> -> memref<1x80xi32, #tpu.memory_space<vmem>>
      %dma_wait3A_134 = tpu.memref_squeeze %dma_wait3A_133 : memref<1x80xi32, #tpu.memory_space<vmem>> -> memref<80xi32, #tpu.memory_space<vmem>>
      %dma_wait3A_135 = arith.constant 0 : i32
      %dma_wait3A_136 = arith.constant 0 : i32
      %dma_wait3A_137 = tpu.memref_slice %arg2[%dma_wait3A_135, %dma_wait3A_136] : memref<10000x16xf32, #tpu.memory_space<hbm>> -> memref<10000x16xf32, #tpu.memory_space<hbm>>
      tpu.wait_indirect_dma semaphore(%arg15 : memref<!tpu.dma_semaphore, #tpu.memory_space<semaphore_mem>>) src(%dma_wait3A_137 : memref<10000x16xf32, #tpu.memory_space<hbm>>) dst(%arg10 : memref<80x16xf32, #tpu.memory_space<vmem>>)
      %add3A_138 = arith.constant 1 : i32
      %add3A_139 = arith.addi %add3A_92, %add3A_138 : i32
      %dma_start3A_140 = arith.constant 0 : i32
      %dma_start3A_141 = tpu.memref_slice %arg8[%add3A_139, %dma_start3A_140] : memref<125x80xi32, #tpu.memory_space<vmem>> -> memref<1x80xi32, #tpu.memory_space<vmem>>
      %dma_start3A_142 = tpu.memref_squeeze %dma_start3A_141 : memref<1x80xi32, #tpu.memory_space<vmem>> -> memref<80xi32, #tpu.memory_space<vmem>>
      %dma_start3A_143 = arith.constant 0 : i32
      %dma_start3A_144 = arith.constant 0 : i32
      %dma_start3A_145 = tpu.memref_slice %arg13[%dma_start3A_143, %dma_start3A_144] : memref<10000x16xf32, #tpu.memory_space<vmem_shared>> -> memref<10000x16xf32, #tpu.memory_space<vmem_shared>>
      tpu.enqueue_indirect_dma source(%arg10 : memref<80x16xf32, #tpu.memory_space<vmem>>) target(%dma_start3A_145 : memref<10000x16xf32, #tpu.memory_space<vmem_shared>>) offsets(%dma_start3A_142 : memref<80xi32, #tpu.memory_space<vmem>>) semaphore(%arg19 : memref<!tpu.dma_semaphore, #tpu.memory_space<semaphore_mem>>) {add = true}
      %dma_wait3A_146 = arith.constant 0 : i32
      %dma_wait3A_147 = tpu.memref_slice %arg8[%add3A_92, %dma_wait3A_146] : memref<125x80xi32, #tpu.memory_space<vmem>> -> memref<1x80xi32, #tpu.memory_space<vmem>>
      %dma_wait3A_148 = tpu.memref_squeeze %dma_wait3A_147 : memref<1x80xi32, #tpu.memory_space<vmem>> -> memref<80xi32, #tpu.memory_space<vmem>>
      %dma_wait3A_149 = arith.constant 0 : i32
      %dma_wait3A_150 = arith.constant 0 : i32
      %dma_wait3A_151 = tpu.memref_slice %arg13[%dma_wait3A_149, %dma_wait3A_150] : memref<10000x16xf32, #tpu.memory_space<vmem_shared>> -> memref<10000x16xf32, #tpu.memory_space<vmem_shared>>
      tpu.wait_indirect_dma semaphore(%arg18 : memref<!tpu.dma_semaphore, #tpu.memory_space<semaphore_mem>>) src(%arg9 : memref<80x16xf32, #tpu.memory_space<vmem>>) dst(%dma_wait3A_151 : memref<10000x16xf32, #tpu.memory_space<vmem_shared>>)
      %add3A_152 = arith.constant 4 : i32
      %add3A_153 = arith.addi %add3A_92, %add3A_152 : i32
      %dma_start3A_154 = arith.constant 0 : i32
      %dma_start3A_155 = tpu.memref_slice %arg7[%add3A_153, %dma_start3A_154] : memref<125x80xi32, #tpu.memory_space<vmem>> -> memref<1x80xi32, #tpu.memory_space<vmem>>
      %dma_start3A_156 = tpu.memref_squeeze %dma_start3A_155 : memref<1x80xi32, #tpu.memory_space<vmem>> -> memref<80xi32, #tpu.memory_space<vmem>>
      %dma_start3A_157 = arith.constant 0 : i32
      %dma_start3A_158 = arith.constant 0 : i32
      %dma_start3A_159 = tpu.memref_slice %arg2[%dma_start3A_157, %dma_start3A_158] : memref<10000x16xf32, #tpu.memory_space<hbm>> -> memref<10000x16xf32, #tpu.memory_space<hbm>>
      tpu.enqueue_indirect_dma source(%dma_start3A_159 : memref<10000x16xf32, #tpu.memory_space<hbm>>) target(%arg9 : memref<80x16xf32, #tpu.memory_space<vmem>>) offsets(%dma_start3A_156 : memref<80xi32, #tpu.memory_space<vmem>>) semaphore(%arg14 : memref<!tpu.dma_semaphore, #tpu.memory_space<semaphore_mem>>)
      %lt3A_160 = arith.constant 120 : i32
      %lt3A_161 = arith.cmpi slt, %add3A_92, %lt3A_160 : i32
      %convert_element_type3A_162 = arith.extui %lt3A_161 : i1 to i32
      %cond3A_163 = arith.constant 0 : i32
      %cond3A_164 = arith.cmpi ne, %convert_element_type3A_162, %cond3A_163 : i32
      scf.if %cond3A_164 {
        %add3A_197 = arith.constant 1 : i32
        %add3A_198 = arith.addi %add3A_92, %add3A_197 : i32
        %dma_wait3A_199 = arith.constant 0 : i32
        %dma_wait3A_200 = tpu.memref_slice %arg8[%add3A_198, %dma_wait3A_199] : memref<125x80xi32, #tpu.memory_space<vmem>> -> memref<1x80xi32, #tpu.memory_space<vmem>>
        %dma_wait3A_201 = tpu.memref_squeeze %dma_wait3A_200 : memref<1x80xi32, #tpu.memory_space<vmem>> -> memref<80xi32, #tpu.memory_space<vmem>>
        %dma_wait3A_202 = arith.constant 0 : i32
        %dma_wait3A_203 = arith.constant 0 : i32
        %dma_wait3A_204 = tpu.memref_slice %arg13[%dma_wait3A_202, %dma_wait3A_203] : memref<10000x16xf32, #tpu.memory_space<vmem_shared>> -> memref<10000x16xf32, #tpu.memory_space<vmem_shared>>
        tpu.wait_indirect_dma semaphore(%arg19 : memref<!tpu.dma_semaphore, #tpu.memory_space<semaphore_mem>>) src(%arg10 : memref<80x16xf32, #tpu.memory_space<vmem>>) dst(%dma_wait3A_204 : memref<10000x16xf32, #tpu.memory_space<vmem_shared>>)
        %add3A_205 = arith.constant 5 : i32
        %add3A_206 = arith.addi %add3A_92, %add3A_205 : i32
        %dma_start3A_207 = arith.constant 0 : i32
        %dma_start3A_208 = tpu.memref_slice %arg7[%add3A_206, %dma_start3A_207] : memref<125x80xi32, #tpu.memory_space<vmem>> -> memref<1x80xi32, #tpu.memory_space<vmem>>
        %dma_start3A_209 = tpu.memref_squeeze %dma_start3A_208 : memref<1x80xi32, #tpu.memory_space<vmem>> -> memref<80xi32, #tpu.memory_space<vmem>>
        %dma_start3A_210 = arith.constant 0 : i32
        %dma_start3A_211 = arith.constant 0 : i32
        %dma_start3A_212 = tpu.memref_slice %arg2[%dma_start3A_210, %dma_start3A_211] : memref<10000x16xf32, #tpu.memory_space<hbm>> -> memref<10000x16xf32, #tpu.memory_space<hbm>>
        tpu.enqueue_indirect_dma source(%dma_start3A_212 : memref<10000x16xf32, #tpu.memory_space<hbm>>) target(%arg10 : memref<80x16xf32, #tpu.memory_space<vmem>>) offsets(%dma_start3A_209 : memref<80xi32, #tpu.memory_space<vmem>>) semaphore(%arg15 : memref<!tpu.dma_semaphore, #tpu.memory_space<semaphore_mem>>)
      } else {
      }
      %add3A_165 = arith.constant 2 : i32
      %add3A_166 = arith.addi %add3A_92, %add3A_165 : i32
      %dma_wait3A_167 = arith.constant 0 : i32
      %dma_wait3A_168 = tpu.memref_slice %arg7[%add3A_166, %dma_wait3A_167] : memref<125x80xi32, #tpu.memory_space<vmem>> -> memref<1x80xi32, #tpu.memory_space<vmem>>
      %dma_wait3A_169 = tpu.memref_squeeze %dma_wait3A_168 : memref<1x80xi32, #tpu.memory_space<vmem>> -> memref<80xi32, #tpu.memory_space<vmem>>
      %dma_wait3A_170 = arith.constant 0 : i32
      %dma_wait3A_171 = arith.constant 0 : i32
      %dma_wait3A_172 = tpu.memref_slice %arg2[%dma_wait3A_170, %dma_wait3A_171] : memref<10000x16xf32, #tpu.memory_space<hbm>> -> memref<10000x16xf32, #tpu.memory_space<hbm>>
      tpu.wait_indirect_dma semaphore(%arg16 : memref<!tpu.dma_semaphore, #tpu.memory_space<semaphore_mem>>) src(%dma_wait3A_172 : memref<10000x16xf32, #tpu.memory_space<hbm>>) dst(%arg11 : memref<80x16xf32, #tpu.memory_space<vmem>>)
      %add3A_173 = arith.constant 2 : i32
      %add3A_174 = arith.addi %add3A_92, %add3A_173 : i32
      %dma_start3A_175 = arith.constant 0 : i32
      %dma_start3A_176 = tpu.memref_slice %arg8[%add3A_174, %dma_start3A_175] : memref<125x80xi32, #tpu.memory_space<vmem>> -> memref<1x80xi32, #tpu.memory_space<vmem>>
      %dma_start3A_177 = tpu.memref_squeeze %dma_start3A_176 : memref<1x80xi32, #tpu.memory_space<vmem>> -> memref<80xi32, #tpu.memory_space<vmem>>
      %dma_start3A_178 = arith.constant 0 : i32
      %dma_start3A_179 = arith.constant 0 : i32
      %dma_start3A_180 = tpu.memref_slice %arg13[%dma_start3A_178, %dma_start3A_179] : memref<10000x16xf32, #tpu.memory_space<vmem_shared>> -> memref<10000x16xf32, #tpu.memory_space<vmem_shared>>
      tpu.enqueue_indirect_dma source(%arg11 : memref<80x16xf32, #tpu.memory_space<vmem>>) target(%dma_start3A_180 : memref<10000x16xf32, #tpu.memory_space<vmem_shared>>) offsets(%dma_start3A_177 : memref<80xi32, #tpu.memory_space<vmem>>) semaphore(%arg20 : memref<!tpu.dma_semaphore, #tpu.memory_space<semaphore_mem>>) {add = true}
      %add3A_181 = arith.constant 3 : i32
      %add3A_182 = arith.addi %add3A_92, %add3A_181 : i32
      %dma_wait3A_183 = arith.constant 0 : i32
      %dma_wait3A_184 = tpu.memref_slice %arg7[%add3A_182, %dma_wait3A_183] : memref<125x80xi32, #tpu.memory_space<vmem>> -> memref<1x80xi32, #tpu.memory_space<vmem>>
      %dma_wait3A_185 = tpu.memref_squeeze %dma_wait3A_184 : memref<1x80xi32, #tpu.memory_space<vmem>> -> memref<80xi32, #tpu.memory_space<vmem>>
      %dma_wait3A_186 = arith.constant 0 : i32
      %dma_wait3A_187 = arith.constant 0 : i32
      %dma_wait3A_188 = tpu.memref_slice %arg2[%dma_wait3A_186, %dma_wait3A_187] : memref<10000x16xf32, #tpu.memory_space<hbm>> -> memref<10000x16xf32, #tpu.memory_space<hbm>>
      tpu.wait_indirect_dma semaphore(%arg17 : memref<!tpu.dma_semaphore, #tpu.memory_space<semaphore_mem>>) src(%dma_wait3A_188 : memref<10000x16xf32, #tpu.memory_space<hbm>>) dst(%arg12 : memref<80x16xf32, #tpu.memory_space<vmem>>)
      %add3A_189 = arith.constant 3 : i32
      %add3A_190 = arith.addi %add3A_92, %add3A_189 : i32
      %dma_start3A_191 = arith.constant 0 : i32
      %dma_start3A_192 = tpu.memref_slice %arg8[%add3A_190, %dma_start3A_191] : memref<125x80xi32, #tpu.memory_space<vmem>> -> memref<1x80xi32, #tpu.memory_space<vmem>>
      %dma_start3A_193 = tpu.memref_squeeze %dma_start3A_192 : memref<1x80xi32, #tpu.memory_space<vmem>> -> memref<80xi32, #tpu.memory_space<vmem>>
      %dma_start3A_194 = arith.constant 0 : i32
      %dma_start3A_195 = arith.constant 0 : i32
      %dma_start3A_196 = tpu.memref_slice %arg13[%dma_start3A_194, %dma_start3A_195] : memref<10000x16xf32, #tpu.memory_space<vmem_shared>> -> memref<10000x16xf32, #tpu.memory_space<vmem_shared>>
      tpu.enqueue_indirect_dma source(%arg12 : memref<80x16xf32, #tpu.memory_space<vmem>>) target(%dma_start3A_196 : memref<10000x16xf32, #tpu.memory_space<vmem_shared>>) offsets(%dma_start3A_193 : memref<80xi32, #tpu.memory_space<vmem>>) semaphore(%arg21 : memref<!tpu.dma_semaphore, #tpu.memory_space<semaphore_mem>>) {add = true}
    }
    %scan3A_35 = arith.constant 31 : i32
    %dma_wait3A = arith.constant 124 : i32
    %dma_wait3A_36 = arith.constant 0 : i32
    %dma_wait3A_37 = tpu.memref_slice %arg7[%dma_wait3A, %dma_wait3A_36] : memref<125x80xi32, #tpu.memory_space<vmem>> -> memref<1x80xi32, #tpu.memory_space<vmem>>
    %dma_wait3A_38 = tpu.memref_squeeze %dma_wait3A_37 : memref<1x80xi32, #tpu.memory_space<vmem>> -> memref<80xi32, #tpu.memory_space<vmem>>
    %dma_wait3A_39 = arith.constant 0 : i32
    %dma_wait3A_40 = arith.constant 0 : i32
    %dma_wait3A_41 = tpu.memref_slice %arg2[%dma_wait3A_39, %dma_wait3A_40] : memref<10000x16xf32, #tpu.memory_space<hbm>> -> memref<10000x16xf32, #tpu.memory_space<hbm>>
    tpu.wait_indirect_dma semaphore(%arg14 : memref<!tpu.dma_semaphore, #tpu.memory_space<semaphore_mem>>) src(%dma_wait3A_41 : memref<10000x16xf32, #tpu.memory_space<hbm>>) dst(%arg9 : memref<80x16xf32, #tpu.memory_space<vmem>>)
    %dma_start3A_42 = arith.constant 124 : i32
    %dma_start3A_43 = arith.constant 0 : i32
    %dma_start3A_44 = tpu.memref_slice %arg8[%dma_start3A_42, %dma_start3A_43] : memref<125x80xi32, #tpu.memory_space<vmem>> -> memref<1x80xi32, #tpu.memory_space<vmem>>
    %dma_start3A_45 = tpu.memref_squeeze %dma_start3A_44 : memref<1x80xi32, #tpu.memory_space<vmem>> -> memref<80xi32, #tpu.memory_space<vmem>>
    %dma_start3A_46 = arith.constant 0 : i32
    %dma_start3A_47 = arith.constant 0 : i32
    %dma_start3A_48 = tpu.memref_slice %arg13[%dma_start3A_46, %dma_start3A_47] : memref<10000x16xf32, #tpu.memory_space<vmem_shared>> -> memref<10000x16xf32, #tpu.memory_space<vmem_shared>>
    tpu.enqueue_indirect_dma source(%arg9 : memref<80x16xf32, #tpu.memory_space<vmem>>) target(%dma_start3A_48 : memref<10000x16xf32, #tpu.memory_space<vmem_shared>>) offsets(%dma_start3A_45 : memref<80xi32, #tpu.memory_space<vmem>>) semaphore(%arg18 : memref<!tpu.dma_semaphore, #tpu.memory_space<semaphore_mem>>) {add = true}
    %dma_wait3A_49 = arith.constant 121 : i32
    %dma_wait3A_50 = arith.constant 0 : i32
    %dma_wait3A_51 = tpu.memref_slice %arg8[%dma_wait3A_49, %dma_wait3A_50] : memref<125x80xi32, #tpu.memory_space<vmem>> -> memref<1x80xi32, #tpu.memory_space<vmem>>
    %dma_wait3A_52 = tpu.memref_squeeze %dma_wait3A_51 : memref<1x80xi32, #tpu.memory_space<vmem>> -> memref<80xi32, #tpu.memory_space<vmem>>
    %dma_wait3A_53 = arith.constant 0 : i32
    %dma_wait3A_54 = arith.constant 0 : i32
    %dma_wait3A_55 = tpu.memref_slice %arg13[%dma_wait3A_53, %dma_wait3A_54] : memref<10000x16xf32, #tpu.memory_space<vmem_shared>> -> memref<10000x16xf32, #tpu.memory_space<vmem_shared>>
    tpu.wait_indirect_dma semaphore(%arg19 : memref<!tpu.dma_semaphore, #tpu.memory_space<semaphore_mem>>) src(%arg10 : memref<80x16xf32, #tpu.memory_space<vmem>>) dst(%dma_wait3A_55 : memref<10000x16xf32, #tpu.memory_space<vmem_shared>>)
    %dma_wait3A_56 = arith.constant 122 : i32
    %dma_wait3A_57 = arith.constant 0 : i32
    %dma_wait3A_58 = tpu.memref_slice %arg8[%dma_wait3A_56, %dma_wait3A_57] : memref<125x80xi32, #tpu.memory_space<vmem>> -> memref<1x80xi32, #tpu.memory_space<vmem>>
    %dma_wait3A_59 = tpu.memref_squeeze %dma_wait3A_58 : memref<1x80xi32, #tpu.memory_space<vmem>> -> memref<80xi32, #tpu.memory_space<vmem>>
    %dma_wait3A_60 = arith.constant 0 : i32
    %dma_wait3A_61 = arith.constant 0 : i32
    %dma_wait3A_62 = tpu.memref_slice %arg13[%dma_wait3A_60, %dma_wait3A_61] : memref<10000x16xf32, #tpu.memory_space<vmem_shared>> -> memref<10000x16xf32, #tpu.memory_space<vmem_shared>>
    tpu.wait_indirect_dma semaphore(%arg20 : memref<!tpu.dma_semaphore, #tpu.memory_space<semaphore_mem>>) src(%arg11 : memref<80x16xf32, #tpu.memory_space<vmem>>) dst(%dma_wait3A_62 : memref<10000x16xf32, #tpu.memory_space<vmem_shared>>)
    %dma_wait3A_63 = arith.constant 123 : i32
    %dma_wait3A_64 = arith.constant 0 : i32
    %dma_wait3A_65 = tpu.memref_slice %arg8[%dma_wait3A_63, %dma_wait3A_64] : memref<125x80xi32, #tpu.memory_space<vmem>> -> memref<1x80xi32, #tpu.memory_space<vmem>>
    %dma_wait3A_66 = tpu.memref_squeeze %dma_wait3A_65 : memref<1x80xi32, #tpu.memory_space<vmem>> -> memref<80xi32, #tpu.memory_space<vmem>>
    %dma_wait3A_67 = arith.constant 0 : i32
    %dma_wait3A_68 = arith.constant 0 : i32
    %dma_wait3A_69 = tpu.memref_slice %arg13[%dma_wait3A_67, %dma_wait3A_68] : memref<10000x16xf32, #tpu.memory_space<vmem_shared>> -> memref<10000x16xf32, #tpu.memory_space<vmem_shared>>
    tpu.wait_indirect_dma semaphore(%arg21 : memref<!tpu.dma_semaphore, #tpu.memory_space<semaphore_mem>>) src(%arg12 : memref<80x16xf32, #tpu.memory_space<vmem>>) dst(%dma_wait3A_69 : memref<10000x16xf32, #tpu.memory_space<vmem_shared>>)
    %dma_wait3A_70 = arith.constant 124 : i32
    %dma_wait3A_71 = arith.constant 0 : i32
    %dma_wait3A_72 = tpu.memref_slice %arg8[%dma_wait3A_70, %dma_wait3A_71] : memref<125x80xi32, #tpu.memory_space<vmem>> -> memref<1x80xi32, #tpu.memory_space<vmem>>
    %dma_wait3A_73 = tpu.memref_squeeze %dma_wait3A_72 : memref<1x80xi32, #tpu.memory_space<vmem>> -> memref<80xi32, #tpu.memory_space<vmem>>
    %dma_wait3A_74 = arith.constant 0 : i32
    %dma_wait3A_75 = arith.constant 0 : i32
    %dma_wait3A_76 = tpu.memref_slice %arg13[%dma_wait3A_74, %dma_wait3A_75] : memref<10000x16xf32, #tpu.memory_space<vmem_shared>> -> memref<10000x16xf32, #tpu.memory_space<vmem_shared>>
    tpu.wait_indirect_dma semaphore(%arg18 : memref<!tpu.dma_semaphore, #tpu.memory_space<semaphore_mem>>) src(%arg9 : memref<80x16xf32, #tpu.memory_space<vmem>>) dst(%dma_wait3A_76 : memref<10000x16xf32, #tpu.memory_space<vmem_shared>>)
    %barrier3A_77 = arith.constant 0 : index
    tpu.barrier barrier_id(%barrier3A_77)
    %lt3A_78 = arith.constant 15 : i32
    %lt3A_79 = arith.cmpi slt, %arg1, %lt3A_78 : i32
    %convert_element_type3A_80 = arith.extui %lt3A_79 : i1 to i32
    %cond3A_81 = arith.constant 0 : i32
    %cond3A_82 = arith.cmpi ne, %convert_element_type3A_80, %cond3A_81 : i32
    scf.if %cond3A_82 {
      "tpu.region"() ({
        %run_scoped3A = tpu.sem_alloc : memref<!tpu.dma_semaphore, #tpu.memory_space<semaphore_mem>>
        %dma_start3A_88 = arith.constant 0 : i32
        %dma_start3A_89 = tpu.memref_slice %arg6[%arg0, %mul3A_2, %dma_start3A_88] : memref<2x10000x128xf32, #tpu.memory_space<hbm>> -> memref<1x640x16xf32, #tpu.memory_space<hbm>>
        %dma_start3A_90 = tpu.memref_squeeze %dma_start3A_89 : memref<1x640x16xf32, #tpu.memory_space<hbm>> -> memref<640x16xf32, #tpu.memory_space<hbm>>
        %dma_start3A_91 = arith.constant 0 : i32
        %dma_start3A_92 = tpu.memref_slice %arg13[%mul3A_2, %dma_start3A_91] : memref<10000x16xf32, #tpu.memory_space<vmem_shared>> -> memref<640x16xf32, #tpu.memory_space<vmem_shared>>
        tpu.enqueue_dma source(%dma_start3A_92 : memref<640x16xf32, #tpu.memory_space<vmem_shared>>) target(%dma_start3A_90 : memref<640x16xf32, #tpu.memory_space<hbm>>) target_semaphore(%run_scoped3A : memref<!tpu.dma_semaphore, #tpu.memory_space<semaphore_mem>>)
        %dma_wait3A_93 = arith.constant 0 : i32
        %dma_wait3A_94 = tpu.memref_slice %arg6[%arg0, %mul3A_2, %dma_wait3A_93] : memref<2x10000x128xf32, #tpu.memory_space<hbm>> -> memref<1x640x16xf32, #tpu.memory_space<hbm>>
        %dma_wait3A_95 = tpu.memref_squeeze %dma_wait3A_94 : memref<1x640x16xf32, #tpu.memory_space<hbm>> -> memref<640x16xf32, #tpu.memory_space<hbm>>
        %dma_wait3A_96 = arith.constant 0 : i32
        %dma_wait3A_97 = tpu.memref_slice %arg13[%mul3A_2, %dma_wait3A_96] : memref<10000x16xf32, #tpu.memory_space<vmem_shared>> -> memref<640x16xf32, #tpu.memory_space<vmem_shared>>
        tpu.wait_dma2 semaphore(%run_scoped3A : memref<!tpu.dma_semaphore, #tpu.memory_space<semaphore_mem>>) src(%dma_wait3A_97 : memref<640x16xf32, #tpu.memory_space<vmem_shared>>) dst(%dma_wait3A_95 : memref<640x16xf32, #tpu.memory_space<hbm>>)
        tpu.yield
      }) : () -> ()
    } else {
    }
    %eq3A_83 = arith.constant 15 : i32
    %eq3A_84 = arith.cmpi eq, %arg1, %eq3A_83 : i32
    %convert_element_type3A_85 = arith.extui %eq3A_84 : i1 to i32
    %cond3A_86 = arith.constant 0 : i32
    %cond3A_87 = arith.cmpi ne, %convert_element_type3A_85, %cond3A_86 : i32
    scf.if %cond3A_87 {
      "tpu.region"() ({
        %run_scoped3A = tpu.sem_alloc : memref<!tpu.dma_semaphore, #tpu.memory_space<semaphore_mem>>
        %dma_start3A_88 = arith.constant 0 : i32
        %dma_start3A_89 = tpu.memref_slice %arg6[%arg0, %mul3A_2, %dma_start3A_88] : memref<2x10000x128xf32, #tpu.memory_space<hbm>> -> memref<1x400x16xf32, #tpu.memory_space<hbm>>
        %dma_start3A_90 = tpu.memref_squeeze %dma_start3A_89 : memref<1x400x16xf32, #tpu.memory_space<hbm>> -> memref<400x16xf32, #tpu.memory_space<hbm>>
        %dma_start3A_91 = arith.constant 0 : i32
        %dma_start3A_92 = tpu.memref_slice %arg13[%mul3A_2, %dma_start3A_91] : memref<10000x16xf32, #tpu.memory_space<vmem_shared>> -> memref<400x16xf32, #tpu.memory_space<vmem_shared>>
        tpu.enqueue_dma source(%dma_start3A_92 : memref<400x16xf32, #tpu.memory_space<vmem_shared>>) target(%dma_start3A_90 : memref<400x16xf32, #tpu.memory_space<hbm>>) target_semaphore(%run_scoped3A : memref<!tpu.dma_semaphore, #tpu.memory_space<semaphore_mem>>)
        %dma_wait3A_93 = arith.constant 0 : i32
        %dma_wait3A_94 = tpu.memref_slice %arg6[%arg0, %mul3A_2, %dma_wait3A_93] : memref<2x10000x128xf32, #tpu.memory_space<hbm>> -> memref<1x400x16xf32, #tpu.memory_space<hbm>>
        %dma_wait3A_95 = tpu.memref_squeeze %dma_wait3A_94 : memref<1x400x16xf32, #tpu.memory_space<hbm>> -> memref<400x16xf32, #tpu.memory_space<hbm>>
        %dma_wait3A_96 = arith.constant 0 : i32
        %dma_wait3A_97 = tpu.memref_slice %arg13[%mul3A_2, %dma_wait3A_96] : memref<10000x16xf32, #tpu.memory_space<vmem_shared>> -> memref<400x16xf32, #tpu.memory_space<vmem_shared>>
        tpu.wait_dma2 semaphore(%run_scoped3A : memref<!tpu.dma_semaphore, #tpu.memory_space<semaphore_mem>>) src(%dma_wait3A_97 : memref<400x16xf32, #tpu.memory_space<vmem_shared>>) dst(%dma_wait3A_95 : memref<400x16xf32, #tpu.memory_space<hbm>>)
        tpu.yield
      }) : () -> ()
    } else {
    }
    return
  }
}

module attributes {stable_mosaic.version = 14 : i64} {
  func.func @_tc1_body(%arg0: i32, %arg1: memref<2000x128xf32, #tpu.memory_space<vmem>>, %arg2: memref<128x128xf32, #tpu.memory_space<vmem>>, %arg3: memref<1x64xf32, #tpu.memory_space<vmem>>, %arg4: memref<2000x64xf32, #tpu.memory_space<vmem>>, %arg5: memref<2000x64xf32, #tpu.memory_space<vmem>>) attributes {dimension_semantics = [#tpu.dimension_semantics<arbitrary>], iteration_bounds = array<i64: 5>, scalar_prefetch = 0 : i64, scratch_operands = 0 : i64, tpu.core_type = #tpu.core_type<tc>, window_params = [{transform_indices = @transform_0, window_bounds = array<i64: 2000, 128>}, {pipeline_mode = #tpu.pipeline_mode<synchronous>, transform_indices = @transform_1, window_bounds = array<i64: 128, 128>}, {pipeline_mode = #tpu.pipeline_mode<synchronous>, transform_indices = @transform_2, window_bounds = array<i64: 1, 64>}, {transform_indices = @transform_3, window_bounds = array<i64: 2000, 64>}, {transform_indices = @transform_4, window_bounds = array<i64: 2000, 64>}]} {
    %get3A = arith.constant 0 : index
    %get3A_0 = arith.constant 0 : index
    %get3A_1 = vector.load %arg1[%get3A, %get3A_0] : memref<2000x128xf32, #tpu.memory_space<vmem>>, vector<2000x128xf32>
    %get3A_2 = arith.constant 0 : index
    %get3A_3 = arith.constant 0 : index
    %get3A_4 = vector.load %arg2[%get3A_2, %get3A_3] : memref<128x128xf32, #tpu.memory_space<vmem>>, vector<128x128xf32>
    %dot_general3A = arith.constant dense<0.000000e+00> : vector<2000x128xf32>
    %dot_general3A_5 = tpu.matmul %get3A_1, %get3A_4, %dot_general3A {dimension_numbers = #tpu.dot_dimension_numbers<[1], [0], [0], [1], [0, 0, 1, 1], [], []>, transpose_lhs_hint = false} : vector<2000x128xf32>, vector<128x128xf32>, vector<2000x128xf32> -> vector<2000x128xf32>
    %slice3A = vector.extract_strided_slice %dot_general3A_5 {offsets = [0, 0], sizes = [2000, 64], strides = [1, 1]} : vector<2000x128xf32> to vector<2000x64xf32>
    %swap3A = arith.constant 0 : index
    %swap3A_6 = arith.constant 0 : index
    %swap3A_7 = vector.load %arg4[%swap3A, %swap3A_6] : memref<2000x64xf32, #tpu.memory_space<vmem>>, vector<2000x64xf32>
    tpu.vector_store %arg4[%swap3A, %swap3A_6], %slice3A {strides = array<i32>} : memref<2000x64xf32, #tpu.memory_space<vmem>>, vector<2000x64xf32>,
    %slice3A_8 = vector.extract_strided_slice %dot_general3A_5 {offsets = [0, 64], sizes = [2000, 64], strides = [1, 1]} : vector<2000x128xf32> to vector<2000x64xf32>
    %get3A_9 = arith.constant 0 : index
    %get3A_10 = arith.constant 0 : index
    %get3A_11 = vector.load %arg3[%get3A_9, %get3A_10] : memref<1x64xf32, #tpu.memory_space<vmem>>, vector<1x64xf32>
    %add3A = vector.broadcast %get3A_11 : vector<1x64xf32> to vector<2000x64xf32>
    %add3A_12 = arith.addf %slice3A_8, %add3A : vector<2000x64xf32>
    %swap3A_13 = arith.constant 0 : index
    %swap3A_14 = arith.constant 0 : index
    %swap3A_15 = vector.load %arg5[%swap3A_13, %swap3A_14] : memref<2000x64xf32, #tpu.memory_space<vmem>>, vector<2000x64xf32>
    tpu.vector_store %arg5[%swap3A_13, %swap3A_14], %add3A_12 {strides = array<i32>} : memref<2000x64xf32, #tpu.memory_space<vmem>>, vector<2000x64xf32>,
    return
  }
  func.func @transform_0(%arg0: i32) -> (i32, i32) {
    %c0_i32 = arith.constant 0 : i32
    %c0_i32_0 = arith.constant 0 : i32
    return %arg0, %c0_i32 : i32, i32
  }
  func.func @transform_1(%arg0: i32) -> (i32, i32) {
    %c0_i32 = arith.constant 0 : i32
    %c0_i32_0 = arith.constant 0 : i32
    %c0_i32_1 = arith.constant 0 : i32
    return %c0_i32, %c0_i32_0 : i32, i32
  }
  func.func @transform_2(%arg0: i32) -> (i32, i32) {
    %c0_i32 = arith.constant 0 : i32
    %c0_i32_0 = arith.constant 0 : i32
    %c0_i32_1 = arith.constant 0 : i32
    return %c0_i32, %c0_i32_0 : i32, i32
  }
  func.func @transform_3(%arg0: i32) -> (i32, i32) {
    %c0_i32 = arith.constant 0 : i32
    %c0_i32_0 = arith.constant 0 : i32
    return %arg0, %c0_i32 : i32, i32
  }
  func.func @transform_4(%arg0: i32) -> (i32, i32) {
    %c0_i32 = arith.constant 0 : i32
    %c0_i32_0 = arith.constant 0 : i32
    return %arg0, %c0_i32 : i32, i32
  }
}

module attributes {stable_mosaic.version = 14 : i64} {
  func.func @_tc2_body(%arg0: i32, %arg1: memref<2x2000x128xf32, #tpu.memory_space<vmem>>, %arg2: memref<2x2000x1xf32, #tpu.memory_space<vmem>>, %arg3: memref<2000x64xf32, #tpu.memory_space<vmem>>, %arg4: memref<64x32xf32, #tpu.memory_space<vmem>>, %arg5: memref<1x16xf32, #tpu.memory_space<vmem>>, %arg6: memref<2000x16xf32, #tpu.memory_space<vmem>>, %arg7: memref<2000x16xf32, #tpu.memory_space<vmem>>) attributes {dimension_semantics = [#tpu.dimension_semantics<arbitrary>], iteration_bounds = array<i64: 5>, scalar_prefetch = 0 : i64, scratch_operands = 0 : i64, tpu.core_type = #tpu.core_type<tc>, window_params = [{transform_indices = @transform_0, window_bounds = array<i64: 2, 2000, 128>}, {transform_indices = @transform_1, window_bounds = array<i64: 2, 2000, 1>}, {transform_indices = @transform_2, window_bounds = array<i64: 2000, 64>}, {pipeline_mode = #tpu.pipeline_mode<synchronous>, transform_indices = @transform_3, window_bounds = array<i64: 64, 32>}, {pipeline_mode = #tpu.pipeline_mode<synchronous>, transform_indices = @transform_4, window_bounds = array<i64: 1, 16>}, {transform_indices = @transform_5, window_bounds = array<i64: 2000, 16>}, {transform_indices = @transform_6, window_bounds = array<i64: 2000, 16>}]} {
    %get3A = arith.constant 0 : index
    %get3A_0 = arith.constant 0 : index
    %get3A_1 = arith.constant 0 : index
    %get3A_2 = vector.load %arg1[%get3A, %get3A_0, %get3A_1] : memref<2x2000x128xf32, #tpu.memory_space<vmem>>, vector<1x2000x64xf32>
    %get3A_3 = vector.shape_cast %get3A_2 : vector<1x2000x64xf32> to vector<2000x64xf32>
    %get3A_4 = arith.constant 1 : index
    %get3A_5 = arith.constant 0 : index
    %get3A_6 = arith.constant 0 : index
    %get3A_7 = vector.load %arg1[%get3A_4, %get3A_5, %get3A_6] : memref<2x2000x128xf32, #tpu.memory_space<vmem>>, vector<1x2000x64xf32>
    %get3A_8 = vector.shape_cast %get3A_7 : vector<1x2000x64xf32> to vector<2000x64xf32>
    %add3A = arith.addf %get3A_3, %get3A_8 : vector<2000x64xf32>
    %get3A_9 = arith.constant 0 : index
    %get3A_10 = arith.constant 0 : index
    %get3A_11 = arith.constant 0 : index
    %get3A_12 = vector.load %arg2[%get3A_9, %get3A_10, %get3A_11] : memref<2x2000x1xf32, #tpu.memory_space<vmem>>, vector<1x2000x1xf32>
    %get3A_13 = vector.shape_cast %get3A_12 : vector<1x2000x1xf32> to vector<2000x1xf32>
    %get3A_14 = arith.constant 1 : index
    %get3A_15 = arith.constant 0 : index
    %get3A_16 = arith.constant 0 : index
    %get3A_17 = vector.load %arg2[%get3A_14, %get3A_15, %get3A_16] : memref<2x2000x1xf32, #tpu.memory_space<vmem>>, vector<1x2000x1xf32>
    %get3A_18 = vector.shape_cast %get3A_17 : vector<1x2000x1xf32> to vector<2000x1xf32>
    %add3A_19 = arith.addf %get3A_13, %get3A_18 : vector<2000x1xf32>
    %max3A = arith.constant 1.000000e+00 : f32
    %max3A_20 = vector.broadcast %max3A : f32 to vector<2000x1xf32>
    %max3A_21 = arith.maximumf %add3A_19, %max3A_20 : vector<2000x1xf32>
    %div3A = vector.broadcast %max3A_21 : vector<2000x1xf32> to vector<2000x64xf32>
    %div3A_22 = arith.divf %add3A, %div3A : vector<2000x64xf32>
    %get3A_23 = arith.constant 0 : index
    %get3A_24 = arith.constant 0 : index
    %get3A_25 = vector.load %arg3[%get3A_23, %get3A_24] : memref<2000x64xf32, #tpu.memory_space<vmem>>, vector<2000x64xf32>
    %add3A_26 = arith.addf %div3A_22, %get3A_25 : vector<2000x64xf32>
    %max3A_27 = arith.constant 0.000000e+00 : f32
    %max3A_28 = vector.broadcast %max3A_27 : f32 to vector<2000x64xf32>
    %max3A_29 = arith.maximumf %add3A_26, %max3A_28 : vector<2000x64xf32>
    %get3A_30 = arith.constant 0 : index
    %get3A_31 = arith.constant 0 : index
    %get3A_32 = vector.load %arg4[%get3A_30, %get3A_31] : memref<64x32xf32, #tpu.memory_space<vmem>>, vector<64x32xf32>
    %dot_general3A = arith.constant dense<0.000000e+00> : vector<2000x32xf32>
    %dot_general3A_33 = tpu.matmul %max3A_29, %get3A_32, %dot_general3A {dimension_numbers = #tpu.dot_dimension_numbers<[1], [0], [0], [1], [0, 0, 1, 1], [], []>, transpose_lhs_hint = false} : vector<2000x64xf32>, vector<64x32xf32>, vector<2000x32xf32> -> vector<2000x32xf32>
    %slice3A = vector.extract_strided_slice %dot_general3A_33 {offsets = [0, 0], sizes = [2000, 16], strides = [1, 1]} : vector<2000x32xf32> to vector<2000x16xf32>
    %swap3A = arith.constant 0 : index
    %swap3A_34 = arith.constant 0 : index
    %swap3A_35 = vector.load %arg6[%swap3A, %swap3A_34] : memref<2000x16xf32, #tpu.memory_space<vmem>>, vector<2000x16xf32>
    tpu.vector_store %arg6[%swap3A, %swap3A_34], %slice3A {strides = array<i32>} : memref<2000x16xf32, #tpu.memory_space<vmem>>, vector<2000x16xf32>,
    %slice3A_36 = vector.extract_strided_slice %dot_general3A_33 {offsets = [0, 16], sizes = [2000, 16], strides = [1, 1]} : vector<2000x32xf32> to vector<2000x16xf32>
    %get3A_37 = arith.constant 0 : index
    %get3A_38 = arith.constant 0 : index
    %get3A_39 = vector.load %arg5[%get3A_37, %get3A_38] : memref<1x16xf32, #tpu.memory_space<vmem>>, vector<1x16xf32>
    %add3A_40 = vector.broadcast %get3A_39 : vector<1x16xf32> to vector<2000x16xf32>
    %add3A_41 = arith.addf %slice3A_36, %add3A_40 : vector<2000x16xf32>
    %swap3A_42 = arith.constant 0 : index
    %swap3A_43 = arith.constant 0 : index
    %swap3A_44 = vector.load %arg7[%swap3A_42, %swap3A_43] : memref<2000x16xf32, #tpu.memory_space<vmem>>, vector<2000x16xf32>
    tpu.vector_store %arg7[%swap3A_42, %swap3A_43], %add3A_41 {strides = array<i32>} : memref<2000x16xf32, #tpu.memory_space<vmem>>, vector<2000x16xf32>,
    return
  }
  func.func @transform_0(%arg0: i32) -> (i32, i32, i32) {
    %c0_i32 = arith.constant 0 : i32
    %c0_i32_0 = arith.constant 0 : i32
    %c0_i32_1 = arith.constant 0 : i32
    return %c0_i32, %arg0, %c0_i32_0 : i32, i32, i32
  }
  func.func @transform_1(%arg0: i32) -> (i32, i32, i32) {
    %c0_i32 = arith.constant 0 : i32
    %c0_i32_0 = arith.constant 0 : i32
    %c0_i32_1 = arith.constant 0 : i32
    return %c0_i32, %arg0, %c0_i32_0 : i32, i32, i32
  }
  func.func @transform_2(%arg0: i32) -> (i32, i32) {
    %c0_i32 = arith.constant 0 : i32
    %c0_i32_0 = arith.constant 0 : i32
    return %arg0, %c0_i32 : i32, i32
  }
  func.func @transform_3(%arg0: i32) -> (i32, i32) {
    %c0_i32 = arith.constant 0 : i32
    %c0_i32_0 = arith.constant 0 : i32
    %c0_i32_1 = arith.constant 0 : i32
    return %c0_i32, %c0_i32_0 : i32, i32
  }
  func.func @transform_4(%arg0: i32) -> (i32, i32) {
    %c0_i32 = arith.constant 0 : i32
    %c0_i32_0 = arith.constant 0 : i32
    %c0_i32_1 = arith.constant 0 : i32
    return %c0_i32, %c0_i32_0 : i32, i32
  }
  func.func @transform_5(%arg0: i32) -> (i32, i32) {
    %c0_i32 = arith.constant 0 : i32
    %c0_i32_0 = arith.constant 0 : i32
    return %arg0, %c0_i32 : i32, i32
  }
  func.func @transform_6(%arg0: i32) -> (i32, i32) {
    %c0_i32 = arith.constant 0 : i32
    %c0_i32_0 = arith.constant 0 : i32
    return %arg0, %c0_i32 : i32, i32
  }
}

module attributes {stable_mosaic.version = 14 : i64} {
  func.func @_tc3_body(%arg0: i32, %arg1: memref<2x2000x128xf32, #tpu.memory_space<vmem>>, %arg2: memref<2x2000x1xf32, #tpu.memory_space<vmem>>, %arg3: memref<2000x16xf32, #tpu.memory_space<vmem>>, %arg4: memref<2000x8xf32, #tpu.memory_space<vmem>>) attributes {dimension_semantics = [#tpu.dimension_semantics<arbitrary>], iteration_bounds = array<i64: 5>, scalar_prefetch = 0 : i64, scratch_operands = 0 : i64, tpu.core_type = #tpu.core_type<tc>, window_params = [{transform_indices = @transform_0, window_bounds = array<i64: 2, 2000, 128>}, {transform_indices = @transform_1, window_bounds = array<i64: 2, 2000, 1>}, {transform_indices = @transform_2, window_bounds = array<i64: 2000, 16>}, {transform_indices = @transform_3, window_bounds = array<i64: 2000, 8>}]} {
    %get3A = arith.constant 0 : index
    %get3A_0 = arith.constant 0 : index
    %get3A_1 = arith.constant 0 : index
    %get3A_2 = vector.load %arg1[%get3A, %get3A_0, %get3A_1] : memref<2x2000x128xf32, #tpu.memory_space<vmem>>, vector<1x2000x16xf32>
    %get3A_3 = vector.shape_cast %get3A_2 : vector<1x2000x16xf32> to vector<2000x16xf32>
    %get3A_4 = arith.constant 1 : index
    %get3A_5 = arith.constant 0 : index
    %get3A_6 = arith.constant 0 : index
    %get3A_7 = vector.load %arg1[%get3A_4, %get3A_5, %get3A_6] : memref<2x2000x128xf32, #tpu.memory_space<vmem>>, vector<1x2000x16xf32>
    %get3A_8 = vector.shape_cast %get3A_7 : vector<1x2000x16xf32> to vector<2000x16xf32>
    %add3A = arith.addf %get3A_3, %get3A_8 : vector<2000x16xf32>
    %get3A_9 = arith.constant 0 : index
    %get3A_10 = arith.constant 0 : index
    %get3A_11 = arith.constant 0 : index
    %get3A_12 = vector.load %arg2[%get3A_9, %get3A_10, %get3A_11] : memref<2x2000x1xf32, #tpu.memory_space<vmem>>, vector<1x2000x1xf32>
    %get3A_13 = vector.shape_cast %get3A_12 : vector<1x2000x1xf32> to vector<2000x1xf32>
    %get3A_14 = arith.constant 1 : index
    %get3A_15 = arith.constant 0 : index
    %get3A_16 = arith.constant 0 : index
    %get3A_17 = vector.load %arg2[%get3A_14, %get3A_15, %get3A_16] : memref<2x2000x1xf32, #tpu.memory_space<vmem>>, vector<1x2000x1xf32>
    %get3A_18 = vector.shape_cast %get3A_17 : vector<1x2000x1xf32> to vector<2000x1xf32>
    %add3A_19 = arith.addf %get3A_13, %get3A_18 : vector<2000x1xf32>
    %max3A = arith.constant 1.000000e+00 : f32
    %max3A_20 = vector.broadcast %max3A : f32 to vector<2000x1xf32>
    %max3A_21 = arith.maximumf %add3A_19, %max3A_20 : vector<2000x1xf32>
    %div3A = vector.broadcast %max3A_21 : vector<2000x1xf32> to vector<2000x16xf32>
    %div3A_22 = arith.divf %add3A, %div3A : vector<2000x16xf32>
    %get3A_23 = arith.constant 0 : index
    %get3A_24 = arith.constant 0 : index
    %get3A_25 = vector.load %arg3[%get3A_23, %get3A_24] : memref<2000x16xf32, #tpu.memory_space<vmem>>, vector<2000x16xf32>
    %add3A_26 = arith.addf %div3A_22, %get3A_25 : vector<2000x16xf32>
    %iota3A = tpu.iota {dimensions = array<i32: 1>} : vector<2000x16xi32>
    %lt3A = arith.constant 8 : i32
    %lt3A_27 = vector.broadcast %lt3A : i32 to vector<2000x16xi32>
    %lt3A_28 = arith.cmpi slt, %iota3A, %lt3A_27 : vector<2000x16xi32>
    %jit3A = arith.constant 0xFF800000 : f32
    %broadcast_in_dim3A = vector.broadcast %jit3A : f32 to vector<2000x16xf32>
    %select_n3A = arith.select %lt3A_28, %add3A_26, %broadcast_in_dim3A : vector<2000x16xi1>, vector<2000x16xf32>
    %reduce_max3A = arith.constant dense<0xFF800000> : vector<2000xf32>
    %reduce_max3A_29 = vector.multi_reduction <maximumf>, %select_n3A, %reduce_max3A [1] : vector<2000x16xf32> to vector<2000xf32>
    %broadcast_in_dim3A_30 = vector.shape_cast %reduce_max3A_29 : vector<2000xf32> to vector<2000x1xf32>
    %sub3A = vector.broadcast %broadcast_in_dim3A_30 : vector<2000x1xf32> to vector<2000x16xf32>
    %sub3A_31 = arith.subf %add3A_26, %sub3A : vector<2000x16xf32>
    %exp3A = math.exp %sub3A_31 : vector<2000x16xf32>
    %jit3A_32 = arith.constant 0.000000e+00 : f32
    %broadcast_in_dim3A_33 = vector.broadcast %jit3A_32 : f32 to vector<2000x16xf32>
    %select_n3A_34 = arith.select %lt3A_28, %exp3A, %broadcast_in_dim3A_33 : vector<2000x16xi1>, vector<2000x16xf32>
    %reduce_sum3A = arith.constant dense<0.000000e+00> : vector<2000xf32>
    %reduce_sum3A_35 = vector.multi_reduction <add>, %select_n3A_34, %reduce_sum3A [1] : vector<2000x16xf32> to vector<2000xf32>
    %broadcast_in_dim3A_36 = vector.shape_cast %reduce_sum3A_35 : vector<2000xf32> to vector<2000x1xf32>
    %log3A = math.log %broadcast_in_dim3A_36 : vector<2000x1xf32>
    %add3A_37 = arith.addf %log3A, %broadcast_in_dim3A_30 : vector<2000x1xf32>
    %sub3A_38 = vector.broadcast %add3A_37 : vector<2000x1xf32> to vector<2000x16xf32>
    %sub3A_39 = arith.subf %add3A_26, %sub3A_38 : vector<2000x16xf32>
    %slice3A = vector.extract_strided_slice %sub3A_39 {offsets = [0, 0], sizes = [2000, 8], strides = [1, 1]} : vector<2000x16xf32> to vector<2000x8xf32>
    %swap3A = arith.constant 0 : index
    %swap3A_40 = arith.constant 0 : index
    %swap3A_41 = vector.load %arg4[%swap3A, %swap3A_40] : memref<2000x8xf32, #tpu.memory_space<vmem>>, vector<2000x8xf32>
    tpu.vector_store %arg4[%swap3A, %swap3A_40], %slice3A {strides = array<i32>} : memref<2000x8xf32, #tpu.memory_space<vmem>>, vector<2000x8xf32>,
    return
  }
  func.func @transform_0(%arg0: i32) -> (i32, i32, i32) {
    %c0_i32 = arith.constant 0 : i32
    %c0_i32_0 = arith.constant 0 : i32
    %c0_i32_1 = arith.constant 0 : i32
    return %c0_i32, %arg0, %c0_i32_0 : i32, i32, i32
  }
  func.func @transform_1(%arg0: i32) -> (i32, i32, i32) {
    %c0_i32 = arith.constant 0 : i32
    %c0_i32_0 = arith.constant 0 : i32
    %c0_i32_1 = arith.constant 0 : i32
    return %c0_i32, %arg0, %c0_i32_0 : i32, i32, i32
  }
  func.func @transform_2(%arg0: i32) -> (i32, i32) {
    %c0_i32 = arith.constant 0 : i32
    %c0_i32_0 = arith.constant 0 : i32
    return %arg0, %c0_i32 : i32, i32
  }
  func.func @transform_3(%arg0: i32) -> (i32, i32) {
    %c0_i32 = arith.constant 0 : i32
    %c0_i32_0 = arith.constant 0 : i32
    return %arg0, %c0_i32 : i32, i32
  }
}

</mosaic_0001>

<sc_bundles>
// kernel: kernel.10.cloned.1.call-start
scs
__scs_entry_jumppad:
0x0: {  	(pc) =	sbr.rel $0x88, $3  }
0x1: {  	(tag) =	ssettag $0x0;
	lr =	simm.s32 $0x1  }
0x2: {  	[smem:$0x3F99] =	sst lr;
	_ =	strace $0xD0000000  }
0x3: {  	_ = 	snop  }
0x4: {  	_ = 	snop  }
0x5: {  	_ = 	snop  }
0x6: {  	_ = 	snop  }
0x7: {  	_ = 	snop  }
__scs_overlays_trampoline_lowered:
0x8: {  	[smem:$0x3FA8] =	sst s0  }
0x9: {  	[smem:$0x3FA9] =	sst s1  }
0xa: {  	[smem:$0x3FAA] =	sst s2  }
0xb: {  	[smem:$0x3FAB] =	sst s3  }
0xc: {  	[smem:$0x3FAC] =	sst s4  }
0xd: {  	[smem:$0x3FAD] =	sst s5  }
0xe: {  	[smem:$0x3FAE] =	sst s6  }
0xf: {  	[smem:$0x3FAF] =	sst s7  }
0x10: {  	[smem:$0x3FB0] =	sst s8  }
0x11: {  	[smem:$0x3FB1] =	sst s9;
	s0 =	simm.s32 @!p0 $0x0  }
0x12: {  	s1 =	sld [smem:$0x3F97];
	s0 =	simm.s32 @p0 $0x1  }
0x13: {  	[smem:$0x3FB2] =	sst s0;
	s0 =	simm.s32 @!p1 $0x0  }
0x14: {  	s2 =	sld [smem:$0x3F96];
	s0 =	simm.s32 @p1 $0x1  }
0x15: {  	[smem:$0x3FB3] =	sst s0;
	s0 =	simm.s32 @!p2 $0x0  }
0x16: {  	s3 =	sld [smem:$0x3FDB];
	s0 =	simm.s32 @p2 $0x1  }
0x17: {  	s4 =	simm.s32 $0x1BF5;
	[smem:$0x3FB5] =	sst s0  }
0x18: {  	s0 =	sld [smem:$0x3F98];
	_ =	swait.ge [sflag:s4], $0x0  }
0x19: {  	s7 =	sld [smem:$0x3F99]  }
0x1a: {  	s8 =	sadd.s32 $0xFFFFE003, lr  }
0x1b: {  	s9 =	sadd.s32 $0xFFFFFEF7, lr;
	s5 =	simm.s32 $0xFFFFFFFF;
	p2 =	slt.u32 s8, $0xFFFFF086  }
0x1c: {  	p1 =	slt.u32 s9, $0xF7A;
	s5 =	simm.s32 @!p2 $0x0  }
0x1d: {  	s5 =	simm.s32 @p1 $0x1;
	p0 =	seq.s32 s7, s2  }
0x1e: {  	s7 =	smul.u32 @!p0 $0xF7A, s2;
	p2 =	seq.s32 @!p0 s5, $0x0  }
0x1f: {  	s9 =	smul.u32 $0xF7A, s1;
	s8 =	simm.s32 @!p0 $0x1BF5;
	p2 =	por !p2, p0  }
0x20: {  	[sflag:s8] =	ssyncset.s32 @!p0 $0xFFFFF086;
	s6 =	sadd.s32 @!p0 s3, s7;
	s7 =	simm.s32 @!p0 $0x108  }
0x21: {  	s3 =	sadd.s32 s3, s9;
	s6 =	sadd.s32 @!p0 $0x88, s6;
	s7 =	simm.s32 @p2 $0x1082  }
0x22: {  	[simem:s7], [sflag:s8] =	dma.local @!p0 [hbm:s6], $0xF7A  }
0x23: {  	s9 =	sor.u32 $0xD0000000, s2;
	s6 =	simm.s32 $0x108;
	_ =	swait.ge @!p0 [sflag:s8], $0x0  }
0x24: {  	s3 =	sadd.s32 $0x88, s3;
	s6 =	simm.s32 @!p1 $0x1082;
	[sflag:s4] =	ssyncset.s32 $0xFFFFF086  }
0x25: {  	[simem:s6], [sflag:s4] =	dma.local [hbm:s3], $0xF7A  }
0x26: {  	[smem:$0x3F99] =	sst s1;
	(tag) =	ssettag s2;
	_ =	strace s9  }
0x27: {  	s1 =	sld [smem:$0x3FA9]  }
0x28: {  	s2 =	sld [smem:$0x3FAA]  }
0x29: {  	s4 =	sld [smem:$0x3FAC]  }
0x2a: {  	p0 =	seq.s32 s5, $0x0;
	s5 =	sld [smem:$0x3FAD]  }
0x2b: {  	s6 =	sld [smem:$0x3FAE]  }
0x2c: {  	s7 =	sld [smem:$0x3FAF]  }
0x2d: {  	s3 =	simm.s32 $0x108;
	s8 =	sld [smem:$0x3FB0]  }
0x2e: {  	s3 =	simm.s32 @!p0 $0x1082;
	s9 =	sld [smem:$0x3FB1]  }
0x2f: {  	lr =	sadd.s32 s0, s3;
	s0 =	sld [smem:$0x3FA8]  }
0x30: {  	s3 =	sld [smem:$0x3FAB]  }
0x31: {  	[smem:$0x3FB4] =	sst s10  }
0x32: {  	s10 =	sld [smem:$0x3FB2];
	_ =	sdelay $0x3  }
0x33: {  	p0 =	seq.s32 s10, $0x1;
	s10 =	sld [smem:$0x3FB4];
	_ =	sdelay $0x3  }
0x34: {  	[smem:$0x3FB4] =	sst s10  }
0x35: {  	s10 =	sld [smem:$0x3FB3];
	_ =	sdelay $0x3  }
0x36: {  	p1 =	seq.s32 s10, $0x1;
	s10 =	sld [smem:$0x3FB4];
	_ =	sdelay $0x3  }
0x37: {  	[smem:$0x3FB4] =	sst s10  }
0x38: {  	s10 =	sld [smem:$0x3FB5]  }
0x39: {  	_ = 	snop;
	(pc) =	sbr.ind lr, $3  }
0x3a: {  	_ = 	snop  }
0x3b: {  	_ = 	snop  }
0x3c: {  	p2 =	seq.s32 s10, $0x1;
	s10 =	sld [smem:$0x3FB4]  }
0x3d: {  	_ =	shalt  }
0x3e: {  	_ =	shalt  }
0x3f: {  	_ =	shalt  }
0x40: {  	_ =	shalt  }
0x41: {  	_ =	shalt  }
0x42: {  	_ =	shalt  }
0x43: {  	_ =	shalt  }
0x44: {  	_ =	shalt  }
0x45: {  	_ =	shalt  }
0x46: {  	_ =	shalt  }
0x47: {  	_ =	shalt  }
0x48: {  	_ =	shalt  }
0x49: {  	_ =	shalt  }
0x4a: {  	_ =	shalt  }
0x4b: {  	_ =	shalt  }
0x4c: {  	_ =	shalt  }
0x4d: {  	_ =	shalt  }
0x4e: {  	_ =	shalt  }
0x4f: {  	_ =	shalt  }
0x50: {  	_ =	shalt  }
0x51: {  	_ =	shalt  }
0x52: {  	_ =	shalt  }
0x53: {  	_ =	shalt  }
0x54: {  	_ =	shalt  }
0x55: {  	_ =	shalt  }
0x56: {  	_ =	shalt  }
0x57: {  	_ =	shalt  }
0x58: {  	_ =	shalt  }
0x59: {  	_ =	shalt  }
0x5a: {  	_ =	shalt  }
0x5b: {  	_ =	shalt  }
0x5c: {  	_ =	shalt  }
0x5d: {  	_ =	shalt  }
0x5e: {  	_ =	shalt  }
0x5f: {  	_ =	shalt  }
0x60: {  	_ =	shalt  }
0x61: {  	_ =	shalt  }
0x62: {  	_ =	shalt  }
0x63: {  	_ =	shalt  }
0x64: {  	_ =	shalt  }
0x65: {  	_ =	shalt  }
0x66: {  	_ =	shalt  }
0x67: {  	_ =	shalt  }
0x68: {  	_ =	shalt  }
0x69: {  	_ =	shalt  }
0x6a: {  	_ =	shalt  }
0x6b: {  	_ =	shalt  }
0x6c: {  	_ =	shalt  }
0x6d: {  	_ =	shalt  }
0x6e: {  	_ =	shalt  }
0x6f: {  	_ =	shalt  }
0x70: {  	_ =	shalt  }
0x71: {  	_ =	shalt  }
0x72: {  	_ =	shalt  }
0x73: {  	_ =	shalt  }
0x74: {  	_ =	shalt  }
0x75: {  	_ =	shalt  }
0x76: {  	_ =	shalt  }
0x77: {  	_ =	shalt  }
0x78: {  	_ =	shalt  }
0x79: {  	_ =	shalt  }
0x7a: {  	_ =	shalt  }
0x7b: {  	_ =	shalt  }
0x7c: {  	_ =	shalt  }
0x7d: {  	_ =	shalt  }
0x7e: {  	_ =	shalt  }
0x7f: {  	_ =	shalt  }
0x80: {  	_ =	shalt  }
0x81: {  	_ =	shalt  }
0x82: {  	_ =	shalt  }
0x83: {  	_ =	shalt  }
0x84: {  	_ =	shalt  }
0x85: {  	_ =	shalt  }
0x86: {  	_ =	shalt  }
0x87: {  	_ =	shalt  }
.Lfunc_end0:
.L_simem_size_0:
called_computation.1_lowered:
.L_overlay_start_0:
0x88: {  	s2 =	sld [smem:$0x3FD9]  }
0x89: {  	s3 =	sld [smem:$0x3FFE];
	_ =	sdelay $0x1  }
0x8a: {  	s1 =	srdreg.scid  }
0x8b: {  	s0 =	sand.u32 $0x1, s1  }
0x8c: {  	s16 =	sshll.u32 s0, $0xA;
	s2 =	sadd.s32 s3, s2  }
0x8d: {  	s2 =	sadd.s32 s2, s16  }
0x8e: {  	[smem:$0x3FC0] =	sst s2  }
0x8f: {  	_ = 	snop  }
0x90: {  	(tm) =	ssettm $0x1  }
0x91: {  	s17 =	sld [smem:$0x3FFB];
	_ =	sdelay $0x3  }
0x92: {  	_ =	strace s17  }
0x93: {  	s2 =	sld [smem:$0x3FFC];
	_ =	sdelay $0x3  }
0x94: {  	_ =	strace s2  }
0x95: {  	s2 =	sld [smem:$0x3FFD];
	_ =	sdelay $0x3  }
0x96: {  	_ =	strace s2  }
0x97: {  	_ =	strace $0x8FFFFFFF  }
0x98: {  	s18 =	sld [smem:$0x3FDB];
	_ =	sdelay $0x1  }
0x99: {  	s19 =	simm.s32 $_scs_section_size  }
0x9a: {  	s4 =	simm.s32 $_size__tile_overlayer_lowered;
	s5 =	simm.s32 $_tile_overlayer_lowered  }
0x9b: {  	s22 =	simm.s32 $0x1BFF;
	s21 =	sshll.u32 s5, $0x1;
	s2 =	sadd.s32 s19, s18  }
0x9c: {  	s6 =	simm.s32 $0x0;
	s20 =	sshll.u32 s4, $0x1;
	s4 =	sadd.s32 s21, s2  }
0x9d: {  	[timem:s6], [sflag:s22] =	dma.local [hbm:s4], s20  }
0x9e: {  	_ =	swait.ge [sflag:s22], s20  }
0x9f: {  	s3 =	ssub.s32 $0x0, s20;
	[sflag:s22] =	ssyncset.done $0x0  }
0xa0: {  	[sflag:s22] =	ssyncadd.s32 s3;
	_ =	sdelay $0x1  }
0xa1: {  	s23 =	simm.s32 $0x1B8B  }
0xa2: {  	_ =	swait.ge [sflag:s23], $0x1  }
0xa3: {  	[sflag:s23] =	ssyncset.done $0x0  }
0xa4: {  	s25 =	simm.s32 $0x1B8E;
	s24 =	sld [smem:$0x3FFE];
	[sflag:s23] =	ssyncadd.s32 $0xFFFFFFFF  }
0xa5: {  	s26 =	simm.s32 $execute0_lowered;
	[smem:$0x3FD2] =	sst s25  }
0xa6: {  	s4 =	sshll.u32 s26, $0x1;
	_ =	strace $0x80000049;
	[dreg:$0x1] =	wrdreg $0xFFFFFFFF  }
0xa7: {  	s28 =	simm.s32 $_size_execute0_lowered;
	s2 =	sadd.s32 s2, s4;
	[dreg:$0x0] =	wrdreg $0x0  }
0xa8: {  	s4 =	sshll.u32 s28, $0x1;
	[dreg:$0x2] =	wrdreg s2  }
0xa9: {  	[dreg:$0x3] =	wrdreg s4  }
0xaa: {  	[dreg:$0x4] =	wrdreg $0xC0  }
0xab: {  	_ =	task [dreg:s6], $0x5FFFF  }
0xac: {  	[dreg:$0x1] =	wrdreg $0xFFFFFFFF  }
0xad: {  	[dreg:$0x0] =	wrdreg $0x60  }
0xae: {  	[dreg:$0x2] =	wrdreg s24  }
0xaf: {  	[dreg:$0x3] =	wrdreg $0x62200  }
0xb0: {  	[dreg:$0x4] =	wrdreg $0x9  }
0xb1: {  	_ =	task.clear_ibuf [dreg:s6], $0x5FFFF;
	_ =	strace $0x90000049  }
0xb2: {  	s29 =	simm.s32 $0x9;
	_ =	strace $0x8000004B  }
0xb3: {  	_ =	swait.ge [sflag:s29], $0x1  }
0xb4: {  	[sflag:s29] =	ssyncadd.s32 $0xFFFFFFFF  }
0xb5: {  	_ =	strace $0x9000004B  }
0xb6: {  	_ =	sfence  }
0xb7: {  	s30 =	sld [smem:$0x0];
	_ =	sdelay $0x2  }
0xb8: {  	s31 =	sshll.u32 s1, $0xD;
	s1 =	sshrl.u32 s1, $0x2  }
0xb9: {  	s3 =	sand.u32 $0x4000, s31;
	s1 =	sadd.s32 s1, s30  }
0xba: {  	s0 =	sor.u32 s3, s0;
	s1 =	sshll.u32 s1, $0x11  }
0xbb: {  	s0 =	sor.u32 s1, s0  }
0xbc: {  	s0 =	sadd.s32 $0x8F2B, s0  }
0xbd: {  	[sflag:s0] =	ssyncadd.remote.s32 $0x1  }
0xbe: {  	_ =	sfence.sel $0xFFFF  }
0xbf: {  	[dreg:$0x0] =	wrdreg $0xFFFFFFFF;
	(pc) =	sbr.abs _section_cstart, $3  }
0xc0: {  	[dreg:$0x1] =	wrdreg $0xFFFFFFFF  }
0xc1: {  	_ =	task.clear_ibuf [dreg:s6], $0x2FFFF;
	_ =	strace $0x9FFFFFFF  }
0xc2: {  	(tm) =	ssettm $0x7FFFFFFF  }
0xc3: {  	_ =	shalt  }
tec
execute0_lowered:
.L_overlay_start_1:
0x0: {  	(tag) =	ssettag $0x1  }
0x1: {  	s0 =	rddreg [dreg:$0x0];
	s1 =	srdreg.scid  }
0x2: {  	s2 =	rddreg [dreg:$0x1];
	s16 =	stileid.u32  }
0x3: {  	s3 =	simm.s32 $0x0;
	s13 =	simm.s32 $0x2710;
	s14 =	simm.s32 $0x50  }
0x4: {  	s15 =	simm.s32 $0x4E20;
	s17 =	simm.s32 $0x5320;
	s28 =	simm.s32 $0x2  }
0x5: {  	s30 =	simm.s32 $0x5;
	s29 =	simm.s32 $0x4;
	s5 =	smul.u32 $0x2800, s16  }
0x6: {  	s31 =	simm.s32 $0x0;
	s1 =	sand.u32 $0x1, s1;
	s22 =	smul.u32 $0x14000, s16  }
0x7: {  	[smem:$0x7FF] =	sst s3;
	s10 =	sadd.s32 $0x2DC00, s0;
	s12 =	smul.u32 $0xA000, s16  }
0x8: {  	p0 =	seq.s32 s16, $0xF;
	s4 =	sshll.u32 s1, $0x4;
	_ =	strace $0x8000004A  }
0x9: {  	s8 =	ssub.s32 $0x2, s1;
	s1 =	smul.u32 $0x138800, s1;
	s4 =	sor.u32 s16, s4  }
0xa: {  	s7 =	sshrl.u32 s5, $0x3;
	s9 =	sshrl.u32 s8, $0x1;
	s5 =	sadd.s32 s5, s2  }
0xb: {  	s26 =	sshrl.u32 s12, $0x2;
	s12 =	simm.s32 $0xA;
	s16 =	sshll.u32 @!p0 s16, $0x6  }
0xc: {  	s6 =	smul.u32 $0x4E2, s4;
	s4 =	sadd.s32 $0x15200, s0;
	s7 =	sadd.s32 s7, s0  }
0xd: {  	s11 =	ssub.s32 s8, s9;
	s24 =	sadd.s32 s22, s1;
	s1 =	sshrl.u32 s1, $0x3  }
0xe: {  	s19 =	sor.u32 @!p0 $0x1C09, s16;
	s20 =	sshrl.u32 @!p0 s5, $0x3;
	s22 =	simm.s32 $0x5820  }
0xf: {  	s23 =	sadd.s32 $0x28C00, s7;
	s25 =	sshrl.u32 s24, $0x3;
	s1 =	sadd.s32 s10, s1  }
0x10: {  	s11 =	smax.u32 s11, $0x1;
	s24 =	simm.s32 $0x5D20;
	s6 =	sadd.s32 s6, s0  }
0x11: {  	[dreg:$0x5] =	wrdreg s23;
	s0 =	sadd.s32 $0x2D700, s0;
	s9 =	sadd.s32 s10, s25  }
0x12: {  	s10 =	sadd.s32 $0x25800, s1;
	s1 =	simm.s32 $0x7;
	s23 =	simm.s32 $0x8  }
0x13: {  	s21 =	sadd.s32 $0xB400, s6;
	s6 =	sadd.s32 $0x1600, s6;
	[dreg:$0x6] =	wrdreg s0  }
0x14: {  	s0 =	sadd.s32 s26, s2;
	s26 =	simm.s32 $0x1;
	[dreg:$0x3] =	wrdreg s21  }
0x15: {  	[dreg:$0x4] =	wrdreg s6;
	s6 =	sadd.s32 $0x25800, s2;
	s25 =	sshrl.u32 @!p0 s0, $0x3  }
0x16: {  	s0 =	simm.s32 $0x6;
	s21 =	simm.s32 $0x3;
	s18 =	sshrl.u32 @p0 s6, $0x3  }
.LBB2_1:
0x17: {  	s5 =	rddreg [dreg:$0x3]  }
0x18: {  	[tilespmem:s3], [sflag:$0xA] =	stream.linear.gather [hbm4b:s5+s3], $0x2710, $0x38;
	[tilespmem:$0x8930] =	vst v63  }
0x19: {  	_ =	swait.ge [sflag:s12], $0x2710  }
0x1a: {  	[sflag:s12] =	ssyncset.done $0x0  }
0x1b: {  	s6 =	rddreg [dreg:$0x4];
	[sflag:s12] =	ssyncadd.s32 $0xFFFFD8F0  }
0x1c: {  	[tilespmem:s13], [sflag:$0xA] =	stream.linear.gather [hbm4b:s6+s3], $0x2710, $0x38;
	[tilespmem:$0x8930] =	vst v63  }
0x1d: {  	_ =	swait.ge [sflag:s12], $0x2710  }
0x1e: {  	[sflag:s12] =	ssyncset.done $0x0  }
0x1f: {  	[sflag:s12] =	ssyncadd.s32 $0xFFFFD8F0  }
0x20: {  	[tilespmem:s15], [sflag:$0x1] =	stream.indirect.gather [hbm4b:s4+s14], $0x10, s3, s14, $0xb8;
	[tilespmem:$0x8930] =	vst v63  }
0x21: {  	s5 =	simm.s32 @p0 $0x1FC9;
	s6 =	rddreg [dreg:$0x6]  }
0x22: {  	[tilespmem:s17], [sflag:$0x2] =	stream.indirect.gather [hbm4b:s4+s14], $0x10, s14, s14, $0xb8;
	[tilespmem:$0x8930] =	vst v63  }
0x23: {  	[spmem:s18], [sflag:s5] =	dma.local @p0 [hbm:s6], $0x320  }
0x24: {  	s5 =	simm.s32 @p0 $0x9  }
0x25: {  	_ =	swait.ge @p0 [sflag:s5], $0x320  }
0x26: {  	[sflag:s5] =	ssyncset.done @p0 $0x0  }
0x27: {  	[sflag:s5] =	ssyncadd.s32 @p0 $0xFFFFFCE0;
	s5 =	rddreg [dreg:$0x5]  }
0x28: {  	[spmem:s20], [sflag:s19] =	dma.local @!p0 [hbm:s5], $0x500  }
0x29: {  	s5 =	simm.s32 @!p0 $0x9  }
0x2a: {  	_ =	swait.ge @!p0 [sflag:s5], $0x500  }
0x2b: {  	[sflag:s5] =	ssyncset.done @!p0 $0x0  }
0x2c: {  	[sflag:s5] =	ssyncadd.s32 @!p0 $0xFFFFFB00  }
0x2d: {  	s7 =	simm.s32 $0xA0;
	[bflag:$0x0] =	sbarrier.arrive $0xFFFF  }
0x2e: {  	[tilespmem:s22], [sflag:$0x3] =	stream.indirect.gather [hbm4b:s4+s14], $0x10, s7, s14, $0xb8;
	[tilespmem:$0x8930] =	vst v63  }
0x2f: {  	s8 =	simm.s32 $0xF0  }
0x30: {  	[tilespmem:s24], [sflag:$0x4] =	stream.indirect.gather [hbm4b:s4+s14], $0x10, s8, s14, $0xb8;
	[tilespmem:$0x8930] =	vst v63  }
0x31: {  	_ =	swait.ge [sflag:s26], $0x500  }
0x32: {  	[sflag:s26] =	ssyncset.done $0x0  }
0x33: {  	[sflag:s26] =	ssyncadd.s32 $0xFFFFFB00  }
0x34: {  	[spmem:s2] =	stream.indirect.scatter.add.f32 [tilespmem:s15], [sflag:$0x5], $0x10, s13, s14, $0xb8;
	[tilespmem:$0x8930] =	vst v63  }
0x35: {  	_ =	swait.ge [sflag:s28], $0x500  }
0x36: {  	[sflag:s28] =	ssyncset.done $0x0  }
0x37: {  	s6 =	simm.s32 $0x2760;
	[sflag:s28] =	ssyncadd.s32 $0xFFFFFB00  }
0x38: {  	[spmem:s2] =	stream.indirect.scatter.add.f32 [tilespmem:s17], [sflag:$0x6], $0x10, s6, s14, $0xb8;
	[tilespmem:$0x8930] =	vst v63  }
0x39: {  	_ =	swait.ge [sflag:s30], $0x500  }
0x3a: {  	[sflag:s30] =	ssyncset.done $0x0  }
0x3b: {  	s7 =	simm.s32 $0x140;
	[sflag:s30] =	ssyncadd.s32 $0xFFFFFB00  }
0x3c: {  	[tilespmem:s15], [sflag:$0x1] =	stream.indirect.gather [hbm4b:s4+s14], $0x10, s7, s14, $0xb8;
	[tilespmem:$0x8930] =	vst v63  }
0x3d: {  	_ =	swait.ge [sflag:s0], $0x500  }
0x3e: {  	[sflag:s0] =	ssyncset.done $0x0  }
0x3f: {  	s8 =	simm.s32 $0x190;
	[sflag:s0] =	ssyncadd.s32 $0xFFFFFB00  }
0x40: {  	[tilespmem:s17], [sflag:$0x2] =	stream.indirect.gather [hbm4b:s4+s14], $0x10, s8, s14, $0xb8;
	[tilespmem:$0x8930] =	vst v63  }
0x41: {  	_ =	swait.ge [sflag:s21], $0x500  }
0x42: {  	[sflag:s21] =	ssyncset.done $0x0  }
0x43: {  	s6 =	simm.s32 $0x27B0;
	[sflag:s21] =	ssyncadd.s32 $0xFFFFFB00  }
0x44: {  	[spmem:s2] =	stream.indirect.scatter.add.f32 [tilespmem:s22], [sflag:$0x7], $0x10, s6, s14, $0xb8;
	[tilespmem:$0x8930] =	vst v63  }
0x45: {  	_ =	swait.ge [sflag:s29], $0x500  }
0x46: {  	[sflag:s29] =	ssyncset.done $0x0  }
0x47: {  	s7 =	simm.s32 $0x2800;
	[sflag:s29] =	ssyncadd.s32 $0xFFFFFB00  }
0x48: {  	[spmem:s2] =	stream.indirect.scatter.add.f32 [tilespmem:s24], [sflag:$0x8], $0x10, s7, s14, $0xb8;
	[tilespmem:$0x8930] =	vst v63  }
0x49: {  	_ =	swait.ge [sflag:s1], $0x500  }
0x4a: {  	[sflag:s1] =	ssyncset.done $0x0  }
0x4b: {  	s8 =	simm.s32 $0x1E0;
	[sflag:s1] =	ssyncadd.s32 $0xFFFFFB00  }
0x4c: {  	[tilespmem:s22], [sflag:$0x3] =	stream.indirect.gather [hbm4b:s4+s14], $0x10, s8, s14, $0xb8;
	[tilespmem:$0x8930] =	vst v63  }
0x4d: {  	_ =	swait.ge [sflag:s23], $0x500  }
0x4e: {  	[sflag:s23] =	ssyncset.done $0x0  }
0x4f: {  	s6 =	simm.s32 $0x230;
	[sflag:s23] =	ssyncadd.s32 $0xFFFFFB00  }
0x50: {  	[tilespmem:s24], [sflag:$0x4] =	stream.indirect.gather [hbm4b:s4+s14], $0x10, s6, s14, $0xb8;
	[tilespmem:$0x8930] =	vst v63  }
0x51: {  	_ =	swait.ge [sflag:s26], $0x500  }
0x52: {  	[sflag:s26] =	ssyncset.done $0x0  }
0x53: {  	s7 =	simm.s32 $0x2850;
	[sflag:s26] =	ssyncadd.s32 $0xFFFFFB00  }
0x54: {  	[spmem:s2] =	stream.indirect.scatter.add.f32 [tilespmem:s15], [sflag:$0x5], $0x10, s7, s14, $0xb8;
	[tilespmem:$0x8930] =	vst v63  }
0x55: {  	_ =	swait.ge [sflag:s28], $0x500  }
0x56: {  	[sflag:s28] =	ssyncset.done $0x0  }
0x57: {  	s8 =	simm.s32 $0x28A0;
	[sflag:s28] =	ssyncadd.s32 $0xFFFFFB00  }
0x58: {  	[spmem:s2] =	stream.indirect.scatter.add.f32 [tilespmem:s17], [sflag:$0x6], $0x10, s8, s14, $0xb8;
	[tilespmem:$0x8930] =	vst v63  }
0x59: {  	_ =	swait.ge [sflag:s30], $0x500  }
0x5a: {  	[sflag:s30] =	ssyncset.done $0x0  }
0x5b: {  	s6 =	simm.s32 $0x280;
	[sflag:s30] =	ssyncadd.s32 $0xFFFFFB00  }
0x5c: {  	[tilespmem:s15], [sflag:$0x1] =	stream.indirect.gather [hbm4b:s4+s14], $0x10, s6, s14, $0xb8;
	[tilespmem:$0x8930] =	vst v63  }
0x5d: {  	_ =	swait.ge [sflag:s0], $0x500  }
0x5e: {  	[sflag:s0] =	ssyncset.done $0x0  }
0x5f: {  	s7 =	simm.s32 $0x2D0;
	[sflag:s0] =	ssyncadd.s32 $0xFFFFFB00  }
0x60: {  	[tilespmem:s17], [sflag:$0x2] =	stream.indirect.gather [hbm4b:s4+s14], $0x10, s7, s14, $0xb8;
	[tilespmem:$0x8930] =	vst v63  }
0x61: {  	_ =	swait.ge [sflag:s21], $0x500  }
0x62: {  	[sflag:s21] =	ssyncset.done $0x0  }
0x63: {  	s8 =	simm.s32 $0x28F0;
	[sflag:s21] =	ssyncadd.s32 $0xFFFFFB00  }
0x64: {  	[spmem:s2] =	stream.indirect.scatter.add.f32 [tilespmem:s22], [sflag:$0x7], $0x10, s8, s14, $0xb8;
	[tilespmem:$0x8930] =	vst v63  }
0x65: {  	_ =	swait.ge [sflag:s29], $0x500  }
0x66: {  	[sflag:s29] =	ssyncset.done $0x0  }
0x67: {  	s5 =	simm.s32 $0x500;
	s6 =	simm.s32 $0x2940;
	[sflag:s29] =	ssyncadd.s32 $0xFFFFFB00  }
.LBB2_2:
0x68: {  	[spmem:s2] =	stream.indirect.scatter.add.f32 [tilespmem:s24], [sflag:$0x8], $0x10, s6, s14, $0xb8;
	[tilespmem:$0x8930] =	vst v63  }
0x69: {  	s6 =	smov.u32 s5;
	s5 =	sadd.s32 $0x500, s5;
	_ =	swait.ge [sflag:s1], $0x500  }
0x6a: {  	s6 =	sshra.s32 s6, $0x2;
	p1 =	sne.s32 s5, $0x9100;
	[sflag:s1] =	ssyncset.done $0x0  }
0x6b: {  	s7 =	sadd.s32 $0x1E0, s6;
	[sflag:s1] =	ssyncadd.s32 $0xFFFFFB00  }
0x6c: {  	[tilespmem:s22], [sflag:$0x3] =	stream.indirect.gather [hbm4b:s4+s14], $0x10, s7, s14, $0xb8;
	[tilespmem:$0x8930] =	vst v63  }
0x6d: {  	_ =	swait.ge [sflag:s23], $0x500  }
0x6e: {  	[sflag:s23] =	ssyncset.done $0x0  }
0x6f: {  	s7 =	sadd.s32 $0x230, s6;
	[sflag:s23] =	ssyncadd.s32 $0xFFFFFB00  }
0x70: {  	[tilespmem:s24], [sflag:$0x4] =	stream.indirect.gather [hbm4b:s4+s14], $0x10, s7, s14, $0xb8;
	[tilespmem:$0x8930] =	vst v63  }
0x71: {  	_ =	swait.ge [sflag:s26], $0x500  }
0x72: {  	[sflag:s26] =	ssyncset.done $0x0  }
0x73: {  	s7 =	sadd.s32 $0x2850, s6;
	[sflag:s26] =	ssyncadd.s32 $0xFFFFFB00  }
0x74: {  	[spmem:s2] =	stream.indirect.scatter.add.f32 [tilespmem:s15], [sflag:$0x5], $0x10, s7, s14, $0xb8;
	[tilespmem:$0x8930] =	vst v63  }
0x75: {  	_ =	swait.ge [sflag:s28], $0x500  }
0x76: {  	[sflag:s28] =	ssyncset.done $0x0  }
0x77: {  	s7 =	sadd.s32 $0x28A0, s6;
	[sflag:s28] =	ssyncadd.s32 $0xFFFFFB00  }
0x78: {  	[spmem:s2] =	stream.indirect.scatter.add.f32 [tilespmem:s17], [sflag:$0x6], $0x10, s7, s14, $0xb8;
	[tilespmem:$0x8930] =	vst v63  }
0x79: {  	_ =	swait.ge [sflag:s30], $0x500  }
0x7a: {  	[sflag:s30] =	ssyncset.done $0x0  }
0x7b: {  	s7 =	sadd.s32 $0x280, s6;
	[sflag:s30] =	ssyncadd.s32 $0xFFFFFB00  }
0x7c: {  	[tilespmem:s15], [sflag:$0x1] =	stream.indirect.gather [hbm4b:s4+s14], $0x10, s7, s14, $0xb8;
	[tilespmem:$0x8930] =	vst v63  }
0x7d: {  	_ =	swait.ge [sflag:s0], $0x500  }
0x7e: {  	[sflag:s0] =	ssyncset.done $0x0  }
0x7f: {  	s7 =	sadd.s32 $0x2D0, s6;
	[sflag:s0] =	ssyncadd.s32 $0xFFFFFB00  }
0x80: {  	[tilespmem:s17], [sflag:$0x2] =	stream.indirect.gather [hbm4b:s4+s14], $0x10, s7, s14, $0xb8;
	[tilespmem:$0x8930] =	vst v63  }
0x81: {  	_ =	swait.ge [sflag:s21], $0x500  }
0x82: {  	[sflag:s21] =	ssyncset.done $0x0  }
.Ltmp0:
0x83: {  	s7 =	sadd.s32 $0x28F0, s6;
	[sflag:s21] =	ssyncadd.s32 $0xFFFFFB00;
	(pc) =	sbr.rel @p1 .LBB2_2-.Ltmp0, $4  }
0x84: {  	[spmem:s2] =	stream.indirect.scatter.add.f32 [tilespmem:s22], [sflag:$0x7], $0x10, s7, s14, $0xb8;
	[tilespmem:$0x8930] =	vst v63  }
0x85: {  	_ =	swait.ge [sflag:s29], $0x500  }
0x86: {  	[sflag:s29] =	ssyncset.done $0x0  }
0x87: {  	s6 =	sadd.s32 $0x2940, s6;
	[sflag:s29] =	ssyncadd.s32 $0xFFFFFB00  }
0x88: {  	[spmem:s2] =	stream.indirect.scatter.add.f32 [tilespmem:s24], [sflag:$0x8], $0x10, s6, s14, $0xb8;
	[tilespmem:$0x8930] =	vst v63  }
0x89: {  	_ =	swait.ge [sflag:s1], $0x500  }
0x8a: {  	s5 =	sshra.s32 s5, $0x2;
	[sflag:s1] =	ssyncset.done $0x0  }
0x8b: {  	s8 =	sadd.s32 $0x1E0, s5;
	[sflag:s1] =	ssyncadd.s32 $0xFFFFFB00  }
0x8c: {  	[tilespmem:s22], [sflag:$0x3] =	stream.indirect.gather [hbm4b:s4+s14], $0x10, s8, s14, $0xb8;
	[tilespmem:$0x8930] =	vst v63  }
0x8d: {  	_ =	swait.ge [sflag:s23], $0x500  }
0x8e: {  	[sflag:s23] =	ssyncset.done $0x0  }
0x8f: {  	s7 =	sadd.s32 $0x230, s5;
	[sflag:s23] =	ssyncadd.s32 $0xFFFFFB00  }
0x90: {  	[tilespmem:s24], [sflag:$0x4] =	stream.indirect.gather [hbm4b:s4+s14], $0x10, s7, s14, $0xb8;
	[tilespmem:$0x8930] =	vst v63  }
0x91: {  	_ =	swait.ge [sflag:s26], $0x500  }
0x92: {  	[sflag:s26] =	ssyncset.done $0x0  }
0x93: {  	s8 =	sadd.s32 $0x2850, s5;
	[sflag:s26] =	ssyncadd.s32 $0xFFFFFB00  }
0x94: {  	[spmem:s2] =	stream.indirect.scatter.add.f32 [tilespmem:s15], [sflag:$0x5], $0x10, s8, s14, $0xb8;
	[tilespmem:$0x8930] =	vst v63  }
0x95: {  	_ =	swait.ge [sflag:s28], $0x500  }
0x96: {  	[sflag:s28] =	ssyncset.done $0x0  }
0x97: {  	s7 =	sadd.s32 $0x28A0, s5;
	[sflag:s28] =	ssyncadd.s32 $0xFFFFFB00  }
0x98: {  	[spmem:s2] =	stream.indirect.scatter.add.f32 [tilespmem:s17], [sflag:$0x6], $0x10, s7, s14, $0xb8;
	[tilespmem:$0x8930] =	vst v63  }
0x99: {  	_ =	swait.ge [sflag:s30], $0x500  }
0x9a: {  	[sflag:s30] =	ssyncset.done $0x0  }
0x9b: {  	s8 =	sadd.s32 $0x280, s5;
	[sflag:s30] =	ssyncadd.s32 $0xFFFFFB00  }
0x9c: {  	[tilespmem:s15], [sflag:$0x1] =	stream.indirect.gather [hbm4b:s4+s14], $0x10, s8, s14, $0xb8;
	[tilespmem:$0x8930] =	vst v63  }
0x9d: {  	_ =	swait.ge [sflag:s21], $0x500  }
0x9e: {  	[sflag:s21] =	ssyncset.done $0x0  }
0x9f: {  	s7 =	sadd.s32 $0x28F0, s5;
	[sflag:s21] =	ssyncadd.s32 $0xFFFFFB00  }
0xa0: {  	[spmem:s2] =	stream.indirect.scatter.add.f32 [tilespmem:s22], [sflag:$0x7], $0x10, s7, s14, $0xb8;
	[tilespmem:$0x8930] =	vst v63  }
0xa1: {  	_ =	swait.ge [sflag:s29], $0x500  }
0xa2: {  	[sflag:s29] =	ssyncset.done $0x0  }
0xa3: {  	s5 =	sadd.s32 $0x2940, s5;
	[sflag:s29] =	ssyncadd.s32 $0xFFFFFB00  }
0xa4: {  	[spmem:s2] =	stream.indirect.scatter.add.f32 [tilespmem:s24], [sflag:$0x8], $0x10, s5, s14, $0xb8;
	[tilespmem:$0x8930] =	vst v63  }
0xa5: {  	_ =	swait.ge [sflag:s26], $0x500  }
0xa6: {  	[sflag:s26] =	ssyncset.done $0x0  }
0xa7: {  	s8 =	simm.s32 $0x4DD0;
	[sflag:s26] =	ssyncadd.s32 $0xFFFFFB00  }
0xa8: {  	[spmem:s2] =	stream.indirect.scatter.add.f32 [tilespmem:s15], [sflag:$0x5], $0x10, s8, s14, $0xb8;
	[tilespmem:$0x8930] =	vst v63  }
0xa9: {  	_ =	swait.ge [sflag:s0], $0x500  }
0xaa: {  	[sflag:s0] =	ssyncset.done $0x0  }
0xab: {  	[sflag:s0] =	ssyncadd.s32 $0xFFFFFB00  }
0xac: {  	_ =	swait.ge [sflag:s1], $0x500  }
0xad: {  	[sflag:s1] =	ssyncset.done $0x0  }
0xae: {  	[sflag:s1] =	ssyncadd.s32 $0xFFFFFB00  }
0xaf: {  	_ =	swait.ge [sflag:s23], $0x500  }
0xb0: {  	[sflag:s23] =	ssyncset.done $0x0  }
0xb1: {  	[sflag:s23] =	ssyncadd.s32 $0xFFFFFB00  }
0xb2: {  	_ =	swait.ge [sflag:s30], $0x500  }
0xb3: {  	[sflag:s30] =	ssyncset.done $0x0  }
0xb4: {  	s6 =	simm.s32 @p0 $0x10;
	s7 =	simm.s32 @p0 $0x2;
	[sflag:s30] =	ssyncadd.s32 $0xFFFFFB00  }
0xb5: {  	s5 =	simm.s32 @p0 $0x1;
	s8 =	simm.s32 @p0 $0x1FCA;
	[bflag:$0x0] =	sbarrier.arrive $0xFFFF  }
0xb6: {  	[hbm:s10@s6], [sflag:s8] =	dma.strided @p0 [spmem:s18@s7], $0x320, s5, $0x2   }
0xb7: {  	s31 =	sadd.s32 $0x1, s31;
	s5 =	simm.s32 @p0 $0xA  }
0xb8: {  	p1 =	sne.s32 s31, s11;
	_ =	swait.ge @p0 [sflag:s5], $0x320  }
0xb9: {  	s6 =	simm.s32 @!p0 $0x1;
	s7 =	simm.s32 @!p0 $0x10;
	[sflag:s5] =	ssyncset.done @p0 $0x0  }
0xba: {  	s8 =	simm.s32 @!p0 $0x2;
	[sflag:s5] =	ssyncadd.s32 @p0 $0xFFFFFCE0;
	s5 =	sor.u32 @!p0 $0x1C0A, s16  }
0xbb: {  	[hbm:s9@s7], [sflag:s5] =	dma.strided @!p0 [spmem:s25@s8], $0x500, s6, $0x2   }
.Ltmp1:
0xbc: {  	_ = 	snop;
	(pc) =	sbr.rel @p1 .LBB2_1-.Ltmp1, $4  }
0xbd: {  	s5 =	simm.s32 @!p0 $0xA  }
0xbe: {  	_ =	swait.ge @!p0 [sflag:s5], $0x500  }
0xbf: {  	[sflag:s5] =	ssyncset.done @!p0 $0x0  }
0xc0: {  	[sflag:s5] =	ssyncadd.s32 @!p0 $0xFFFFFB00  }
0xc1: {  	_ =	sfence.sel $0x180000  }
0xc2: {  	[bflag:$0x0] =	sbarrier.arrive $0xFFFF  }
0xc3: {  	_ =	strace $0x9000004A  }
0xc4: {  	s0 =	stileid.u32;
	[bflag:$0x2] =	sbarrier.arrive $0xFFFF  }
0xc5: {  	p0 =	sne.s32 s0, $0x0;
	s0 =	rddreg [dreg:$0x2]  }
0xc6: {  	s0 =	sadd.s32 @!p0 $0x100000, s0  }
0xc7: {  	[sflag:s0] =	ssyncadd.tile.s32 @!p0 $0x1;
	_ =	shalt  }
.Lfunc_end2:
_tile_overlayer_lowered:
.L_overlay_start_2:
0xc8: {  	(tag) =	ssettag $0x2  }
0xc9: {  	s0 =	rddreg [dreg:$0x0];
	s2 =	stileid.u32  }
0xca: {  	s1 =	rddreg [dreg:$0x1];
	p0 =	sne.s32 s2, $0x0  }
0xcb: {  	s3 =	rddreg [dreg:$0x2];
	[bflag:$0x3] =	sbarrier.arrive $0xFFFF;
	s2 =	simm.s32 @!p0 $0x1C0A  }
0xcc: {  	[timem:s3], [sflag:s2] =	dma.local @!p0 [hbm:s0], s1  }
0xcd: {  	s0 =	simm.s32 @!p0 $0xA  }
0xce: {  	_ =	swait.ge @!p0 [sflag:s0], s1  }
0xcf: {  	s1 =	ssub.s32 @!p0 $0x0, s1;
	[sflag:s0] =	ssyncset.done @!p0 $0x0  }
0xd0: {  	[sflag:s0] =	ssyncadd.s32 @!p0 s1  }
0xd1: {  	[bflag:$0x3] =	sbarrier.arrive $0xFFFF  }
0xd2: {  	_ =	shalt  }

// kernel: kernel.7.cloned.1.call-start
scs
__scs_entry_jumppad:
0x0: {  	(pc) =	sbr.rel $0x88, $3  }
0x1: {  	(tag) =	ssettag $0x0;
	lr =	simm.s32 $0x1  }
0x2: {  	[smem:$0x3F99] =	sst lr;
	_ =	strace $0xD0000000  }
0x3: {  	_ = 	snop  }
0x4: {  	_ = 	snop  }
0x5: {  	_ = 	snop  }
0x6: {  	_ = 	snop  }
0x7: {  	_ = 	snop  }
__scs_overlays_trampoline_lowered:
0x8: {  	[smem:$0x3FA8] =	sst s0  }
0x9: {  	[smem:$0x3FA9] =	sst s1  }
0xa: {  	[smem:$0x3FAA] =	sst s2  }
0xb: {  	[smem:$0x3FAB] =	sst s3  }
0xc: {  	[smem:$0x3FAC] =	sst s4  }
0xd: {  	[smem:$0x3FAD] =	sst s5  }
0xe: {  	[smem:$0x3FAE] =	sst s6  }
0xf: {  	[smem:$0x3FAF] =	sst s7  }
0x10: {  	[smem:$0x3FB0] =	sst s8  }
0x11: {  	[smem:$0x3FB1] =	sst s9;
	s0 =	simm.s32 @!p0 $0x0  }
0x12: {  	s1 =	sld [smem:$0x3F97];
	s0 =	simm.s32 @p0 $0x1  }
0x13: {  	[smem:$0x3FB2] =	sst s0;
	s0 =	simm.s32 @!p1 $0x0  }
0x14: {  	s2 =	sld [smem:$0x3F96];
	s0 =	simm.s32 @p1 $0x1  }
0x15: {  	[smem:$0x3FB3] =	sst s0;
	s0 =	simm.s32 @!p2 $0x0  }
0x16: {  	s3 =	sld [smem:$0x3FDB];
	s0 =	simm.s32 @p2 $0x1  }
0x17: {  	s4 =	simm.s32 $0x1BF5;
	[smem:$0x3FB5] =	sst s0  }
0x18: {  	s0 =	sld [smem:$0x3F98];
	_ =	swait.ge [sflag:s4], $0x0  }
0x19: {  	s7 =	sld [smem:$0x3F99]  }
0x1a: {  	s8 =	sadd.s32 $0xFFFFE003, lr  }
0x1b: {  	s9 =	sadd.s32 $0xFFFFFEF7, lr;
	s5 =	simm.s32 $0xFFFFFFFF;
	p2 =	slt.u32 s8, $0xFFFFF086  }
0x1c: {  	p1 =	slt.u32 s9, $0xF7A;
	s5 =	simm.s32 @!p2 $0x0  }
0x1d: {  	s5 =	simm.s32 @p1 $0x1;
	p0 =	seq.s32 s7, s2  }
0x1e: {  	s7 =	smul.u32 @!p0 $0xF7A, s2;
	p2 =	seq.s32 @!p0 s5, $0x0  }
0x1f: {  	s9 =	smul.u32 $0xF7A, s1;
	s8 =	simm.s32 @!p0 $0x1BF5;
	p2 =	por !p2, p0  }
0x20: {  	[sflag:s8] =	ssyncset.s32 @!p0 $0xFFFFF086;
	s6 =	sadd.s32 @!p0 s3, s7;
	s7 =	simm.s32 @!p0 $0x108  }
0x21: {  	s3 =	sadd.s32 s3, s9;
	s6 =	sadd.s32 @!p0 $0x88, s6;
	s7 =	simm.s32 @p2 $0x1082  }
0x22: {  	[simem:s7], [sflag:s8] =	dma.local @!p0 [hbm:s6], $0xF7A  }
0x23: {  	s9 =	sor.u32 $0xD0000000, s2;
	s6 =	simm.s32 $0x108;
	_ =	swait.ge @!p0 [sflag:s8], $0x0  }
0x24: {  	s3 =	sadd.s32 $0x88, s3;
	s6 =	simm.s32 @!p1 $0x1082;
	[sflag:s4] =	ssyncset.s32 $0xFFFFF086  }
0x25: {  	[simem:s6], [sflag:s4] =	dma.local [hbm:s3], $0xF7A  }
0x26: {  	[smem:$0x3F99] =	sst s1;
	(tag) =	ssettag s2;
	_ =	strace s9  }
0x27: {  	s1 =	sld [smem:$0x3FA9]  }
0x28: {  	s2 =	sld [smem:$0x3FAA]  }
0x29: {  	s4 =	sld [smem:$0x3FAC]  }
0x2a: {  	p0 =	seq.s32 s5, $0x0;
	s5 =	sld [smem:$0x3FAD]  }
0x2b: {  	s6 =	sld [smem:$0x3FAE]  }
0x2c: {  	s7 =	sld [smem:$0x3FAF]  }
0x2d: {  	s3 =	simm.s32 $0x108;
	s8 =	sld [smem:$0x3FB0]  }
0x2e: {  	s3 =	simm.s32 @!p0 $0x1082;
	s9 =	sld [smem:$0x3FB1]  }
0x2f: {  	lr =	sadd.s32 s0, s3;
	s0 =	sld [smem:$0x3FA8]  }
0x30: {  	s3 =	sld [smem:$0x3FAB]  }
0x31: {  	[smem:$0x3FB4] =	sst s10  }
0x32: {  	s10 =	sld [smem:$0x3FB2];
	_ =	sdelay $0x3  }
0x33: {  	p0 =	seq.s32 s10, $0x1;
	s10 =	sld [smem:$0x3FB4];
	_ =	sdelay $0x3  }
0x34: {  	[smem:$0x3FB4] =	sst s10  }
0x35: {  	s10 =	sld [smem:$0x3FB3];
	_ =	sdelay $0x3  }
0x36: {  	p1 =	seq.s32 s10, $0x1;
	s10 =	sld [smem:$0x3FB4];
	_ =	sdelay $0x3  }
0x37: {  	[smem:$0x3FB4] =	sst s10  }
0x38: {  	s10 =	sld [smem:$0x3FB5]  }
0x39: {  	_ = 	snop;
	(pc) =	sbr.ind lr, $3  }
0x3a: {  	_ = 	snop  }
0x3b: {  	_ = 	snop  }
0x3c: {  	p2 =	seq.s32 s10, $0x1;
	s10 =	sld [smem:$0x3FB4]  }
0x3d: {  	_ =	shalt  }
0x3e: {  	_ =	shalt  }
0x3f: {  	_ =	shalt  }
0x40: {  	_ =	shalt  }
0x41: {  	_ =	shalt  }
0x42: {  	_ =	shalt  }
0x43: {  	_ =	shalt  }
0x44: {  	_ =	shalt  }
0x45: {  	_ =	shalt  }
0x46: {  	_ =	shalt  }
0x47: {  	_ =	shalt  }
0x48: {  	_ =	shalt  }
0x49: {  	_ =	shalt  }
0x4a: {  	_ =	shalt  }
0x4b: {  	_ =	shalt  }
0x4c: {  	_ =	shalt  }
0x4d: {  	_ =	shalt  }
0x4e: {  	_ =	shalt  }
0x4f: {  	_ =	shalt  }
0x50: {  	_ =	shalt  }
0x51: {  	_ =	shalt  }
0x52: {  	_ =	shalt  }
0x53: {  	_ =	shalt  }
0x54: {  	_ =	shalt  }
0x55: {  	_ =	shalt  }
0x56: {  	_ =	shalt  }
0x57: {  	_ =	shalt  }
0x58: {  	_ =	shalt  }
0x59: {  	_ =	shalt  }
0x5a: {  	_ =	shalt  }
0x5b: {  	_ =	shalt  }
0x5c: {  	_ =	shalt  }
0x5d: {  	_ =	shalt  }
0x5e: {  	_ =	shalt  }
0x5f: {  	_ =	shalt  }
0x60: {  	_ =	shalt  }
0x61: {  	_ =	shalt  }
0x62: {  	_ =	shalt  }
0x63: {  	_ =	shalt  }
0x64: {  	_ =	shalt  }
0x65: {  	_ =	shalt  }
0x66: {  	_ =	shalt  }
0x67: {  	_ =	shalt  }
0x68: {  	_ =	shalt  }
0x69: {  	_ =	shalt  }
0x6a: {  	_ =	shalt  }
0x6b: {  	_ =	shalt  }
0x6c: {  	_ =	shalt  }
0x6d: {  	_ =	shalt  }
0x6e: {  	_ =	shalt  }
0x6f: {  	_ =	shalt  }
0x70: {  	_ =	shalt  }
0x71: {  	_ =	shalt  }
0x72: {  	_ =	shalt  }
0x73: {  	_ =	shalt  }
0x74: {  	_ =	shalt  }
0x75: {  	_ =	shalt  }
0x76: {  	_ =	shalt  }
0x77: {  	_ =	shalt  }
0x78: {  	_ =	shalt  }
0x79: {  	_ =	shalt  }
0x7a: {  	_ =	shalt  }
0x7b: {  	_ =	shalt  }
0x7c: {  	_ =	shalt  }
0x7d: {  	_ =	shalt  }
0x7e: {  	_ =	shalt  }
0x7f: {  	_ =	shalt  }
0x80: {  	_ =	shalt  }
0x81: {  	_ =	shalt  }
0x82: {  	_ =	shalt  }
0x83: {  	_ =	shalt  }
0x84: {  	_ =	shalt  }
0x85: {  	_ =	shalt  }
0x86: {  	_ =	shalt  }
0x87: {  	_ =	shalt  }
.Lfunc_end0:
.L_simem_size_0:
called_computation_lowered:
.L_overlay_start_0:
0x88: {  	s2 =	sld [smem:$0x3FD9]  }
0x89: {  	s3 =	sld [smem:$0x3FFE];
	_ =	sdelay $0x1  }
0x8a: {  	s1 =	srdreg.scid  }
0x8b: {  	s0 =	sand.u32 $0x1, s1  }
0x8c: {  	s17 =	sshll.u32 s0, $0xA;
	s2 =	sadd.s32 s3, s2  }
0x8d: {  	s2 =	sadd.s32 s2, s17  }
0x8e: {  	[smem:$0x3FC0] =	sst s2  }
0x8f: {  	_ = 	snop  }
0x90: {  	s2 =	sld [smem:$0x3FD0];
	(tm) =	ssettm $0x1  }
0x91: {  	s18 =	sld [smem:$0x3FFB];
	_ =	sdelay $0x3  }
0x92: {  	_ =	strace s18  }
0x93: {  	s3 =	sld [smem:$0x3FFC];
	_ =	sdelay $0x3  }
0x94: {  	_ =	strace s3  }
0x95: {  	s3 =	sld [smem:$0x3FFD];
	_ =	sdelay $0x3  }
0x96: {  	_ =	strace s3  }
0x97: {  	_ =	strace $0x8FFFFFFF  }
0x98: {  	s19 =	sld [smem:$0x3FDB];
	_ =	sdelay $0x1  }
0x99: {  	s4 =	simm.s32 $_scs_section_size  }
0x9a: {  	s5 =	simm.s32 $_size__tile_overlayer_lowered;
	s6 =	simm.s32 $_tile_overlayer_lowered  }
0x9b: {  	s22 =	simm.s32 $0x1BFF;
	s21 =	sshll.u32 s6, $0x1;
	s3 =	sadd.s32 s4, s19  }
0x9c: {  	s7 =	simm.s32 $0x0;
	s20 =	sshll.u32 s5, $0x1;
	s5 =	sadd.s32 s21, s3  }
0x9d: {  	[timem:s7], [sflag:s22] =	dma.local [hbm:s5], s20  }
0x9e: {  	_ =	swait.ge [sflag:s22], s20  }
0x9f: {  	s4 =	ssub.s32 $0x0, s20;
	[sflag:s22] =	ssyncset.done $0x0  }
0xa0: {  	[sflag:s22] =	ssyncadd.s32 s4;
	_ =	sdelay $0x1  }
0xa1: {  	s23 =	simm.s32 $0x1B8B  }
0xa2: {  	_ =	swait.ge [sflag:s23], $0x1  }
0xa3: {  	[sflag:s23] =	ssyncset.done $0x0  }
0xa4: {  	s25 =	simm.s32 $0x1B8E;
	s24 =	sld [smem:$0x3FFE];
	[sflag:s23] =	ssyncadd.s32 $0xFFFFFFFF  }
0xa5: {  	s26 =	simm.s32 $execute0_lowered;
	[smem:$0x3FD2] =	sst s25  }
0xa6: {  	s5 =	sshll.u32 s26, $0x1;
	_ =	strace $0x80000046;
	[dreg:$0x1] =	wrdreg $0xFFFFFFFF  }
0xa7: {  	s28 =	simm.s32 $_size_execute0_lowered;
	s3 =	sadd.s32 s3, s5;
	[dreg:$0x0] =	wrdreg $0x0  }
0xa8: {  	s5 =	sshll.u32 s28, $0x1;
	[dreg:$0x2] =	wrdreg s3  }
0xa9: {  	[dreg:$0x3] =	wrdreg s5  }
0xaa: {  	[dreg:$0x4] =	wrdreg $0xC0  }
0xab: {  	_ =	task [dreg:s7], $0x5FFFF  }
0xac: {  	[dreg:$0x1] =	wrdreg $0xFFFFFFFF  }
0xad: {  	[dreg:$0x0] =	wrdreg $0x60  }
0xae: {  	[dreg:$0x2] =	wrdreg s24  }
0xaf: {  	[dreg:$0x3] =	wrdreg s2  }
0xb0: {  	[dreg:$0x4] =	wrdreg $0x9E200  }
0xb1: {  	[dreg:$0x5] =	wrdreg $0x162600  }
0xb2: {  	[dreg:$0x6] =	wrdreg $0x9  }
0xb3: {  	_ =	task.clear_ibuf [dreg:s7], $0x7FFFF;
	_ =	strace $0x90000046  }
0xb4: {  	s29 =	simm.s32 $0x9;
	_ =	strace $0x80000048  }
0xb5: {  	_ =	swait.ge [sflag:s29], $0x1  }
0xb6: {  	[sflag:s29] =	ssyncadd.s32 $0xFFFFFFFF  }
0xb7: {  	_ =	strace $0x90000048  }
0xb8: {  	_ =	sfence  }
0xb9: {  	s30 =	sld [smem:$0x0];
	_ =	sdelay $0x2  }
0xba: {  	s31 =	sshll.u32 s1, $0xD;
	s1 =	sshrl.u32 s1, $0x2  }
0xbb: {  	s3 =	sand.u32 $0x4000, s31;
	s1 =	sadd.s32 s1, s30  }
0xbc: {  	s0 =	sor.u32 s3, s0;
	s1 =	sshll.u32 s1, $0x11  }
0xbd: {  	s0 =	sor.u32 s1, s0  }
0xbe: {  	s0 =	sadd.s32 $0x8F2B, s0  }
0xbf: {  	[sflag:s0] =	ssyncadd.remote.s32 $0x1  }
0xc0: {  	_ =	sfence.sel $0xFFFF  }
0xc1: {  	[dreg:$0x0] =	wrdreg $0xFFFFFFFF;
	(pc) =	sbr.abs _section_cstart, $3  }
0xc2: {  	[dreg:$0x1] =	wrdreg $0xFFFFFFFF  }
0xc3: {  	_ =	task.clear_ibuf [dreg:s7], $0x2FFFF;
	_ =	strace $0x9FFFFFFF  }
0xc4: {  	(tm) =	ssettm $0x7FFFFFFF  }
0xc5: {  	_ =	shalt  }
tec
execute0_lowered:
.L_overlay_start_1:
0x0: {  	(tag) =	ssettag $0x1  }
0x1: {  	s0 =	rddreg [dreg:$0x0]  }
0x2: {  	s6 =	rddreg [dreg:$0x1]  }
0x3: {  	s1 =	srdreg.scid;
	s2 =	rddreg [dreg:$0x2]  }
0x4: {  	s14 =	stileid.u32;
	s3 =	rddreg [dreg:$0x3]  }
0x5: {  	s29 =	simm.s32 $0x9;
	s30 =	simm.s32 $0x8A20;
	s8 =	smul.u32 $0xA000, s14  }
0x6: {  	s31 =	simm.s32 $0x1;
	s1 =	sand.u32 $0x1, s1;
	s19 =	smul.u32 $0x14000, s14  }
0x7: {  	s15 =	sadd.s32 $0x28C00, s0;
	s11 =	sadd.s32 $0x1400, s0;
	s21 =	smul.u32 $0x280, s14  }
0x8: {  	s28 =	sadd.s32 $0x41600, s0;
	s20 =	sadd.s32 $0x96000, s2;
	s23 =	smul.u32 $0x28000, s14  }
0x9: {  	p0 =	seq.s32 s14, $0xF;
	s4 =	sshll.u32 s1, $0x4;
	s18 =	smul.u32 $0x138800, s1  }
0xa: {  	s10 =	ssub.s32 $0x2, s1;
	s1 =	smul.u32 $0x2800, s1;
	s5 =	sor.u32 s14, s4  }
0xb: {  	s4 =	simm.s32 $0x0;
	s9 =	sshrl.u32 s8, $0x3;
	s12 =	sshrl.u32 s10, $0x1  }
0xc: {  	s13 =	sshrl.u32 s21, $0x3;
	s16 =	sadd.s32 s21, s3;
	s24 =	sshrl.u32 s23, $0x2  }
0xd: {  	s23 =	simm.s32 $0x6220;
	s7 =	smul.u32 $0x4E2, s5;
	[smem:$0x7FF] =	sst s4  }
0xe: {  	s5 =	sadd.s32 $0x15200, s0;
	s9 =	sadd.s32 s9, s0;
	s10 =	ssub.s32 s10, s12  }
0xf: {  	s22 =	sadd.s32 s19, s18;
	_ =	strace $0x80000047;
	[dreg:$0x7] =	wrdreg s11  }
0x10: {  	s13 =	sadd.s32 s15, s13;
	s25 =	sshrl.u32 s18, $0x3;
	[dreg:$0xb] =	wrdreg s20  }
0x11: {  	s1 =	sadd.s32 s21, s1;
	s19 =	simm.s32 $0xA;
	[dreg:$0xd] =	wrdreg s16  }
0x12: {  	s21 =	simm.s32 $0x50;
	s9 =	sadd.s32 $0x2DC00, s9;
	[dreg:$0x6] =	wrdreg s15  }
0x13: {  	[dreg:$0xe] =	wrdreg s13;
	s1 =	sshrl.u32 s1, $0x3;
	s26 =	smax.u32 s10, $0x1  }
0x14: {  	s20 =	simm.s32 $0x5;
	s10 =	simm.s32 $0x80;
	[dreg:$0xa] =	wrdreg s9  }
0x15: {  	s7 =	sadd.s32 s7, s0;
	s0 =	sadd.s32 $0x40800, s0;
	[dreg:$0x12] =	wrdreg s26  }
0x16: {  	s11 =	simm.s32 $0x0;
	s1 =	sadd.s32 s6, s1;
	[dreg:$0xc] =	wrdreg s0  }
0x17: {  	s26 =	simm.s32 $0x13A60;
	s17 =	sadd.s32 $0xB400, s7;
	[dreg:$0x11] =	wrdreg s1  }
0x18: {  	s6 =	simm.s32 $0x7;
	s7 =	sadd.s32 $0x1600, s7;
	[dreg:$0x8] =	wrdreg s17  }
0x19: {  	s0 =	sshrl.u32 s22, $0x3;
	s22 =	simm.s32 $0x4E20;
	[dreg:$0x9] =	wrdreg s7  }
0x1a: {  	s7 =	sadd.s32 s8, s2;
	s0 =	sadd.s32 s28, s0;
	s8 =	sadd.s32 s28, s25  }
0x1b: {  	s28 =	simm.s32 $0x7620;
	s25 =	simm.s32 $0x164E0;
	[dreg:$0xf] =	wrdreg s0  }
0x1c: {  	s0 =	sadd.s32 s24, s2;
	s8 =	sadd.s32 $0x25800, s8;
	[dreg:$0x5] =	wrdreg s28  }
0x1d: {  	s1 =	sshrl.u32 @!p0 s7, $0x3;
	s7 =	simm.s32 $0x3;
	[dreg:$0x10] =	wrdreg s8  }
0x1e: {  	[dreg:$0x13] =	wrdreg s1;
	s0 =	sshrl.u32 @!p0 s0, $0x3;
	s1 =	simm.s32 $0x2  }
0x1f: {  	v0 =	vimm.f32 $1.000000000e+00;
	s8 =	simm.s32 $0x4;
	[dreg:$0x14] =	wrdreg s0;
	s0 =	simm.s32 $0x8  }
.LBB2_1:
0x20: {  	s9 =	rddreg [dreg:$0x8]  }
0x21: {  	[tilespmem:s4], [sflag:$0xA] =	stream.linear.gather [hbm4b:s9+s4], $0x2710, $0x38;
	[tilespmem:$0x16760] =	vst v63  }
0x22: {  	_ =	swait.ge [sflag:s19], $0x2710  }
0x23: {  	[sflag:s19] =	ssyncset.done $0x0  }
0x24: {  	s12 =	simm.s32 $0x2710;
	s17 =	rddreg [dreg:$0x9];
	[sflag:s19] =	ssyncadd.s32 $0xFFFFD8F0  }
0x25: {  	[tilespmem:s12], [sflag:$0xA] =	stream.linear.gather [hbm4b:s17+s4], $0x2710, $0x38;
	[tilespmem:$0x16760] =	vst v63  }
0x26: {  	_ =	swait.ge [sflag:s19], $0x2710  }
0x27: {  	[sflag:s19] =	ssyncset.done $0x0  }
0x28: {  	s9 =	rddreg [dreg:$0xb];
	[sflag:s19] =	ssyncadd.s32 $0xFFFFD8F0  }
0x29: {  	[tilespmem:s22], [sflag:$0x1] =	stream.indirect.gather [hbm4b:s5+s21], $0x40, s4, s21, $0xb8;
	[tilespmem:$0x16760] =	vst v63  }
0x2a: {  	s12 =	simm.s32 @p0 $0x1FC9;
	s15 =	sshrl.u32 @p0 s9, $0x3;
	s9 =	rddreg [dreg:$0xc]  }
0x2b: {  	[tilespmem:s23], [sflag:$0x2] =	stream.indirect.gather [hbm4b:s5+s21], $0x40, s21, s21, $0xb8;
	[tilespmem:$0x16760] =	vst v63  }
0x2c: {  	[spmem:s15], [sflag:s12] =	dma.local @p0 [hbm:s9], $0xC80  }
0x2d: {  	s9 =	stileid.u32  }
0x2e: {  	s14 =	sshll.u32 @!p0 s9, $0x6;
	s13 =	rddreg [dreg:$0xa]  }
0x2f: {  	s16 =	rddreg [dreg:$0x13];
	s12 =	sor.u32 @!p0 $0x1C09, s14  }
0x30: {  	[spmem:s16], [sflag:s12] =	dma.local @!p0 [hbm:s13], $0x1400  }
0x31: {  	s12 =	rddreg [dreg:$0x6]  }
0x32: {  	[tilespmem:s26], [sflag:$0x9] =	stream.linear.gather [hbm4b:s12+s4], $0x2800, $0x38;
	[tilespmem:$0x16760] =	vst v63  }
0x33: {  	s24 =	rddreg [dreg:$0xd];
	s12 =	sshll.u32 s9, $0x6  }
0x34: {  	s28 =	rddreg [dreg:$0xe];
	s13 =	sshrl.u32 s24, $0x3;
	s18 =	sor.u32 $0x1C09, s12  }
0x35: {  	[spmem:s13], [sflag:s18] =	dma.local [hbm:s28], $0x50  }
0x36: {  	s9 =	rddreg [dreg:$0x7]  }
0x37: {  	[tilespmem:s25], [sflag:$0x9] =	stream.linear.gather [hbm4b:s9+s4], $0x280, $0x38;
	[tilespmem:$0x16760] =	vst v63  }
0x38: {  	_ =	swait.ge [sflag:s29], $0x2800  }
0x39: {  	[sflag:s29] =	ssyncset.done $0x0  }
0x3a: {  	[sflag:s29] =	ssyncadd.s32 $0xFFFFD800  }
0x3b: {  	_ =	swait.ge [sflag:s29], $0x50  }
0x3c: {  	[sflag:s29] =	ssyncset.done $0x0  }
0x3d: {  	[sflag:s29] =	ssyncadd.s32 $0xFFFFFFB0  }
0x3e: {  	_ =	swait.ge [sflag:s29], $0x280  }
0x3f: {  	[sflag:s29] =	ssyncset.done $0x0  }
0x40: {  	s16 =	simm.s32 @p0 $0x9;
	[sflag:s29] =	ssyncadd.s32 $0xFFFFFD80  }
0x41: {  	_ =	swait.ge @p0 [sflag:s16], $0xC80  }
0x42: {  	[sflag:s16] =	ssyncset.done @p0 $0x0  }
0x43: {  	[sflag:s16] =	ssyncadd.s32 @p0 $0xFFFFF380;
	s16 =	simm.s32 @!p0 $0x9  }
0x44: {  	_ =	swait.ge @!p0 [sflag:s16], $0x1400  }
0x45: {  	[sflag:s16] =	ssyncset.done @!p0 $0x0  }
0x46: {  	[sflag:s16] =	ssyncadd.s32 @!p0 $0xFFFFEC00  }
0x47: {  	s18 =	simm.s32 $0x0;
	s16 =	simm.s32 $0x0;
	[bflag:$0x0] =	sbarrier.arrive $0xFFFF  }
.LBB2_2:
0x48: {  	p1 =	sne.s32 s16, $0x0  }
0x49: {  	s17 =	simm.s32 @p1 $0x7  }
0x4a: {  	_ =	swait.ge @p1 [sflag:s17], $0x1400  }
0x4b: {  	[sflag:s17] =	ssyncset.done @p1 $0x0  }
0x4c: {  	[sflag:s17] =	ssyncadd.s32 @p1 $0xFFFFEC00;
	s17 =	sshra.s32 @p1 s16, $0x2  }
0x4d: {  	s28 =	simm.s32 @p1 $0x50;
	s24 =	simm.s32 @p1 $0x7620;
	s17 =	sadd.s32 @p1 $0xA0, s17  }
0x4e: {  	[tilespmem:s24], [sflag:$0x3] =	stream.indirect.gather @p1 [hbm4b:s5+s28], $0x40, s17, s28, $0xb8;
	[tilespmem:$0x16760] =	vst v63  }
0x4f: {  	s17 =	simm.s32 @p1 $0x8  }
0x50: {  	_ =	swait.ge @p1 [sflag:s17], $0x1400  }
0x51: {  	s24 =	simm.s32 @!p1 $0xA0;
	[sflag:s17] =	ssyncset.done @p1 $0x0  }
0x52: {  	s28 =	simm.s32 @!p1 $0x7620;
	[sflag:s17] =	ssyncadd.s32 @p1 $0xFFFFEC00;
	s17 =	simm.s32 @!p1 $0x50  }
0x53: {  	[tilespmem:s28], [sflag:$0x3] =	stream.indirect.gather @!p1 [hbm4b:s5+s17], $0x40, s24, s17, $0xb8;
	[tilespmem:$0x16760] =	vst v63  }
0x54: {  	s17 =	smov.u32 s18  }
0x55: {  	s17 =	simm.s32 @!p1 $0x0  }
0x56: {  	s28 =	sadd.s32 $0xF0, s17  }
0x57: {  	[tilespmem:s30], [sflag:$0x4] =	stream.indirect.gather [hbm4b:s5+s21], $0x40, s28, s21, $0xb8;
	[tilespmem:$0x16760] =	vst v63  }
0x58: {  	_ =	swait.ge [sflag:s31], $0x1400  }
0x59: {  	[sflag:s31] =	ssyncset.done $0x0  }
0x5a: {  	s9 =	sadd.s32 $0x2710, s17;
	[sflag:s31] =	ssyncadd.s32 $0xFFFFEC00  }
0x5b: {  	[spmem:s2] =	stream.indirect.scatter.add.f32 [tilespmem:s22], [sflag:$0x5], $0x40, s9, s21, $0xb8;
	[tilespmem:$0x16760] =	vst v63  }
0x5c: {  	v1 =	vld [tilespmem:s17+$0x2710];
	_ =	sdelay $0x7  }
0x5d: {  	[tilespmem:v1+s26+$0x0] =	vst.idx.add.f32.msk $0xffff, v0  }
0x5e: {  	v1 =	vld [tilespmem:s17+$0x2720];
	_ =	sdelay $0x7  }
0x5f: {  	[tilespmem:v1+s26+$0x0] =	vst.idx.add.f32.msk $0xffff, v0  }
0x60: {  	v1 =	vld [tilespmem:s17+$0x2730];
	_ =	sdelay $0x7  }
0x61: {  	[tilespmem:v1+s26+$0x0] =	vst.idx.add.f32.msk $0xffff, v0  }
0x62: {  	v1 =	vld [tilespmem:s17+$0x2740];
	_ =	sdelay $0x7  }
0x63: {  	[tilespmem:v1+s26+$0x0] =	vst.idx.add.f32.msk $0xffff, v0  }
0x64: {  	v1 =	vld [tilespmem:s17+$0x2750];
	_ =	sdelay $0x7  }
0x65: {  	[tilespmem:v1+s26+$0x0] =	vst.idx.add.f32.msk $0xffff, v0  }
0x66: {  	_ =	swait.ge [sflag:s1], $0x1400  }
0x67: {  	[sflag:s1] =	ssyncset.done $0x0  }
0x68: {  	s25 =	sadd.s32 $0x2760, s17;
	[sflag:s1] =	ssyncadd.s32 $0xFFFFEC00  }
0x69: {  	[spmem:s2] =	stream.indirect.scatter.add.f32 [tilespmem:s23], [sflag:$0x6], $0x40, s25, s21, $0xb8;
	[tilespmem:$0x16760] =	vst v63  }
0x6a: {  	v1 =	vld [tilespmem:s17+$0x2760];
	_ =	sdelay $0x7  }
0x6b: {  	[tilespmem:v1+s26+$0x0] =	vst.idx.add.f32.msk $0xffff, v0  }
0x6c: {  	v1 =	vld [tilespmem:s17+$0x2770];
	_ =	sdelay $0x7  }
0x6d: {  	[tilespmem:v1+s26+$0x0] =	vst.idx.add.f32.msk $0xffff, v0  }
0x6e: {  	v1 =	vld [tilespmem:s17+$0x2780];
	_ =	sdelay $0x7  }
0x6f: {  	[tilespmem:v1+s26+$0x0] =	vst.idx.add.f32.msk $0xffff, v0  }
0x70: {  	v1 =	vld [tilespmem:s17+$0x2790];
	_ =	sdelay $0x7  }
0x71: {  	[tilespmem:v1+s26+$0x0] =	vst.idx.add.f32.msk $0xffff, v0  }
0x72: {  	v1 =	vld [tilespmem:s17+$0x27A0];
	_ =	sdelay $0x7  }
0x73: {  	[tilespmem:v1+s26+$0x0] =	vst.idx.add.f32.msk $0xffff, v0  }
0x74: {  	_ =	swait.ge [sflag:s20], $0x1400  }
0x75: {  	s9 =	sshra.s32 s16, $0x2;
	[sflag:s20] =	ssyncset.done $0x0  }
0x76: {  	p2 =	seq.s32 s16, $0x9600;
	s24 =	sadd.s32 $0x140, s9;
	[sflag:s20] =	ssyncadd.s32 $0xFFFFEC00  }
0x77: {  	[tilespmem:s22], [sflag:$0x1] =	stream.indirect.gather [hbm4b:s5+s21], $0x40, s24, s21, $0xb8;
	[tilespmem:$0x16760] =	vst v63  }
0x78: {  	s24 =	simm.s32 @!p2 $0x6  }
0x79: {  	_ =	swait.ge @!p2 [sflag:s24], $0x1400  }
0x7a: {  	[sflag:s24] =	ssyncset.done @!p2 $0x0  }
0x7b: {  	[sflag:s24] =	ssyncadd.s32 @!p2 $0xFFFFEC00;
	s24 =	sshra.s32 @!p2 s16, $0x2  }
0x7c: {  	s9 =	simm.s32 @!p2 $0x6220;
	s25 =	simm.s32 @!p2 $0x50;
	s24 =	sadd.s32 @!p2 $0x190, s24  }
0x7d: {  	[tilespmem:s9], [sflag:$0x2] =	stream.indirect.gather @!p2 [hbm4b:s5+s25], $0x40, s24, s25, $0xb8;
	[tilespmem:$0x16760] =	vst v63  }
0x7e: {  	s9 =	sadd.s32 @p1 $0xA0, s18;
	_ =	swait.ge [sflag:s7], $0x1400  }
0x7f: {  	s9 =	simm.s32 @!p1 $0xA0;
	[sflag:s7] =	ssyncset.done $0x0  }
0x80: {  	s24 =	rddreg [dreg:$0x5];
	s25 =	sadd.s32 $0x2710, s9;
	[sflag:s7] =	ssyncadd.s32 $0xFFFFEC00  }
0x81: {  	[spmem:s2] =	stream.indirect.scatter.add.f32 [tilespmem:s24], [sflag:$0x7], $0x40, s25, s21, $0xb8;
	[tilespmem:$0x16760] =	vst v63  }
0x82: {  	v1 =	vld [tilespmem:s9+$0x2710];
	_ =	sdelay $0x7  }
0x83: {  	[tilespmem:v1+s26+$0x0] =	vst.idx.add.f32.msk $0xffff, v0  }
0x84: {  	v1 =	vld [tilespmem:s17+$0x27C0];
	_ =	sdelay $0x7  }
0x85: {  	[tilespmem:v1+s26+$0x0] =	vst.idx.add.f32.msk $0xffff, v0  }
0x86: {  	v1 =	vld [tilespmem:s17+$0x27D0];
	_ =	sdelay $0x7  }
0x87: {  	[tilespmem:v1+s26+$0x0] =	vst.idx.add.f32.msk $0xffff, v0  }
0x88: {  	v1 =	vld [tilespmem:s17+$0x27E0];
	_ =	sdelay $0x7  }
0x89: {  	[tilespmem:v1+s26+$0x0] =	vst.idx.add.f32.msk $0xffff, v0  }
0x8a: {  	v1 =	vld [tilespmem:s17+$0x27F0];
	_ =	sdelay $0x7  }
0x8b: {  	[tilespmem:v1+s26+$0x0] =	vst.idx.add.f32.msk $0xffff, v0  }
0x8c: {  	_ =	swait.ge [sflag:s8], $0x1400  }
0x8d: {  	[sflag:s8] =	ssyncset.done $0x0  }
0x8e: {  	s25 =	sadd.s32 $0x2710, s28;
	[sflag:s8] =	ssyncadd.s32 $0xFFFFEC00  }
0x8f: {  	[spmem:s2] =	stream.indirect.scatter.add.f32 [tilespmem:s30], [sflag:$0x8], $0x40, s25, s21, $0xb8;
	[tilespmem:$0x16760] =	vst v63  }
0x90: {  	v1 =	vld [tilespmem:s28+$0x2710];
	_ =	sdelay $0x7  }
0x91: {  	[tilespmem:v1+s26+$0x0] =	vst.idx.add.f32.msk $0xffff, v0  }
0x92: {  	v1 =	vld [tilespmem:s17+$0x2810];
	_ =	sdelay $0x7  }
0x93: {  	[tilespmem:v1+s26+$0x0] =	vst.idx.add.f32.msk $0xffff, v0  }
0x94: {  	v1 =	vld [tilespmem:s17+$0x2820];
	_ =	sdelay $0x7  }
0x95: {  	[tilespmem:v1+s26+$0x0] =	vst.idx.add.f32.msk $0xffff, v0  }
0x96: {  	v1 =	vld [tilespmem:s17+$0x2830];
	_ =	sdelay $0x7  }
0x97: {  	[tilespmem:v1+s26+$0x0] =	vst.idx.add.f32.msk $0xffff, v0  }
0x98: {  	v1 =	vld [tilespmem:s17+$0x2840];
	_ =	sdelay $0x1  }
0x99: {  	s16 =	sadd.s32 $0x500, s16  }
0x9a: {  	p1 =	sne.s32 s16, $0x9B00  }
.Ltmp0:
0x9b: {  	_ = 	snop;
	(pc) =	sbr.rel @p1 .LBB2_2-.Ltmp0, $2  }
0x9c: {  	_ =	sdelay $0x2  }
0x9d: {  	s18 =	sadd.s32 $0x140, s18;
	[tilespmem:v1+s26+$0x0] =	vst.idx.add.f32.msk $0xffff, v0  }
0x9e: {  	_ =	swait.ge [sflag:s31], $0x1400  }
0x9f: {  	[sflag:s31] =	ssyncset.done $0x0  }
0xa0: {  	s9 =	simm.s32 $0x4DD0;
	[sflag:s31] =	ssyncadd.s32 $0xFFFFEC00  }
0xa1: {  	[spmem:s2] =	stream.indirect.scatter.add.f32 [tilespmem:s22], [sflag:$0x5], $0x40, s9, s21, $0xb8;
	[tilespmem:$0x16760] =	vst v63  }
0xa2: {  	v1 =	vld [tilespmem:$0x4DD0];
	_ =	sdelay $0x7  }
0xa3: {  	[tilespmem:v1+s26+$0x0] =	vst.idx.add.f32.msk $0xffff, v0  }
0xa4: {  	v1 =	vld [tilespmem:$0x4DE0];
	_ =	sdelay $0x7  }
0xa5: {  	[tilespmem:v1+s26+$0x0] =	vst.idx.add.f32.msk $0xffff, v0  }
0xa6: {  	v1 =	vld [tilespmem:$0x4DF0];
	_ =	sdelay $0x7  }
0xa7: {  	[tilespmem:v1+s26+$0x0] =	vst.idx.add.f32.msk $0xffff, v0  }
0xa8: {  	v1 =	vld [tilespmem:$0x4E00];
	_ =	sdelay $0x7  }
0xa9: {  	[tilespmem:v1+s26+$0x0] =	vst.idx.add.f32.msk $0xffff, v0  }
0xaa: {  	v1 =	vld [tilespmem:$0x4E10];
	_ =	sdelay $0x7  }
0xab: {  	s25 =	simm.s32 $0x6;
	[tilespmem:v1+s26+$0x0] =	vst.idx.add.f32.msk $0xffff, v0  }
0xac: {  	_ =	swait.ge [sflag:s25], $0x1400  }
0xad: {  	[sflag:s25] =	ssyncset.done $0x0  }
0xae: {  	[sflag:s25] =	ssyncadd.s32 $0xFFFFEC00  }
0xaf: {  	_ =	swait.ge [sflag:s6], $0x1400  }
0xb0: {  	[sflag:s6] =	ssyncset.done $0x0  }
0xb1: {  	[sflag:s6] =	ssyncadd.s32 $0xFFFFEC00  }
0xb2: {  	_ =	swait.ge [sflag:s0], $0x1400  }
0xb3: {  	[sflag:s0] =	ssyncset.done $0x0  }
0xb4: {  	[sflag:s0] =	ssyncadd.s32 $0xFFFFEC00  }
0xb5: {  	_ =	swait.ge [sflag:s20], $0x1400  }
0xb6: {  	[sflag:s20] =	ssyncset.done $0x0  }
0xb7: {  	s25 =	simm.s32 $0x164E0;
	[sflag:s20] =	ssyncadd.s32 $0xFFFFEC00  }
0xb8: {  	[spmem:s3] =	stream.indirect.scatter.add.f32 [tilespmem:s26], [sflag:$0xA], $0x10, s25, s10, $0xb8;
	[tilespmem:$0x16760] =	vst v63  }
0xb9: {  	_ =	swait.ge [sflag:s19], $0x800  }
0xba: {  	[sflag:s19] =	ssyncset.done $0x0  }
0xbb: {  	s28 =	simm.s32 $0x16560;
	s16 =	simm.s32 $0x14260;
	[sflag:s19] =	ssyncadd.s32 $0xFFFFF800  }
0xbc: {  	[spmem:s3] =	stream.indirect.scatter.add.f32 [tilespmem:s16], [sflag:$0xA], $0x10, s28, s10, $0xb8;
	[tilespmem:$0x16760] =	vst v63  }
0xbd: {  	_ =	swait.ge [sflag:s19], $0x800  }
0xbe: {  	[sflag:s19] =	ssyncset.done $0x0  }
0xbf: {  	s17 =	simm.s32 $0x165E0;
	s18 =	simm.s32 $0x14A60;
	[sflag:s19] =	ssyncadd.s32 $0xFFFFF800  }
0xc0: {  	[spmem:s3] =	stream.indirect.scatter.add.f32 [tilespmem:s18], [sflag:$0xA], $0x10, s17, s10, $0xb8;
	[tilespmem:$0x16760] =	vst v63  }
0xc1: {  	_ =	swait.ge [sflag:s19], $0x800  }
0xc2: {  	[sflag:s19] =	ssyncset.done $0x0  }
0xc3: {  	s24 =	simm.s32 $0x16660;
	s28 =	simm.s32 $0x15260;
	[sflag:s19] =	ssyncadd.s32 $0xFFFFF800  }
0xc4: {  	[spmem:s3] =	stream.indirect.scatter.add.f32 [tilespmem:s28], [sflag:$0xA], $0x10, s24, s10, $0xb8;
	[tilespmem:$0x16760] =	vst v63  }
0xc5: {  	_ =	swait.ge [sflag:s19], $0x800  }
0xc6: {  	[sflag:s19] =	ssyncset.done $0x0  }
0xc7: {  	s16 =	simm.s32 $0x166E0;
	s17 =	simm.s32 $0x15A60;
	[sflag:s19] =	ssyncadd.s32 $0xFFFFF800  }
0xc8: {  	[spmem:s3] =	stream.indirect.scatter.add.f32 [tilespmem:s17], [sflag:$0xA], $0x10, s16, s10, $0xb8;
	[tilespmem:$0x16760] =	vst v63  }
0xc9: {  	_ =	swait.ge [sflag:s19], $0x800  }
0xca: {  	[sflag:s19] =	ssyncset.done $0x0  }
0xcb: {  	[sflag:s19] =	ssyncadd.s32 $0xFFFFF800  }
0xcc: {  	s9 =	simm.s32 @p0 $0x1;
	s18 =	simm.s32 @p0 $0x1FCA;
	[bflag:$0x0] =	sbarrier.arrive $0xFFFF  }
0xcd: {  	s16 =	simm.s32 @p0 $0x10;
	s17 =	simm.s32 @p0 $0x8;
	s24 =	rddreg [dreg:$0x10]  }
0xce: {  	[hbm:s24@s16], [sflag:s18] =	dma.strided @p0 [spmem:s15@s17], $0xC80, s9, $0x8   }
0xcf: {  	s9 =	simm.s32 @p0 $0xA  }
0xd0: {  	_ =	swait.ge @p0 [sflag:s9], $0xC80  }
0xd1: {  	s15 =	simm.s32 @!p0 $0x10;
	s17 =	rddreg [dreg:$0xf]  }
0xd2: {  	s16 =	simm.s32 @!p0 $0x8;
	[sflag:s9] =	ssyncset.done @p0 $0x0;
	s18 =	rddreg [dreg:$0x14]  }
0xd3: {  	[sflag:s9] =	ssyncadd.s32 @p0 $0xFFFFF380;
	s9 =	sor.u32 @!p0 $0x1C0A, s14;
	s14 =	simm.s32 @!p0 $0x1  }
0xd4: {  	[hbm:s17@s15], [sflag:s9] =	dma.strided @!p0 [spmem:s18@s16], $0x1400, s14, $0x8   }
0xd5: {  	s9 =	simm.s32 @!p0 $0xA  }
0xd6: {  	_ =	swait.ge @!p0 [sflag:s9], $0x1400  }
0xd7: {  	[sflag:s9] =	ssyncset.done @!p0 $0x0  }
0xd8: {  	s18 =	sor.u32 $0x1C0A, s12;
	s24 =	rddreg [dreg:$0x11];
	[sflag:s9] =	ssyncadd.s32 @!p0 $0xFFFFEC00  }
0xd9: {  	[hbm:s24], [sflag:s18] =	dma.local [spmem:s13], $0x50  }
0xda: {  	_ =	swait.ge [sflag:s19], $0x50  }
0xdb: {  	s11 =	sadd.s32 $0x1, s11;
	s28 =	rddreg [dreg:$0x12]  }
0xdc: {  	p1 =	sne.s32 s11, s28  }
.Ltmp1:
0xdd: {  	_ = 	snop;
	(pc) =	sbr.rel @p1 .LBB2_1-.Ltmp1, $3  }
0xde: {  	_ =	sdelay $0x1  }
0xdf: {  	[sflag:s19] =	ssyncset.done $0x0  }
0xe0: {  	[sflag:s19] =	ssyncadd.s32 $0xFFFFFFB0  }
0xe1: {  	_ =	sfence.sel $0x180000  }
0xe2: {  	[bflag:$0x0] =	sbarrier.arrive $0xFFFF  }
0xe3: {  	_ =	strace $0x90000047  }
0xe4: {  	s0 =	stileid.u32;
	[bflag:$0x2] =	sbarrier.arrive $0xFFFF  }
0xe5: {  	p0 =	sne.s32 s0, $0x0;
	s0 =	rddreg [dreg:$0x4]  }
0xe6: {  	s0 =	sadd.s32 @!p0 $0x100000, s0  }
0xe7: {  	[sflag:s0] =	ssyncadd.tile.s32 @!p0 $0x1;
	_ =	shalt  }
.Lfunc_end2:
_tile_overlayer_lowered:
.L_overlay_start_2:
0xe8: {  	(tag) =	ssettag $0x2  }
0xe9: {  	s0 =	rddreg [dreg:$0x0];
	s2 =	stileid.u32  }
0xea: {  	s1 =	rddreg [dreg:$0x1];
	p0 =	sne.s32 s2, $0x0  }
0xeb: {  	s3 =	rddreg [dreg:$0x2];
	[bflag:$0x3] =	sbarrier.arrive $0xFFFF;
	s2 =	simm.s32 @!p0 $0x1C0A  }
0xec: {  	[timem:s3], [sflag:s2] =	dma.local @!p0 [hbm:s0], s1  }
0xed: {  	s0 =	simm.s32 @!p0 $0xA  }
0xee: {  	_ =	swait.ge @!p0 [sflag:s0], s1  }
0xef: {  	s1 =	ssub.s32 @!p0 $0x0, s1;
	[sflag:s0] =	ssyncset.done @!p0 $0x0  }
0xf0: {  	[sflag:s0] =	ssyncadd.s32 @!p0 s1  }
0xf1: {  	[bflag:$0x3] =	sbarrier.arrive $0xFFFF  }
0xf2: {  	_ =	shalt  }

</sc_bundles>
